<compile_context>
chip_gen: v7x
topology: tpu7x:2x2x1
jax: 0.10.2.dev20260603
libtpu: 0.0.44.dev20260713+nightly
codegen_flags: <defaults>
</compile_context>

<pallas_src>
import functools

import jax
import jax.numpy as jnp
from jax import lax
from jax.experimental import pallas as pl
from jax.experimental.pallas import tpu as pltpu
from jax.experimental.pallas import tpu_sc as plsc

_L = 16


_GATHER_DNUMS = lax.GatherDimensionNumbers(
    offset_dims=(), collapsed_slice_dims=(0,), start_index_map=(0,))


def _lane_sum(v):
    for k in (8, 4, 2, 1):
        idx = lax.iota(jnp.int32, _L) ^ k
        v = v + lax.gather(v, idx.reshape(_L, 1), _GATHER_DNUMS, (1,),
                           mode=lax.GatherScatterMode.PROMISE_IN_BOUNDS)
    return v


def _rsqrt16(d):
    i = lax.bitcast_convert_type(d, jnp.int32)
    r = lax.bitcast_convert_type(jnp.int32(0x5F3759DF) - (i >> 1), jnp.float32)
    for _ in range(3):
        r = r * (1.5 - 0.5 * d * r * r)
    return r


def _fill_1d(ref, n_vec, value):
    v = jnp.full((_L,), value, jnp.float32)

    def body(k, c):
        ref[pl.ds(k * _L, _L)] = v
        return c

    lax.fori_loop(0, n_vec, body, None)


def _make_net(N, E, H, CHUNK, N_PAD, SUP, NSUP, R_TILE):
    NS = 16
    NVEC = CHUNK // _L
    mesh = plsc.VectorSubcoreMesh(core_axis_name="c", subcore_axis_name="s")

    @functools.partial(
        pl.kernel,
        mesh=mesh,
        out_type=jax.ShapeDtypeStruct((N_PAD,), jnp.float32),
        scratch_types=[
            pltpu.VMEM((CHUNK,), jnp.float32),
            pltpu.VMEM((CHUNK,), jnp.float32),
            pltpu.VMEM((CHUNK,), jnp.float32),
            pltpu.VMEM((CHUNK,), jnp.float32),
            pltpu.VMEM((R_TILE, 128), jnp.int32),
            pltpu.VMEM((R_TILE, 128), jnp.int32),
            pltpu.VMEM((3 * SUP, 128), jnp.float32),
            pltpu.VMEM((H,), jnp.float32),
            pltpu.VMEM((H,), jnp.float32),
            pltpu.VMEM((_L,), jnp.float32),
            pltpu.VMEM_SHARED((N_PAD,), jnp.float32),
            pltpu.VMEM_SHARED((N_PAD,), jnp.float32),
            pltpu.SemaphoreType.DMA,
            pltpu.SemaphoreType.DMA,
        ],
    )
    def net(x_hbm, row_hbm, col_hbm, w1_hbm, w2_hbm, b2_hbm, out_hbm,
            xw_v, dis_v, yz_v, tmp_v, idxr_v, idxc_v, vals_v,
            w1_v, w2_v, b2_v, acc_sp, yz_sp, gsem, ssem):
        c = lax.axis_index("c")
        s = lax.axis_index("s")
        base = s * CHUNK
        chunk_sl = pl.ds(base, CHUNK)

        pltpu.sync_copy(x_hbm.at[chunk_sl], xw_v)
        pltpu.sync_copy(row_hbm.at[pl.ds(s * R_TILE, R_TILE)], idxr_v)
        pltpu.sync_copy(col_hbm.at[pl.ds(s * R_TILE, R_TILE)], idxc_v)
        pltpu.sync_copy(w1_hbm, w1_v)
        pltpu.sync_copy(w2_hbm, w2_v)
        pltpu.sync_copy(b2_hbm, b2_v)
        zero16 = jnp.zeros((_L,), jnp.float32)
        alpha = zero16
        beta = zero16
        for j in range(H // _L):
            w1j = w1_v[pl.ds(j * _L, _L)]
            w2j = w2_v[pl.ds(j * _L, _L)]
            alpha = alpha + jnp.maximum(w1j, zero16) * w2j
            beta = beta + jnp.maximum(-w1j, zero16) * w2j
        alpha = _lane_sum(alpha)
        beta = _lane_sum(beta)
        b2s = b2_v[...]

        one16 = jnp.full((_L,), 1.0, jnp.float32)

        def fill_vals(i, carry):
            for j in range(128 // _L):
                vals_v[i, pl.ds(j * _L, _L)] = one16
            return carry

        lax.fori_loop(0, 3 * SUP, fill_vals, None)
        _fill_1d(tmp_v, NVEC, 1.0)
        pltpu.sync_copy(tmp_v, acc_sp.at[chunk_sl])
        plsc.subcore_barrier()

        def drain_scatters(i):
            r0 = i * SUP
            b = (i % 2) * SUP
            for j in range(SUP):
                pltpu.make_async_copy(
                    vals_v.at[b + j], acc_sp.at[idxc_v.at[r0 + j]], ssem).wait()

        def p1(i, carry):
            r0 = i * SUP
            b = (i % 2) * SUP
            for j in range(SUP):
                pltpu.async_copy(vals_v.at[b + j], acc_sp.at[idxc_v.at[r0 + j]],
                                 ssem, add=True)

            @pl.when(i > 0)
            def _():
                drain_scatters(i - 1)

            return carry

        lax.fori_loop(0, NSUP, p1, None)
        drain_scatters(NSUP - 1)
        plsc.subcore_barrier()

        pltpu.sync_copy(acc_sp.at[chunk_sl], tmp_v)

        def p2(k, carry):
            sl = pl.ds(k * _L, _L)
            r = _rsqrt16(tmp_v[sl])
            dis_v[sl] = r
            yz_v[sl] = xw_v[sl] * r
            tmp_v[sl] = zero16
            return carry

        lax.fori_loop(0, NVEC, p2, None)
        pltpu.sync_copy(yz_v, yz_sp.at[chunk_sl])
        pltpu.sync_copy(tmp_v, acc_sp.at[chunk_sl])
        plsc.subcore_barrier()

        def fire_gathers(i):
            r0 = i * SUP
            b = (i % 3) * SUP
            for j in range(SUP):
                pltpu.async_copy(yz_sp.at[idxr_v.at[r0 + j]], vals_v.at[b + j],
                                 gsem)

        def wait_gathers(i):
            r0 = i * SUP
            b = (i % 3) * SUP
            for j in range(SUP):
                pltpu.make_async_copy(
                    yz_sp.at[idxr_v.at[r0 + j]], vals_v.at[b + j], gsem).wait()

        def edge_pass(i, carry):
            r0 = i * SUP
            b = (i % 3) * SUP

            @pl.when(i + 1 < NSUP)
            def _():
                fire_gathers(i + 1)

            @pl.when(i > 0)
            def _():
                drain_scatters(i - 1)

            wait_gathers(i)
            for j in range(SUP):
                pltpu.async_copy(vals_v.at[b + j], acc_sp.at[idxc_v.at[r0 + j]],
                                 ssem, add=True)
            return carry

        fire_gathers(0)
        lax.fori_loop(0, NSUP, edge_pass, None)
        drain_scatters(NSUP - 1)
        plsc.subcore_barrier()

        pltpu.sync_copy(acc_sp.at[chunk_sl], tmp_v)

        def p4(k, carry):
            sl = pl.ds(k * _L, _L)
            s1 = dis_v[sl] * (tmp_v[sl] + yz_v[sl])
            g = alpha * jnp.maximum(s1, zero16) + beta * jnp.maximum(-s1, zero16)
            yz_v[sl] = g * dis_v[sl]
            tmp_v[sl] = zero16
            return carry

        lax.fori_loop(0, NVEC, p4, None)
        pltpu.sync_copy(yz_v, yz_sp.at[chunk_sl])
        pltpu.sync_copy(tmp_v, acc_sp.at[chunk_sl])
        plsc.subcore_barrier()

        fire_gathers(0)
        lax.fori_loop(0, NSUP, edge_pass, None)
        drain_scatters(NSUP - 1)
        plsc.subcore_barrier()

        @pl.when(c == 0)
        def _():
            pltpu.sync_copy(acc_sp.at[chunk_sl], tmp_v)

            def p6(k, carry):
                sl = pl.ds(k * _L, _L)
                u = dis_v[sl] * (tmp_v[sl] + yz_v[sl]) + b2s
                tmp_v[sl] = u - u
                return carry

            lax.fori_loop(0, NVEC, p6, None)
            pltpu.sync_copy(tmp_v, out_hbm.at[chunk_sl])

    return net


def kernel(x, edge_index, W1, b1, W2, b2):
    N = x.shape[0]
    E = edge_index.shape[1]
    H = W1.shape[1]
    NS = 16
    CHUNK = -(-N // NS)
    CHUNK = -(-CHUNK // _L) * _L
    N_PAD = NS * CHUNK
    SUP = 8
    n_rows = -(-E // 128)
    R_TILE = -(-n_rows // NS)
    NSUP = -(-R_TILE // SUP)
    R_TILE = NSUP * SUP
    n_rows_pad = NS * R_TILE
    E_PAD = n_rows_pad * 128

    row = edge_index[0]
    col = edge_index[1]
    row_p = jnp.concatenate(
        [row, jnp.zeros((E_PAD - E,), jnp.int32)]).reshape(n_rows_pad, 128)
    col_p = jnp.concatenate(
        [col, jnp.full((E_PAD - E,), N_PAD - 1, jnp.int32)]).reshape(n_rows_pad, 128)
    x_p = jnp.concatenate([x[:, 0], jnp.zeros((N_PAD - N,), jnp.float32)])
    b2_p = jnp.broadcast_to(b2.reshape(1), (_L,))

    net = _make_net(N, E, H, CHUNK, N_PAD, SUP, NSUP, R_TILE)
    out = net(x_p, row_p, col_p, W1.reshape(H), W2.reshape(H), b2_p)
    return out[:N].reshape(N, 1)

# --- scband reference (transcript-rebuilt; emitter-appended) ---
"""Pipeline reference for scband-net-33294586479042 (READ-ONLY COPY).

The authoritative reference and input builder live on the scoring server;
editing this copy changes nothing except your own understanding.
"""

import jax, jax.numpy as jnp
import numpy as np

N = 50000
E = 800000
H = 128

def setup_inputs(seed: int = 0) -> dict:
    key = jax.random.key(seed)
    k1, k2, k3, k4, k5, k6 = jax.random.split(key, 6)
    x = jax.random.normal(k1, (N, 1), dtype=jnp.float32)
    edge_index = jax.random.randint(k2, (2, E), 0, N, dtype=jnp.int32)
    W1 = jax.random.normal(k3, (1, H), dtype=jnp.float32) * (1.0 / np.sqrt(1.0))
    b1 = jnp.zeros((H,), dtype=jnp.float32)
    W2 = jax.random.normal(k4, (H, 1), dtype=jnp.float32) * (1.0 / np.sqrt(H))
    b2 = jnp.zeros((1,), dtype=jnp.float32)
    return {"x": x, "edge_index": edge_index, "W1": W1, "b1": b1, "W2": W2, "b2": b2}


def _gcn_conv(x, edge_index, W, b):
    # PyG GCNConv: add self-loops, symmetric normalization D^-1/2 (A+I) D^-1/2, then linear
    loop = jnp.arange(N, dtype=edge_index.dtype)
    row = jnp.concatenate([edge_index[0], loop])
    col = jnp.concatenate([edge_index[1], loop])
    deg = jnp.zeros((N,), dtype=x.dtype).at[col].add(jnp.ones_like(row, dtype=x.dtype))
    deg_inv_sqrt = deg ** (-0.5)
    deg_inv_sqrt = jnp.where(jnp.isinf(deg_inv_sqrt), 0.0, deg_inv_sqrt)
    norm = deg_inv_sqrt[row] * deg_inv_sqrt[col]
    h = x @ W
    msg = h[row] * norm[:, None]
    out = jnp.zeros((N, h.shape[1]), dtype=h.dtype).at[col].add(msg)
    return out + b


def reference(x, edge_index, W1, b1, W2, b2):
    h = _gcn_conv(x, edge_index, W1, b1)
    h = jax.nn.relu(h)
    # F.dropout with training=False (eval/inference) is identity
    h = _gcn_conv(h, edge_index, W2, b2)
    return jax.nn.log_softmax(h, axis=1)

if __name__ == "__main__":
    import jax
    _d = setup_inputs()
    print(jax.jit(kernel)(*tuple(_d.values())))

</pallas_src>

<mosaic_0001>
#map = affine_map<(d0, d1) -> (0)>
#map1 = affine_map<(d0, d1) -> (0, 0)>
module attributes {stable_mosaic.version = 14 : i64} {
  func.func @net(%arg0: i32, %arg1: i32, %arg2: memref<50176xf32, #tpu.memory_space<hbm>>, %arg3: memref<6272x128xi32, #tpu.memory_space<hbm>>, %arg4: memref<6272x128xi32, #tpu.memory_space<hbm>>, %arg5: memref<128xf32, #tpu.memory_space<hbm>>, %arg6: memref<128xf32, #tpu.memory_space<hbm>>, %arg7: memref<16xf32, #tpu.memory_space<hbm>>, %arg8: memref<50176xf32, #tpu.memory_space<hbm>>, %arg9: memref<3136xf32, #tpu.memory_space<vmem>>, %arg10: memref<3136xf32, #tpu.memory_space<vmem>>, %arg11: memref<3136xf32, #tpu.memory_space<vmem>>, %arg12: memref<3136xf32, #tpu.memory_space<vmem>>, %arg13: memref<392x128xi32, #tpu.memory_space<vmem>>, %arg14: memref<392x128xi32, #tpu.memory_space<vmem>>, %arg15: memref<24x128xf32, #tpu.memory_space<vmem>>, %arg16: memref<128xf32, #tpu.memory_space<vmem>>, %arg17: memref<128xf32, #tpu.memory_space<vmem>>, %arg18: memref<16xf32, #tpu.memory_space<vmem>>, %arg19: memref<50176xf32, #tpu.memory_space<vmem_shared>>, %arg20: memref<50176xf32, #tpu.memory_space<vmem_shared>>, %arg21: memref<!tpu.dma_semaphore, #tpu.memory_space<semaphore_mem>>, %arg22: memref<!tpu.dma_semaphore, #tpu.memory_space<semaphore_mem>>) attributes {dimension_semantics = [#tpu.dimension_semantics<core_parallel>, #tpu.dimension_semantics<subcore_parallel>], iteration_bounds = array<i64: 2, 16>, scalar_prefetch = 0 : i64, scratch_operands = 14 : i64, tpu.core_type = #tpu.core_type<sc_vector_subcore>, window_params = [{transform_indices = #map}, {transform_indices = #map1}, {transform_indices = #map1}, {transform_indices = #map}, {transform_indices = #map}, {transform_indices = #map}, {transform_indices = #map}]} {
    %mul3A = arith.constant 3136 : i32
    %mul3A_0 = arith.muli %arg1, %mul3A : i32
    "tpu.region"() ({
      %run_scoped3A = tpu.sem_alloc : memref<!tpu.dma_semaphore, #tpu.memory_space<semaphore_mem>>
      %dma_start3A_628 = tpu.memref_slice %arg2[%mul3A_0] : memref<50176xf32, #tpu.memory_space<hbm>> -> memref<3136xf32, #tpu.memory_space<hbm>>
      %dma_start3A_629 = tpu.memref_slice %arg2[%mul3A_0] : memref<50176xf32, #tpu.memory_space<hbm>> -> memref<3136xf32, #tpu.memory_space<hbm>>
      tpu.enqueue_dma source(%dma_start3A_629 : memref<3136xf32, #tpu.memory_space<hbm>>) target(%arg9 : memref<3136xf32, #tpu.memory_space<vmem>>) target_semaphore(%run_scoped3A : memref<!tpu.dma_semaphore, #tpu.memory_space<semaphore_mem>>)
      %dma_wait3A_630 = tpu.memref_slice %arg2[%mul3A_0] : memref<50176xf32, #tpu.memory_space<hbm>> -> memref<3136xf32, #tpu.memory_space<hbm>>
      %dma_wait3A_631 = tpu.memref_slice %arg2[%mul3A_0] : memref<50176xf32, #tpu.memory_space<hbm>> -> memref<3136xf32, #tpu.memory_space<hbm>>
      tpu.wait_dma2 semaphore(%run_scoped3A : memref<!tpu.dma_semaphore, #tpu.memory_space<semaphore_mem>>) src(%dma_wait3A_631 : memref<3136xf32, #tpu.memory_space<hbm>>) dst(%arg9 : memref<3136xf32, #tpu.memory_space<vmem>>)
      tpu.yield
    }) : () -> ()
    %mul3A_1 = arith.constant 392 : i32
    %mul3A_2 = arith.muli %arg1, %mul3A_1 : i32
    "tpu.region"() ({
      %run_scoped3A = tpu.sem_alloc : memref<!tpu.dma_semaphore, #tpu.memory_space<semaphore_mem>>
      %dma_start3A_628 = arith.constant 0 : i32
      %dma_start3A_629 = tpu.memref_slice %arg3[%mul3A_2, %dma_start3A_628] : memref<6272x128xi32, #tpu.memory_space<hbm>> -> memref<392x128xi32, #tpu.memory_space<hbm>>
      %dma_start3A_630 = arith.constant 0 : i32
      %dma_start3A_631 = tpu.memref_slice %arg3[%mul3A_2, %dma_start3A_630] : memref<6272x128xi32, #tpu.memory_space<hbm>> -> memref<392x128xi32, #tpu.memory_space<hbm>>
      tpu.enqueue_dma source(%dma_start3A_631 : memref<392x128xi32, #tpu.memory_space<hbm>>) target(%arg13 : memref<392x128xi32, #tpu.memory_space<vmem>>) target_semaphore(%run_scoped3A : memref<!tpu.dma_semaphore, #tpu.memory_space<semaphore_mem>>)
      %dma_wait3A_632 = arith.constant 0 : i32
      %dma_wait3A_633 = tpu.memref_slice %arg3[%mul3A_2, %dma_wait3A_632] : memref<6272x128xi32, #tpu.memory_space<hbm>> -> memref<392x128xi32, #tpu.memory_space<hbm>>
      %dma_wait3A_634 = arith.constant 0 : i32
      %dma_wait3A_635 = tpu.memref_slice %arg3[%mul3A_2, %dma_wait3A_634] : memref<6272x128xi32, #tpu.memory_space<hbm>> -> memref<392x128xi32, #tpu.memory_space<hbm>>
      tpu.wait_dma2 semaphore(%run_scoped3A : memref<!tpu.dma_semaphore, #tpu.memory_space<semaphore_mem>>) src(%dma_wait3A_635 : memref<392x128xi32, #tpu.memory_space<hbm>>) dst(%arg13 : memref<392x128xi32, #tpu.memory_space<vmem>>)
      tpu.yield
    }) : () -> ()
    %mul3A_3 = arith.constant 392 : i32
    %mul3A_4 = arith.muli %arg1, %mul3A_3 : i32
    "tpu.region"() ({
      %run_scoped3A = tpu.sem_alloc : memref<!tpu.dma_semaphore, #tpu.memory_space<semaphore_mem>>
      %dma_start3A_628 = arith.constant 0 : i32
      %dma_start3A_629 = tpu.memref_slice %arg4[%mul3A_4, %dma_start3A_628] : memref<6272x128xi32, #tpu.memory_space<hbm>> -> memref<392x128xi32, #tpu.memory_space<hbm>>
      %dma_start3A_630 = arith.constant 0 : i32
      %dma_start3A_631 = tpu.memref_slice %arg4[%mul3A_4, %dma_start3A_630] : memref<6272x128xi32, #tpu.memory_space<hbm>> -> memref<392x128xi32, #tpu.memory_space<hbm>>
      tpu.enqueue_dma source(%dma_start3A_631 : memref<392x128xi32, #tpu.memory_space<hbm>>) target(%arg14 : memref<392x128xi32, #tpu.memory_space<vmem>>) target_semaphore(%run_scoped3A : memref<!tpu.dma_semaphore, #tpu.memory_space<semaphore_mem>>)
      %dma_wait3A_632 = arith.constant 0 : i32
      %dma_wait3A_633 = tpu.memref_slice %arg4[%mul3A_4, %dma_wait3A_632] : memref<6272x128xi32, #tpu.memory_space<hbm>> -> memref<392x128xi32, #tpu.memory_space<hbm>>
      %dma_wait3A_634 = arith.constant 0 : i32
      %dma_wait3A_635 = tpu.memref_slice %arg4[%mul3A_4, %dma_wait3A_634] : memref<6272x128xi32, #tpu.memory_space<hbm>> -> memref<392x128xi32, #tpu.memory_space<hbm>>
      tpu.wait_dma2 semaphore(%run_scoped3A : memref<!tpu.dma_semaphore, #tpu.memory_space<semaphore_mem>>) src(%dma_wait3A_635 : memref<392x128xi32, #tpu.memory_space<hbm>>) dst(%arg14 : memref<392x128xi32, #tpu.memory_space<vmem>>)
      tpu.yield
    }) : () -> ()
    "tpu.region"() ({
      %run_scoped3A = tpu.sem_alloc : memref<!tpu.dma_semaphore, #tpu.memory_space<semaphore_mem>>
      tpu.enqueue_dma source(%arg5 : memref<128xf32, #tpu.memory_space<hbm>>) target(%arg16 : memref<128xf32, #tpu.memory_space<vmem>>) target_semaphore(%run_scoped3A : memref<!tpu.dma_semaphore, #tpu.memory_space<semaphore_mem>>)
      tpu.wait_dma2 semaphore(%run_scoped3A : memref<!tpu.dma_semaphore, #tpu.memory_space<semaphore_mem>>) src(%arg5 : memref<128xf32, #tpu.memory_space<hbm>>) dst(%arg16 : memref<128xf32, #tpu.memory_space<vmem>>)
      tpu.yield
    }) : () -> ()
    "tpu.region"() ({
      %run_scoped3A = tpu.sem_alloc : memref<!tpu.dma_semaphore, #tpu.memory_space<semaphore_mem>>
      tpu.enqueue_dma source(%arg6 : memref<128xf32, #tpu.memory_space<hbm>>) target(%arg17 : memref<128xf32, #tpu.memory_space<vmem>>) target_semaphore(%run_scoped3A : memref<!tpu.dma_semaphore, #tpu.memory_space<semaphore_mem>>)
      tpu.wait_dma2 semaphore(%run_scoped3A : memref<!tpu.dma_semaphore, #tpu.memory_space<semaphore_mem>>) src(%arg6 : memref<128xf32, #tpu.memory_space<hbm>>) dst(%arg17 : memref<128xf32, #tpu.memory_space<vmem>>)
      tpu.yield
    }) : () -> ()
    "tpu.region"() ({
      %run_scoped3A = tpu.sem_alloc : memref<!tpu.dma_semaphore, #tpu.memory_space<semaphore_mem>>
      tpu.enqueue_dma source(%arg7 : memref<16xf32, #tpu.memory_space<hbm>>) target(%arg18 : memref<16xf32, #tpu.memory_space<vmem>>) target_semaphore(%run_scoped3A : memref<!tpu.dma_semaphore, #tpu.memory_space<semaphore_mem>>)
      tpu.wait_dma2 semaphore(%run_scoped3A : memref<!tpu.dma_semaphore, #tpu.memory_space<semaphore_mem>>) src(%arg7 : memref<16xf32, #tpu.memory_space<hbm>>) dst(%arg18 : memref<16xf32, #tpu.memory_space<vmem>>)
      tpu.yield
    }) : () -> ()
    %broadcast_in_dim3A = arith.constant 0.000000e+00 : f32
    %broadcast_in_dim3A_5 = vector.broadcast %broadcast_in_dim3A : f32 to vector<16xf32>
    %get3A = arith.constant 0 : index
    %get3A_6 = tpu.vector_load %arg16[%get3A] {strides = array<i32>} : memref<128xf32, #tpu.memory_space<vmem>>, vector<16xf32>,
    %get3A_7 = vector.shape_cast %get3A_6 : vector<16xf32> to vector<16xf32>
    %get3A_8 = arith.constant 0 : index
    %get3A_9 = tpu.vector_load %arg17[%get3A_8] {strides = array<i32>} : memref<128xf32, #tpu.memory_space<vmem>>, vector<16xf32>,
    %get3A_10 = vector.shape_cast %get3A_9 : vector<16xf32> to vector<16xf32>
    %max3A = arith.maximumf %get3A_7, %broadcast_in_dim3A_5 : vector<16xf32>
    %mul3A_11 = arith.mulf %max3A, %get3A_10 : vector<16xf32>
    %add3A = arith.addf %broadcast_in_dim3A_5, %mul3A_11 : vector<16xf32>
    %neg3A = arith.constant 0.000000e+00 : f32
    %neg3A_12 = vector.broadcast %neg3A : f32 to vector<16xf32>
    %neg3A_13 = arith.subf %neg3A_12, %get3A_7 : vector<16xf32>
    %max3A_14 = arith.maximumf %neg3A_13, %broadcast_in_dim3A_5 : vector<16xf32>
    %mul3A_15 = arith.mulf %max3A_14, %get3A_10 : vector<16xf32>
    %add3A_16 = arith.addf %broadcast_in_dim3A_5, %mul3A_15 : vector<16xf32>
    %get3A_17 = arith.constant 16 : index
    %get3A_18 = tpu.vector_load %arg16[%get3A_17] {strides = array<i32>} : memref<128xf32, #tpu.memory_space<vmem>>, vector<16xf32>,
    %get3A_19 = vector.shape_cast %get3A_18 : vector<16xf32> to vector<16xf32>
    %get3A_20 = arith.constant 16 : index
    %get3A_21 = tpu.vector_load %arg17[%get3A_20] {strides = array<i32>} : memref<128xf32, #tpu.memory_space<vmem>>, vector<16xf32>,
    %get3A_22 = vector.shape_cast %get3A_21 : vector<16xf32> to vector<16xf32>
    %max3A_23 = arith.maximumf %get3A_19, %broadcast_in_dim3A_5 : vector<16xf32>
    %mul3A_24 = arith.mulf %max3A_23, %get3A_22 : vector<16xf32>
    %add3A_25 = arith.addf %add3A, %mul3A_24 : vector<16xf32>
    %neg3A_26 = arith.constant 0.000000e+00 : f32
    %neg3A_27 = vector.broadcast %neg3A_26 : f32 to vector<16xf32>
    %neg3A_28 = arith.subf %neg3A_27, %get3A_19 : vector<16xf32>
    %max3A_29 = arith.maximumf %neg3A_28, %broadcast_in_dim3A_5 : vector<16xf32>
    %mul3A_30 = arith.mulf %max3A_29, %get3A_22 : vector<16xf32>
    %add3A_31 = arith.addf %add3A_16, %mul3A_30 : vector<16xf32>
    %get3A_32 = arith.constant 32 : index
    %get3A_33 = tpu.vector_load %arg16[%get3A_32] {strides = array<i32>} : memref<128xf32, #tpu.memory_space<vmem>>, vector<16xf32>,
    %get3A_34 = vector.shape_cast %get3A_33 : vector<16xf32> to vector<16xf32>
    %get3A_35 = arith.constant 32 : index
    %get3A_36 = tpu.vector_load %arg17[%get3A_35] {strides = array<i32>} : memref<128xf32, #tpu.memory_space<vmem>>, vector<16xf32>,
    %get3A_37 = vector.shape_cast %get3A_36 : vector<16xf32> to vector<16xf32>
    %max3A_38 = arith.maximumf %get3A_34, %broadcast_in_dim3A_5 : vector<16xf32>
    %mul3A_39 = arith.mulf %max3A_38, %get3A_37 : vector<16xf32>
    %add3A_40 = arith.addf %add3A_25, %mul3A_39 : vector<16xf32>
    %neg3A_41 = arith.constant 0.000000e+00 : f32
    %neg3A_42 = vector.broadcast %neg3A_41 : f32 to vector<16xf32>
    %neg3A_43 = arith.subf %neg3A_42, %get3A_34 : vector<16xf32>
    %max3A_44 = arith.maximumf %neg3A_43, %broadcast_in_dim3A_5 : vector<16xf32>
    %mul3A_45 = arith.mulf %max3A_44, %get3A_37 : vector<16xf32>
    %add3A_46 = arith.addf %add3A_31, %mul3A_45 : vector<16xf32>
    %get3A_47 = arith.constant 48 : index
    %get3A_48 = tpu.vector_load %arg16[%get3A_47] {strides = array<i32>} : memref<128xf32, #tpu.memory_space<vmem>>, vector<16xf32>,
    %get3A_49 = vector.shape_cast %get3A_48 : vector<16xf32> to vector<16xf32>
    %get3A_50 = arith.constant 48 : index
    %get3A_51 = tpu.vector_load %arg17[%get3A_50] {strides = array<i32>} : memref<128xf32, #tpu.memory_space<vmem>>, vector<16xf32>,
    %get3A_52 = vector.shape_cast %get3A_51 : vector<16xf32> to vector<16xf32>
    %max3A_53 = arith.maximumf %get3A_49, %broadcast_in_dim3A_5 : vector<16xf32>
    %mul3A_54 = arith.mulf %max3A_53, %get3A_52 : vector<16xf32>
    %add3A_55 = arith.addf %add3A_40, %mul3A_54 : vector<16xf32>
    %neg3A_56 = arith.constant 0.000000e+00 : f32
    %neg3A_57 = vector.broadcast %neg3A_56 : f32 to vector<16xf32>
    %neg3A_58 = arith.subf %neg3A_57, %get3A_49 : vector<16xf32>
    %max3A_59 = arith.maximumf %neg3A_58, %broadcast_in_dim3A_5 : vector<16xf32>
    %mul3A_60 = arith.mulf %max3A_59, %get3A_52 : vector<16xf32>
    %add3A_61 = arith.addf %add3A_46, %mul3A_60 : vector<16xf32>
    %get3A_62 = arith.constant 64 : index
    %get3A_63 = tpu.vector_load %arg16[%get3A_62] {strides = array<i32>} : memref<128xf32, #tpu.memory_space<vmem>>, vector<16xf32>,
    %get3A_64 = vector.shape_cast %get3A_63 : vector<16xf32> to vector<16xf32>
    %get3A_65 = arith.constant 64 : index
    %get3A_66 = tpu.vector_load %arg17[%get3A_65] {strides = array<i32>} : memref<128xf32, #tpu.memory_space<vmem>>, vector<16xf32>,
    %get3A_67 = vector.shape_cast %get3A_66 : vector<16xf32> to vector<16xf32>
    %max3A_68 = arith.maximumf %get3A_64, %broadcast_in_dim3A_5 : vector<16xf32>
    %mul3A_69 = arith.mulf %max3A_68, %get3A_67 : vector<16xf32>
    %add3A_70 = arith.addf %add3A_55, %mul3A_69 : vector<16xf32>
    %neg3A_71 = arith.constant 0.000000e+00 : f32
    %neg3A_72 = vector.broadcast %neg3A_71 : f32 to vector<16xf32>
    %neg3A_73 = arith.subf %neg3A_72, %get3A_64 : vector<16xf32>
    %max3A_74 = arith.maximumf %neg3A_73, %broadcast_in_dim3A_5 : vector<16xf32>
    %mul3A_75 = arith.mulf %max3A_74, %get3A_67 : vector<16xf32>
    %add3A_76 = arith.addf %add3A_61, %mul3A_75 : vector<16xf32>
    %get3A_77 = arith.constant 80 : index
    %get3A_78 = tpu.vector_load %arg16[%get3A_77] {strides = array<i32>} : memref<128xf32, #tpu.memory_space<vmem>>, vector<16xf32>,
    %get3A_79 = vector.shape_cast %get3A_78 : vector<16xf32> to vector<16xf32>
    %get3A_80 = arith.constant 80 : index
    %get3A_81 = tpu.vector_load %arg17[%get3A_80] {strides = array<i32>} : memref<128xf32, #tpu.memory_space<vmem>>, vector<16xf32>,
    %get3A_82 = vector.shape_cast %get3A_81 : vector<16xf32> to vector<16xf32>
    %max3A_83 = arith.maximumf %get3A_79, %broadcast_in_dim3A_5 : vector<16xf32>
    %mul3A_84 = arith.mulf %max3A_83, %get3A_82 : vector<16xf32>
    %add3A_85 = arith.addf %add3A_70, %mul3A_84 : vector<16xf32>
    %neg3A_86 = arith.constant 0.000000e+00 : f32
    %neg3A_87 = vector.broadcast %neg3A_86 : f32 to vector<16xf32>
    %neg3A_88 = arith.subf %neg3A_87, %get3A_79 : vector<16xf32>
    %max3A_89 = arith.maximumf %neg3A_88, %broadcast_in_dim3A_5 : vector<16xf32>
    %mul3A_90 = arith.mulf %max3A_89, %get3A_82 : vector<16xf32>
    %add3A_91 = arith.addf %add3A_76, %mul3A_90 : vector<16xf32>
    %get3A_92 = arith.constant 96 : index
    %get3A_93 = tpu.vector_load %arg16[%get3A_92] {strides = array<i32>} : memref<128xf32, #tpu.memory_space<vmem>>, vector<16xf32>,
    %get3A_94 = vector.shape_cast %get3A_93 : vector<16xf32> to vector<16xf32>
    %get3A_95 = arith.constant 96 : index
    %get3A_96 = tpu.vector_load %arg17[%get3A_95] {strides = array<i32>} : memref<128xf32, #tpu.memory_space<vmem>>, vector<16xf32>,
    %get3A_97 = vector.shape_cast %get3A_96 : vector<16xf32> to vector<16xf32>
    %max3A_98 = arith.maximumf %get3A_94, %broadcast_in_dim3A_5 : vector<16xf32>
    %mul3A_99 = arith.mulf %max3A_98, %get3A_97 : vector<16xf32>
    %add3A_100 = arith.addf %add3A_85, %mul3A_99 : vector<16xf32>
    %neg3A_101 = arith.constant 0.000000e+00 : f32
    %neg3A_102 = vector.broadcast %neg3A_101 : f32 to vector<16xf32>
    %neg3A_103 = arith.subf %neg3A_102, %get3A_94 : vector<16xf32>
    %max3A_104 = arith.maximumf %neg3A_103, %broadcast_in_dim3A_5 : vector<16xf32>
    %mul3A_105 = arith.mulf %max3A_104, %get3A_97 : vector<16xf32>
    %add3A_106 = arith.addf %add3A_91, %mul3A_105 : vector<16xf32>
    %get3A_107 = arith.constant 112 : index
    %get3A_108 = tpu.vector_load %arg16[%get3A_107] {strides = array<i32>} : memref<128xf32, #tpu.memory_space<vmem>>, vector<16xf32>,
    %get3A_109 = vector.shape_cast %get3A_108 : vector<16xf32> to vector<16xf32>
    %get3A_110 = arith.constant 112 : index
    %get3A_111 = tpu.vector_load %arg17[%get3A_110] {strides = array<i32>} : memref<128xf32, #tpu.memory_space<vmem>>, vector<16xf32>,
    %get3A_112 = vector.shape_cast %get3A_111 : vector<16xf32> to vector<16xf32>
    %max3A_113 = arith.maximumf %get3A_109, %broadcast_in_dim3A_5 : vector<16xf32>
    %mul3A_114 = arith.mulf %max3A_113, %get3A_112 : vector<16xf32>
    %add3A_115 = arith.addf %add3A_100, %mul3A_114 : vector<16xf32>
    %neg3A_116 = arith.constant 0.000000e+00 : f32
    %neg3A_117 = vector.broadcast %neg3A_116 : f32 to vector<16xf32>
    %neg3A_118 = arith.subf %neg3A_117, %get3A_109 : vector<16xf32>
    %max3A_119 = arith.maximumf %neg3A_118, %broadcast_in_dim3A_5 : vector<16xf32>
    %mul3A_120 = arith.mulf %max3A_119, %get3A_112 : vector<16xf32>
    %add3A_121 = arith.addf %add3A_106, %mul3A_120 : vector<16xf32>
    %iota3A = tpu.iota {dimensions = array<i32: 0>} : vector<16xi32>
    %xor3A = arith.constant 8 : i32
    %xor3A_122 = vector.broadcast %xor3A : i32 to vector<16xi32>
    %xor3A_123 = arith.xori %iota3A, %xor3A_122 : vector<16xi32>
    %reshape3A = vector.shape_cast %xor3A_123 : vector<16xi32> to vector<16x1xi32>
    %gather3A = vector.shape_cast %reshape3A : vector<16x1xi32> to vector<16xi32>
    %gather3A_124 = tpu.dynamic_gather %add3A_115[%gather3A] in [0] : vector<16xf32>, vector<16xi32> -> vector<16xf32>
    %add3A_125 = arith.addf %add3A_115, %gather3A_124 : vector<16xf32>
    %iota3A_126 = tpu.iota {dimensions = array<i32: 0>} : vector<16xi32>
    %xor3A_127 = arith.constant 4 : i32
    %xor3A_128 = vector.broadcast %xor3A_127 : i32 to vector<16xi32>
    %xor3A_129 = arith.xori %iota3A_126, %xor3A_128 : vector<16xi32>
    %reshape3A_130 = vector.shape_cast %xor3A_129 : vector<16xi32> to vector<16x1xi32>
    %gather3A_131 = vector.shape_cast %reshape3A_130 : vector<16x1xi32> to vector<16xi32>
    %gather3A_132 = tpu.dynamic_gather %add3A_125[%gather3A_131] in [0] : vector<16xf32>, vector<16xi32> -> vector<16xf32>
    %add3A_133 = arith.addf %add3A_125, %gather3A_132 : vector<16xf32>
    %iota3A_134 = tpu.iota {dimensions = array<i32: 0>} : vector<16xi32>
    %xor3A_135 = arith.constant 2 : i32
    %xor3A_136 = vector.broadcast %xor3A_135 : i32 to vector<16xi32>
    %xor3A_137 = arith.xori %iota3A_134, %xor3A_136 : vector<16xi32>
    %reshape3A_138 = vector.shape_cast %xor3A_137 : vector<16xi32> to vector<16x1xi32>
    %gather3A_139 = vector.shape_cast %reshape3A_138 : vector<16x1xi32> to vector<16xi32>
    %gather3A_140 = tpu.dynamic_gather %add3A_133[%gather3A_139] in [0] : vector<16xf32>, vector<16xi32> -> vector<16xf32>
    %add3A_141 = arith.addf %add3A_133, %gather3A_140 : vector<16xf32>
    %iota3A_142 = tpu.iota {dimensions = array<i32: 0>} : vector<16xi32>
    %xor3A_143 = arith.constant 1 : i32
    %xor3A_144 = vector.broadcast %xor3A_143 : i32 to vector<16xi32>
    %xor3A_145 = arith.xori %iota3A_142, %xor3A_144 : vector<16xi32>
    %reshape3A_146 = vector.shape_cast %xor3A_145 : vector<16xi32> to vector<16x1xi32>
    %gather3A_147 = vector.shape_cast %reshape3A_146 : vector<16x1xi32> to vector<16xi32>
    %gather3A_148 = tpu.dynamic_gather %add3A_141[%gather3A_147] in [0] : vector<16xf32>, vector<16xi32> -> vector<16xf32>
    %add3A_149 = arith.addf %add3A_141, %gather3A_148 : vector<16xf32>
    %iota3A_150 = tpu.iota {dimensions = array<i32: 0>} : vector<16xi32>
    %xor3A_151 = arith.constant 8 : i32
    %xor3A_152 = vector.broadcast %xor3A_151 : i32 to vector<16xi32>
    %xor3A_153 = arith.xori %iota3A_150, %xor3A_152 : vector<16xi32>
    %reshape3A_154 = vector.shape_cast %xor3A_153 : vector<16xi32> to vector<16x1xi32>
    %gather3A_155 = vector.shape_cast %reshape3A_154 : vector<16x1xi32> to vector<16xi32>
    %gather3A_156 = tpu.dynamic_gather %add3A_121[%gather3A_155] in [0] : vector<16xf32>, vector<16xi32> -> vector<16xf32>
    %add3A_157 = arith.addf %add3A_121, %gather3A_156 : vector<16xf32>
    %iota3A_158 = tpu.iota {dimensions = array<i32: 0>} : vector<16xi32>
    %xor3A_159 = arith.constant 4 : i32
    %xor3A_160 = vector.broadcast %xor3A_159 : i32 to vector<16xi32>
    %xor3A_161 = arith.xori %iota3A_158, %xor3A_160 : vector<16xi32>
    %reshape3A_162 = vector.shape_cast %xor3A_161 : vector<16xi32> to vector<16x1xi32>
    %gather3A_163 = vector.shape_cast %reshape3A_162 : vector<16x1xi32> to vector<16xi32>
    %gather3A_164 = tpu.dynamic_gather %add3A_157[%gather3A_163] in [0] : vector<16xf32>, vector<16xi32> -> vector<16xf32>
    %add3A_165 = arith.addf %add3A_157, %gather3A_164 : vector<16xf32>
    %iota3A_166 = tpu.iota {dimensions = array<i32: 0>} : vector<16xi32>
    %xor3A_167 = arith.constant 2 : i32
    %xor3A_168 = vector.broadcast %xor3A_167 : i32 to vector<16xi32>
    %xor3A_169 = arith.xori %iota3A_166, %xor3A_168 : vector<16xi32>
    %reshape3A_170 = vector.shape_cast %xor3A_169 : vector<16xi32> to vector<16x1xi32>
    %gather3A_171 = vector.shape_cast %reshape3A_170 : vector<16x1xi32> to vector<16xi32>
    %gather3A_172 = tpu.dynamic_gather %add3A_165[%gather3A_171] in [0] : vector<16xf32>, vector<16xi32> -> vector<16xf32>
    %add3A_173 = arith.addf %add3A_165, %gather3A_172 : vector<16xf32>
    %iota3A_174 = tpu.iota {dimensions = array<i32: 0>} : vector<16xi32>
    %xor3A_175 = arith.constant 1 : i32
    %xor3A_176 = vector.broadcast %xor3A_175 : i32 to vector<16xi32>
    %xor3A_177 = arith.xori %iota3A_174, %xor3A_176 : vector<16xi32>
    %reshape3A_178 = vector.shape_cast %xor3A_177 : vector<16xi32> to vector<16x1xi32>
    %gather3A_179 = vector.shape_cast %reshape3A_178 : vector<16x1xi32> to vector<16xi32>
    %gather3A_180 = tpu.dynamic_gather %add3A_173[%gather3A_179] in [0] : vector<16xf32>, vector<16xi32> -> vector<16xf32>
    %add3A_181 = arith.addf %add3A_173, %gather3A_180 : vector<16xf32>
    %get3A_182 = arith.constant 0 : index
    %get3A_183 = tpu.vector_load %arg18[%get3A_182] {strides = array<i32>} : memref<16xf32, #tpu.memory_space<vmem>>, vector<16xf32>,
    %get3A_184 = vector.shape_cast %get3A_183 : vector<16xf32> to vector<16xf32>
    %broadcast_in_dim3A_185 = arith.constant 1.000000e+00 : f32
    %broadcast_in_dim3A_186 = vector.broadcast %broadcast_in_dim3A_185 : f32 to vector<16xf32>
    %scan3A = arith.constant 0 : i32
    %scan3A_187 = arith.constant 24 : i32
    %scan3A_188 = arith.addi %scan3A, %scan3A_187 : i32
    %scan3A_189 = arith.constant 1 : i32
    scf.for %scan3A_628 = %scan3A to %scan3A_188 step %scan3A_189  : i32 {
      %swap3A = arith.index_cast %scan3A_628 : i32 to index
      %swap3A_629 = arith.constant 0 : index
      %swap3A_630 = tpu.vector_load %arg15[%swap3A, %swap3A_629] {strides = array<i32>} : memref<24x128xf32, #tpu.memory_space<vmem>>, vector<1x16xf32>,
      %swap3A_631 = vector.shape_cast %swap3A_630 : vector<1x16xf32> to vector<16xf32>
      %swap3A_632 = vector.shape_cast %broadcast_in_dim3A_186 : vector<16xf32> to vector<1x16xf32>
      tpu.vector_store %arg15[%swap3A, %swap3A_629], %swap3A_632 {strides = array<i32>} : memref<24x128xf32, #tpu.memory_space<vmem>>, vector<1x16xf32>,
      %swap3A_633 = arith.index_cast %scan3A_628 : i32 to index
      %swap3A_634 = arith.constant 16 : index
      %swap3A_635 = tpu.vector_load %arg15[%swap3A_633, %swap3A_634] {strides = array<i32>} : memref<24x128xf32, #tpu.memory_space<vmem>>, vector<1x16xf32>,
      %swap3A_636 = vector.shape_cast %swap3A_635 : vector<1x16xf32> to vector<16xf32>
      %swap3A_637 = vector.shape_cast %broadcast_in_dim3A_186 : vector<16xf32> to vector<1x16xf32>
      tpu.vector_store %arg15[%swap3A_633, %swap3A_634], %swap3A_637 {strides = array<i32>} : memref<24x128xf32, #tpu.memory_space<vmem>>, vector<1x16xf32>,
      %swap3A_638 = arith.index_cast %scan3A_628 : i32 to index
      %swap3A_639 = arith.constant 32 : index
      %swap3A_640 = tpu.vector_load %arg15[%swap3A_638, %swap3A_639] {strides = array<i32>} : memref<24x128xf32, #tpu.memory_space<vmem>>, vector<1x16xf32>,
      %swap3A_641 = vector.shape_cast %swap3A_640 : vector<1x16xf32> to vector<16xf32>
      %swap3A_642 = vector.shape_cast %broadcast_in_dim3A_186 : vector<16xf32> to vector<1x16xf32>
      tpu.vector_store %arg15[%swap3A_638, %swap3A_639], %swap3A_642 {strides = array<i32>} : memref<24x128xf32, #tpu.memory_space<vmem>>, vector<1x16xf32>,
      %swap3A_643 = arith.index_cast %scan3A_628 : i32 to index
      %swap3A_644 = arith.constant 48 : index
      %swap3A_645 = tpu.vector_load %arg15[%swap3A_643, %swap3A_644] {strides = array<i32>} : memref<24x128xf32, #tpu.memory_space<vmem>>, vector<1x16xf32>,
      %swap3A_646 = vector.shape_cast %swap3A_645 : vector<1x16xf32> to vector<16xf32>
      %swap3A_647 = vector.shape_cast %broadcast_in_dim3A_186 : vector<16xf32> to vector<1x16xf32>
      tpu.vector_store %arg15[%swap3A_643, %swap3A_644], %swap3A_647 {strides = array<i32>} : memref<24x128xf32, #tpu.memory_space<vmem>>, vector<1x16xf32>,
      %swap3A_648 = arith.index_cast %scan3A_628 : i32 to index
      %swap3A_649 = arith.constant 64 : index
      %swap3A_650 = tpu.vector_load %arg15[%swap3A_648, %swap3A_649] {strides = array<i32>} : memref<24x128xf32, #tpu.memory_space<vmem>>, vector<1x16xf32>,
      %swap3A_651 = vector.shape_cast %swap3A_650 : vector<1x16xf32> to vector<16xf32>
      %swap3A_652 = vector.shape_cast %broadcast_in_dim3A_186 : vector<16xf32> to vector<1x16xf32>
      tpu.vector_store %arg15[%swap3A_648, %swap3A_649], %swap3A_652 {strides = array<i32>} : memref<24x128xf32, #tpu.memory_space<vmem>>, vector<1x16xf32>,
      %swap3A_653 = arith.index_cast %scan3A_628 : i32 to index
      %swap3A_654 = arith.constant 80 : index
      %swap3A_655 = tpu.vector_load %arg15[%swap3A_653, %swap3A_654] {strides = array<i32>} : memref<24x128xf32, #tpu.memory_space<vmem>>, vector<1x16xf32>,
      %swap3A_656 = vector.shape_cast %swap3A_655 : vector<1x16xf32> to vector<16xf32>
      %swap3A_657 = vector.shape_cast %broadcast_in_dim3A_186 : vector<16xf32> to vector<1x16xf32>
      tpu.vector_store %arg15[%swap3A_653, %swap3A_654], %swap3A_657 {strides = array<i32>} : memref<24x128xf32, #tpu.memory_space<vmem>>, vector<1x16xf32>,
      %swap3A_658 = arith.index_cast %scan3A_628 : i32 to index
      %swap3A_659 = arith.constant 96 : index
      %swap3A_660 = tpu.vector_load %arg15[%swap3A_658, %swap3A_659] {strides = array<i32>} : memref<24x128xf32, #tpu.memory_space<vmem>>, vector<1x16xf32>,
      %swap3A_661 = vector.shape_cast %swap3A_660 : vector<1x16xf32> to vector<16xf32>
      %swap3A_662 = vector.shape_cast %broadcast_in_dim3A_186 : vector<16xf32> to vector<1x16xf32>
      tpu.vector_store %arg15[%swap3A_658, %swap3A_659], %swap3A_662 {strides = array<i32>} : memref<24x128xf32, #tpu.memory_space<vmem>>, vector<1x16xf32>,
      %swap3A_663 = arith.index_cast %scan3A_628 : i32 to index
      %swap3A_664 = arith.constant 112 : index
      %swap3A_665 = tpu.vector_load %arg15[%swap3A_663, %swap3A_664] {strides = array<i32>} : memref<24x128xf32, #tpu.memory_space<vmem>>, vector<1x16xf32>,
      %swap3A_666 = vector.shape_cast %swap3A_665 : vector<1x16xf32> to vector<16xf32>
      %swap3A_667 = vector.shape_cast %broadcast_in_dim3A_186 : vector<16xf32> to vector<1x16xf32>
      tpu.vector_store %arg15[%swap3A_663, %swap3A_664], %swap3A_667 {strides = array<i32>} : memref<24x128xf32, #tpu.memory_space<vmem>>, vector<1x16xf32>,
    }
    %scan3A_190 = arith.constant 24 : i32
    %broadcast_in_dim3A_191 = arith.constant 1.000000e+00 : f32
    %broadcast_in_dim3A_192 = vector.broadcast %broadcast_in_dim3A_191 : f32 to vector<16xf32>
    %scan3A_193 = arith.constant 0 : i32
    %scan3A_194 = arith.constant 196 : i32
    %scan3A_195 = arith.addi %scan3A_193, %scan3A_194 : i32
    %scan3A_196 = arith.constant 1 : i32
    scf.for %scan3A_628 = %scan3A_193 to %scan3A_195 step %scan3A_196  : i32 {
      %mul3A_629 = arith.constant 16 : i32
      %mul3A_630 = arith.muli %scan3A_628, %mul3A_629 : i32
      %swap3A = arith.index_cast %mul3A_630 : i32 to index
      %swap3A_631 = tpu.vector_load %arg12[%swap3A] {strides = array<i32>} : memref<3136xf32, #tpu.memory_space<vmem>>, vector<16xf32>,
      %swap3A_632 = vector.shape_cast %swap3A_631 : vector<16xf32> to vector<16xf32>
      %swap3A_633 = vector.shape_cast %broadcast_in_dim3A_192 : vector<16xf32> to vector<16xf32>
      tpu.vector_store %arg12[%swap3A], %swap3A_633 {strides = array<i32>} : memref<3136xf32, #tpu.memory_space<vmem>>, vector<16xf32>,
    }
    %scan3A_197 = arith.constant 196 : i32
    "tpu.region"() ({
      %run_scoped3A = tpu.sem_alloc : memref<!tpu.dma_semaphore, #tpu.memory_space<semaphore_mem>>
      %dma_start3A_628 = tpu.memref_slice %arg19[%mul3A_0] : memref<50176xf32, #tpu.memory_space<vmem_shared>> -> memref<3136xf32, #tpu.memory_space<vmem_shared>>
      %dma_start3A_629 = tpu.memref_slice %arg19[%mul3A_0] : memref<50176xf32, #tpu.memory_space<vmem_shared>> -> memref<3136xf32, #tpu.memory_space<vmem_shared>>
      tpu.enqueue_dma source(%arg12 : memref<3136xf32, #tpu.memory_space<vmem>>) target(%dma_start3A_629 : memref<3136xf32, #tpu.memory_space<vmem_shared>>) target_semaphore(%run_scoped3A : memref<!tpu.dma_semaphore, #tpu.memory_space<semaphore_mem>>)
      %dma_wait3A_630 = tpu.memref_slice %arg19[%mul3A_0] : memref<50176xf32, #tpu.memory_space<vmem_shared>> -> memref<3136xf32, #tpu.memory_space<vmem_shared>>
      %dma_wait3A_631 = tpu.memref_slice %arg19[%mul3A_0] : memref<50176xf32, #tpu.memory_space<vmem_shared>> -> memref<3136xf32, #tpu.memory_space<vmem_shared>>
      tpu.wait_dma2 semaphore(%run_scoped3A : memref<!tpu.dma_semaphore, #tpu.memory_space<semaphore_mem>>) src(%arg12 : memref<3136xf32, #tpu.memory_space<vmem>>) dst(%dma_wait3A_631 : memref<3136xf32, #tpu.memory_space<vmem_shared>>)
      tpu.yield
    }) : () -> ()
    %barrier3A = arith.constant 0 : index
    tpu.barrier barrier_id(%barrier3A)
    %scan3A_198 = arith.constant 0 : i32
    %scan3A_199 = arith.constant 49 : i32
    %scan3A_200 = arith.addi %scan3A_198, %scan3A_199 : i32
    %scan3A_201 = arith.constant 1 : i32
    scf.for %scan3A_628 = %scan3A_198 to %scan3A_200 step %scan3A_201  : i32 {
      %mul3A_629 = arith.constant 8 : i32
      %mul3A_630 = arith.muli %scan3A_628, %mul3A_629 : i32
      %jit3A = arith.constant 2 : i32
      %eq3A_631 = arith.constant 0 : i32
      %eq3A_632 = arith.cmpi eq, %jit3A, %eq3A_631 : i32
      %jit3A_633 = arith.constant 1 : i32
      %select_n3A = arith.select %eq3A_632, %jit3A_633, %jit3A : i32
      %rem3A = arith.remsi %scan3A_628, %select_n3A : i32
      %ne3A = arith.constant 0 : i32
      %ne3A_634 = arith.cmpi ne, %rem3A, %ne3A : i32
      %lt3A = arith.constant 0 : i32
      %lt3A_635 = arith.cmpi slt, %rem3A, %lt3A : i32
      %lt3A_636 = arith.constant 0 : i32
      %lt3A_637 = arith.cmpi slt, %select_n3A, %lt3A_636 : i32
      %ne3A_638 = arith.xori %lt3A_635, %lt3A_637 : i1
      %and3A = arith.andi %ne3A_638, %ne3A_634 : i1
      %add3A_639 = arith.addi %rem3A, %select_n3A : i32
      %select_n3A_640 = arith.select %and3A, %add3A_639, %rem3A : i32
      %mul3A_641 = arith.constant 8 : i32
      %mul3A_642 = arith.muli %select_n3A_640, %mul3A_641 : i32
      %add3A_643 = arith.constant 0 : i32
      %add3A_644 = arith.addi %mul3A_642, %add3A_643 : i32
      %add3A_645 = arith.constant 0 : i32
      %add3A_646 = arith.addi %mul3A_630, %add3A_645 : i32
      %dma_start3A_647 = arith.constant 0 : i32
      %dma_start3A_648 = tpu.memref_slice %arg15[%add3A_644, %dma_start3A_647] : memref<24x128xf32, #tpu.memory_space<vmem>> -> memref<1x128xf32, #tpu.memory_space<vmem>>
      %dma_start3A_649 = tpu.memref_squeeze %dma_start3A_648 : memref<1x128xf32, #tpu.memory_space<vmem>> -> memref<128xf32, #tpu.memory_space<vmem>>
      %dma_start3A_650 = arith.constant 0 : i32
      %dma_start3A_651 = tpu.memref_slice %arg14[%add3A_646, %dma_start3A_650] : memref<392x128xi32, #tpu.memory_space<vmem>> -> memref<1x128xi32, #tpu.memory_space<vmem>>
      %dma_start3A_652 = tpu.memref_squeeze %dma_start3A_651 : memref<1x128xi32, #tpu.memory_space<vmem>> -> memref<128xi32, #tpu.memory_space<vmem>>
      %dma_start3A_653 = arith.constant 0 : i32
      %dma_start3A_654 = tpu.memref_slice %arg19[%dma_start3A_653] : memref<50176xf32, #tpu.memory_space<vmem_shared>> -> memref<50176xf32, #tpu.memory_space<vmem_shared>>
      tpu.enqueue_indirect_dma source(%dma_start3A_649 : memref<128xf32, #tpu.memory_space<vmem>>) target(%dma_start3A_654 : memref<50176xf32, #tpu.memory_space<vmem_shared>>) offsets(%dma_start3A_652 : memref<128xi32, #tpu.memory_space<vmem>>) semaphore(%arg22 : memref<!tpu.dma_semaphore, #tpu.memory_space<semaphore_mem>>) {add = true}
      %add3A_655 = arith.constant 1 : i32
      %add3A_656 = arith.addi %mul3A_642, %add3A_655 : i32
      %add3A_657 = arith.constant 1 : i32
      %add3A_658 = arith.addi %mul3A_630, %add3A_657 : i32
      %dma_start3A_659 = arith.constant 0 : i32
      %dma_start3A_660 = tpu.memref_slice %arg15[%add3A_656, %dma_start3A_659] : memref<24x128xf32, #tpu.memory_space<vmem>> -> memref<1x128xf32, #tpu.memory_space<vmem>>
      %dma_start3A_661 = tpu.memref_squeeze %dma_start3A_660 : memref<1x128xf32, #tpu.memory_space<vmem>> -> memref<128xf32, #tpu.memory_space<vmem>>
      %dma_start3A_662 = arith.constant 0 : i32
      %dma_start3A_663 = tpu.memref_slice %arg14[%add3A_658, %dma_start3A_662] : memref<392x128xi32, #tpu.memory_space<vmem>> -> memref<1x128xi32, #tpu.memory_space<vmem>>
      %dma_start3A_664 = tpu.memref_squeeze %dma_start3A_663 : memref<1x128xi32, #tpu.memory_space<vmem>> -> memref<128xi32, #tpu.memory_space<vmem>>
      %dma_start3A_665 = arith.constant 0 : i32
      %dma_start3A_666 = tpu.memref_slice %arg19[%dma_start3A_665] : memref<50176xf32, #tpu.memory_space<vmem_shared>> -> memref<50176xf32, #tpu.memory_space<vmem_shared>>
      tpu.enqueue_indirect_dma source(%dma_start3A_661 : memref<128xf32, #tpu.memory_space<vmem>>) target(%dma_start3A_666 : memref<50176xf32, #tpu.memory_space<vmem_shared>>) offsets(%dma_start3A_664 : memref<128xi32, #tpu.memory_space<vmem>>) semaphore(%arg22 : memref<!tpu.dma_semaphore, #tpu.memory_space<semaphore_mem>>) {add = true}
      %add3A_667 = arith.constant 2 : i32
      %add3A_668 = arith.addi %mul3A_642, %add3A_667 : i32
      %add3A_669 = arith.constant 2 : i32
      %add3A_670 = arith.addi %mul3A_630, %add3A_669 : i32
      %dma_start3A_671 = arith.constant 0 : i32
      %dma_start3A_672 = tpu.memref_slice %arg15[%add3A_668, %dma_start3A_671] : memref<24x128xf32, #tpu.memory_space<vmem>> -> memref<1x128xf32, #tpu.memory_space<vmem>>
      %dma_start3A_673 = tpu.memref_squeeze %dma_start3A_672 : memref<1x128xf32, #tpu.memory_space<vmem>> -> memref<128xf32, #tpu.memory_space<vmem>>
      %dma_start3A_674 = arith.constant 0 : i32
      %dma_start3A_675 = tpu.memref_slice %arg14[%add3A_670, %dma_start3A_674] : memref<392x128xi32, #tpu.memory_space<vmem>> -> memref<1x128xi32, #tpu.memory_space<vmem>>
      %dma_start3A_676 = tpu.memref_squeeze %dma_start3A_675 : memref<1x128xi32, #tpu.memory_space<vmem>> -> memref<128xi32, #tpu.memory_space<vmem>>
      %dma_start3A_677 = arith.constant 0 : i32
      %dma_start3A_678 = tpu.memref_slice %arg19[%dma_start3A_677] : memref<50176xf32, #tpu.memory_space<vmem_shared>> -> memref<50176xf32, #tpu.memory_space<vmem_shared>>
      tpu.enqueue_indirect_dma source(%dma_start3A_673 : memref<128xf32, #tpu.memory_space<vmem>>) target(%dma_start3A_678 : memref<50176xf32, #tpu.memory_space<vmem_shared>>) offsets(%dma_start3A_676 : memref<128xi32, #tpu.memory_space<vmem>>) semaphore(%arg22 : memref<!tpu.dma_semaphore, #tpu.memory_space<semaphore_mem>>) {add = true}
      %add3A_679 = arith.constant 3 : i32
      %add3A_680 = arith.addi %mul3A_642, %add3A_679 : i32
      %add3A_681 = arith.constant 3 : i32
      %add3A_682 = arith.addi %mul3A_630, %add3A_681 : i32
      %dma_start3A_683 = arith.constant 0 : i32
      %dma_start3A_684 = tpu.memref_slice %arg15[%add3A_680, %dma_start3A_683] : memref<24x128xf32, #tpu.memory_space<vmem>> -> memref<1x128xf32, #tpu.memory_space<vmem>>
      %dma_start3A_685 = tpu.memref_squeeze %dma_start3A_684 : memref<1x128xf32, #tpu.memory_space<vmem>> -> memref<128xf32, #tpu.memory_space<vmem>>
      %dma_start3A_686 = arith.constant 0 : i32
      %dma_start3A_687 = tpu.memref_slice %arg14[%add3A_682, %dma_start3A_686] : memref<392x128xi32, #tpu.memory_space<vmem>> -> memref<1x128xi32, #tpu.memory_space<vmem>>
      %dma_start3A_688 = tpu.memref_squeeze %dma_start3A_687 : memref<1x128xi32, #tpu.memory_space<vmem>> -> memref<128xi32, #tpu.memory_space<vmem>>
      %dma_start3A_689 = arith.constant 0 : i32
      %dma_start3A_690 = tpu.memref_slice %arg19[%dma_start3A_689] : memref<50176xf32, #tpu.memory_space<vmem_shared>> -> memref<50176xf32, #tpu.memory_space<vmem_shared>>
      tpu.enqueue_indirect_dma source(%dma_start3A_685 : memref<128xf32, #tpu.memory_space<vmem>>) target(%dma_start3A_690 : memref<50176xf32, #tpu.memory_space<vmem_shared>>) offsets(%dma_start3A_688 : memref<128xi32, #tpu.memory_space<vmem>>) semaphore(%arg22 : memref<!tpu.dma_semaphore, #tpu.memory_space<semaphore_mem>>) {add = true}
      %add3A_691 = arith.constant 4 : i32
      %add3A_692 = arith.addi %mul3A_642, %add3A_691 : i32
      %add3A_693 = arith.constant 4 : i32
      %add3A_694 = arith.addi %mul3A_630, %add3A_693 : i32
      %dma_start3A_695 = arith.constant 0 : i32
      %dma_start3A_696 = tpu.memref_slice %arg15[%add3A_692, %dma_start3A_695] : memref<24x128xf32, #tpu.memory_space<vmem>> -> memref<1x128xf32, #tpu.memory_space<vmem>>
      %dma_start3A_697 = tpu.memref_squeeze %dma_start3A_696 : memref<1x128xf32, #tpu.memory_space<vmem>> -> memref<128xf32, #tpu.memory_space<vmem>>
      %dma_start3A_698 = arith.constant 0 : i32
      %dma_start3A_699 = tpu.memref_slice %arg14[%add3A_694, %dma_start3A_698] : memref<392x128xi32, #tpu.memory_space<vmem>> -> memref<1x128xi32, #tpu.memory_space<vmem>>
      %dma_start3A_700 = tpu.memref_squeeze %dma_start3A_699 : memref<1x128xi32, #tpu.memory_space<vmem>> -> memref<128xi32, #tpu.memory_space<vmem>>
      %dma_start3A_701 = arith.constant 0 : i32
      %dma_start3A_702 = tpu.memref_slice %arg19[%dma_start3A_701] : memref<50176xf32, #tpu.memory_space<vmem_shared>> -> memref<50176xf32, #tpu.memory_space<vmem_shared>>
      tpu.enqueue_indirect_dma source(%dma_start3A_697 : memref<128xf32, #tpu.memory_space<vmem>>) target(%dma_start3A_702 : memref<50176xf32, #tpu.memory_space<vmem_shared>>) offsets(%dma_start3A_700 : memref<128xi32, #tpu.memory_space<vmem>>) semaphore(%arg22 : memref<!tpu.dma_semaphore, #tpu.memory_space<semaphore_mem>>) {add = true}
      %add3A_703 = arith.constant 5 : i32
      %add3A_704 = arith.addi %mul3A_642, %add3A_703 : i32
      %add3A_705 = arith.constant 5 : i32
      %add3A_706 = arith.addi %mul3A_630, %add3A_705 : i32
      %dma_start3A_707 = arith.constant 0 : i32
      %dma_start3A_708 = tpu.memref_slice %arg15[%add3A_704, %dma_start3A_707] : memref<24x128xf32, #tpu.memory_space<vmem>> -> memref<1x128xf32, #tpu.memory_space<vmem>>
      %dma_start3A_709 = tpu.memref_squeeze %dma_start3A_708 : memref<1x128xf32, #tpu.memory_space<vmem>> -> memref<128xf32, #tpu.memory_space<vmem>>
      %dma_start3A_710 = arith.constant 0 : i32
      %dma_start3A_711 = tpu.memref_slice %arg14[%add3A_706, %dma_start3A_710] : memref<392x128xi32, #tpu.memory_space<vmem>> -> memref<1x128xi32, #tpu.memory_space<vmem>>
      %dma_start3A_712 = tpu.memref_squeeze %dma_start3A_711 : memref<1x128xi32, #tpu.memory_space<vmem>> -> memref<128xi32, #tpu.memory_space<vmem>>
      %dma_start3A_713 = arith.constant 0 : i32
      %dma_start3A_714 = tpu.memref_slice %arg19[%dma_start3A_713] : memref<50176xf32, #tpu.memory_space<vmem_shared>> -> memref<50176xf32, #tpu.memory_space<vmem_shared>>
      tpu.enqueue_indirect_dma source(%dma_start3A_709 : memref<128xf32, #tpu.memory_space<vmem>>) target(%dma_start3A_714 : memref<50176xf32, #tpu.memory_space<vmem_shared>>) offsets(%dma_start3A_712 : memref<128xi32, #tpu.memory_space<vmem>>) semaphore(%arg22 : memref<!tpu.dma_semaphore, #tpu.memory_space<semaphore_mem>>) {add = true}
      %add3A_715 = arith.constant 6 : i32
      %add3A_716 = arith.addi %mul3A_642, %add3A_715 : i32
      %add3A_717 = arith.constant 6 : i32
      %add3A_718 = arith.addi %mul3A_630, %add3A_717 : i32
      %dma_start3A_719 = arith.constant 0 : i32
      %dma_start3A_720 = tpu.memref_slice %arg15[%add3A_716, %dma_start3A_719] : memref<24x128xf32, #tpu.memory_space<vmem>> -> memref<1x128xf32, #tpu.memory_space<vmem>>
      %dma_start3A_721 = tpu.memref_squeeze %dma_start3A_720 : memref<1x128xf32, #tpu.memory_space<vmem>> -> memref<128xf32, #tpu.memory_space<vmem>>
      %dma_start3A_722 = arith.constant 0 : i32
      %dma_start3A_723 = tpu.memref_slice %arg14[%add3A_718, %dma_start3A_722] : memref<392x128xi32, #tpu.memory_space<vmem>> -> memref<1x128xi32, #tpu.memory_space<vmem>>
      %dma_start3A_724 = tpu.memref_squeeze %dma_start3A_723 : memref<1x128xi32, #tpu.memory_space<vmem>> -> memref<128xi32, #tpu.memory_space<vmem>>
      %dma_start3A_725 = arith.constant 0 : i32
      %dma_start3A_726 = tpu.memref_slice %arg19[%dma_start3A_725] : memref<50176xf32, #tpu.memory_space<vmem_shared>> -> memref<50176xf32, #tpu.memory_space<vmem_shared>>
      tpu.enqueue_indirect_dma source(%dma_start3A_721 : memref<128xf32, #tpu.memory_space<vmem>>) target(%dma_start3A_726 : memref<50176xf32, #tpu.memory_space<vmem_shared>>) offsets(%dma_start3A_724 : memref<128xi32, #tpu.memory_space<vmem>>) semaphore(%arg22 : memref<!tpu.dma_semaphore, #tpu.memory_space<semaphore_mem>>) {add = true}
      %add3A_727 = arith.constant 7 : i32
      %add3A_728 = arith.addi %mul3A_642, %add3A_727 : i32
      %add3A_729 = arith.constant 7 : i32
      %add3A_730 = arith.addi %mul3A_630, %add3A_729 : i32
      %dma_start3A_731 = arith.constant 0 : i32
      %dma_start3A_732 = tpu.memref_slice %arg15[%add3A_728, %dma_start3A_731] : memref<24x128xf32, #tpu.memory_space<vmem>> -> memref<1x128xf32, #tpu.memory_space<vmem>>
      %dma_start3A_733 = tpu.memref_squeeze %dma_start3A_732 : memref<1x128xf32, #tpu.memory_space<vmem>> -> memref<128xf32, #tpu.memory_space<vmem>>
      %dma_start3A_734 = arith.constant 0 : i32
      %dma_start3A_735 = tpu.memref_slice %arg14[%add3A_730, %dma_start3A_734] : memref<392x128xi32, #tpu.memory_space<vmem>> -> memref<1x128xi32, #tpu.memory_space<vmem>>
      %dma_start3A_736 = tpu.memref_squeeze %dma_start3A_735 : memref<1x128xi32, #tpu.memory_space<vmem>> -> memref<128xi32, #tpu.memory_space<vmem>>
      %dma_start3A_737 = arith.constant 0 : i32
      %dma_start3A_738 = tpu.memref_slice %arg19[%dma_start3A_737] : memref<50176xf32, #tpu.memory_space<vmem_shared>> -> memref<50176xf32, #tpu.memory_space<vmem_shared>>
      tpu.enqueue_indirect_dma source(%dma_start3A_733 : memref<128xf32, #tpu.memory_space<vmem>>) target(%dma_start3A_738 : memref<50176xf32, #tpu.memory_space<vmem_shared>>) offsets(%dma_start3A_736 : memref<128xi32, #tpu.memory_space<vmem>>) semaphore(%arg22 : memref<!tpu.dma_semaphore, #tpu.memory_space<semaphore_mem>>) {add = true}
      %gt3A = arith.constant 0 : i32
      %gt3A_739 = arith.cmpi sgt, %scan3A_628, %gt3A : i32
      %convert_element_type3A_740 = arith.extui %gt3A_739 : i1 to i32
      %cond3A_741 = arith.constant 0 : i32
      %cond3A_742 = arith.cmpi ne, %convert_element_type3A_740, %cond3A_741 : i32
      scf.if %cond3A_742 {
        %sub3A = arith.constant 1 : i32
        %sub3A_743 = arith.subi %scan3A_628, %sub3A : i32
        %mul3A_744 = arith.constant 8 : i32
        %mul3A_745 = arith.muli %sub3A_743, %mul3A_744 : i32
        %jit3A_746 = arith.constant 2 : i32
        %eq3A_747 = arith.constant 0 : i32
        %eq3A_748 = arith.cmpi eq, %jit3A_746, %eq3A_747 : i32
        %jit3A_749 = arith.constant 1 : i32
        %select_n3A_750 = arith.select %eq3A_748, %jit3A_749, %jit3A_746 : i32
        %rem3A_751 = arith.remsi %sub3A_743, %select_n3A_750 : i32
        %ne3A_752 = arith.constant 0 : i32
        %ne3A_753 = arith.cmpi ne, %rem3A_751, %ne3A_752 : i32
        %lt3A_754 = arith.constant 0 : i32
        %lt3A_755 = arith.cmpi slt, %rem3A_751, %lt3A_754 : i32
        %lt3A_756 = arith.constant 0 : i32
        %lt3A_757 = arith.cmpi slt, %select_n3A_750, %lt3A_756 : i32
        %ne3A_758 = arith.xori %lt3A_755, %lt3A_757 : i1
        %and3A_759 = arith.andi %ne3A_758, %ne3A_753 : i1
        %add3A_760 = arith.addi %rem3A_751, %select_n3A_750 : i32
        %select_n3A_761 = arith.select %and3A_759, %add3A_760, %rem3A_751 : i32
        %mul3A_762 = arith.constant 8 : i32
        %mul3A_763 = arith.muli %select_n3A_761, %mul3A_762 : i32
        %add3A_764 = arith.constant 0 : i32
        %add3A_765 = arith.addi %mul3A_763, %add3A_764 : i32
        %add3A_766 = arith.constant 0 : i32
        %add3A_767 = arith.addi %mul3A_745, %add3A_766 : i32
        %dma_wait3A_768 = arith.constant 0 : i32
        %dma_wait3A_769 = tpu.memref_slice %arg15[%add3A_765, %dma_wait3A_768] : memref<24x128xf32, #tpu.memory_space<vmem>> -> memref<1x128xf32, #tpu.memory_space<vmem>>
        %dma_wait3A_770 = tpu.memref_squeeze %dma_wait3A_769 : memref<1x128xf32, #tpu.memory_space<vmem>> -> memref<128xf32, #tpu.memory_space<vmem>>
        %dma_wait3A_771 = arith.constant 0 : i32
        %dma_wait3A_772 = tpu.memref_slice %arg14[%add3A_767, %dma_wait3A_771] : memref<392x128xi32, #tpu.memory_space<vmem>> -> memref<1x128xi32, #tpu.memory_space<vmem>>
        %dma_wait3A_773 = tpu.memref_squeeze %dma_wait3A_772 : memref<1x128xi32, #tpu.memory_space<vmem>> -> memref<128xi32, #tpu.memory_space<vmem>>
        %dma_wait3A_774 = arith.constant 0 : i32
        %dma_wait3A_775 = tpu.memref_slice %arg19[%dma_wait3A_774] : memref<50176xf32, #tpu.memory_space<vmem_shared>> -> memref<50176xf32, #tpu.memory_space<vmem_shared>>
        tpu.wait_indirect_dma semaphore(%arg22 : memref<!tpu.dma_semaphore, #tpu.memory_space<semaphore_mem>>) src(%dma_wait3A_770 : memref<128xf32, #tpu.memory_space<vmem>>) dst(%dma_wait3A_775 : memref<50176xf32, #tpu.memory_space<vmem_shared>>)
        %add3A_776 = arith.constant 1 : i32
        %add3A_777 = arith.addi %mul3A_763, %add3A_776 : i32
        %add3A_778 = arith.constant 1 : i32
        %add3A_779 = arith.addi %mul3A_745, %add3A_778 : i32
        %dma_wait3A_780 = arith.constant 0 : i32
        %dma_wait3A_781 = tpu.memref_slice %arg15[%add3A_777, %dma_wait3A_780] : memref<24x128xf32, #tpu.memory_space<vmem>> -> memref<1x128xf32, #tpu.memory_space<vmem>>
        %dma_wait3A_782 = tpu.memref_squeeze %dma_wait3A_781 : memref<1x128xf32, #tpu.memory_space<vmem>> -> memref<128xf32, #tpu.memory_space<vmem>>
        %dma_wait3A_783 = arith.constant 0 : i32
        %dma_wait3A_784 = tpu.memref_slice %arg14[%add3A_779, %dma_wait3A_783] : memref<392x128xi32, #tpu.memory_space<vmem>> -> memref<1x128xi32, #tpu.memory_space<vmem>>
        %dma_wait3A_785 = tpu.memref_squeeze %dma_wait3A_784 : memref<1x128xi32, #tpu.memory_space<vmem>> -> memref<128xi32, #tpu.memory_space<vmem>>
        %dma_wait3A_786 = arith.constant 0 : i32
        %dma_wait3A_787 = tpu.memref_slice %arg19[%dma_wait3A_786] : memref<50176xf32, #tpu.memory_space<vmem_shared>> -> memref<50176xf32, #tpu.memory_space<vmem_shared>>
        tpu.wait_indirect_dma semaphore(%arg22 : memref<!tpu.dma_semaphore, #tpu.memory_space<semaphore_mem>>) src(%dma_wait3A_782 : memref<128xf32, #tpu.memory_space<vmem>>) dst(%dma_wait3A_787 : memref<50176xf32, #tpu.memory_space<vmem_shared>>)
        %add3A_788 = arith.constant 2 : i32
        %add3A_789 = arith.addi %mul3A_763, %add3A_788 : i32
        %add3A_790 = arith.constant 2 : i32
        %add3A_791 = arith.addi %mul3A_745, %add3A_790 : i32
        %dma_wait3A_792 = arith.constant 0 : i32
        %dma_wait3A_793 = tpu.memref_slice %arg15[%add3A_789, %dma_wait3A_792] : memref<24x128xf32, #tpu.memory_space<vmem>> -> memref<1x128xf32, #tpu.memory_space<vmem>>
        %dma_wait3A_794 = tpu.memref_squeeze %dma_wait3A_793 : memref<1x128xf32, #tpu.memory_space<vmem>> -> memref<128xf32, #tpu.memory_space<vmem>>
        %dma_wait3A_795 = arith.constant 0 : i32
        %dma_wait3A_796 = tpu.memref_slice %arg14[%add3A_791, %dma_wait3A_795] : memref<392x128xi32, #tpu.memory_space<vmem>> -> memref<1x128xi32, #tpu.memory_space<vmem>>
        %dma_wait3A_797 = tpu.memref_squeeze %dma_wait3A_796 : memref<1x128xi32, #tpu.memory_space<vmem>> -> memref<128xi32, #tpu.memory_space<vmem>>
        %dma_wait3A_798 = arith.constant 0 : i32
        %dma_wait3A_799 = tpu.memref_slice %arg19[%dma_wait3A_798] : memref<50176xf32, #tpu.memory_space<vmem_shared>> -> memref<50176xf32, #tpu.memory_space<vmem_shared>>
        tpu.wait_indirect_dma semaphore(%arg22 : memref<!tpu.dma_semaphore, #tpu.memory_space<semaphore_mem>>) src(%dma_wait3A_794 : memref<128xf32, #tpu.memory_space<vmem>>) dst(%dma_wait3A_799 : memref<50176xf32, #tpu.memory_space<vmem_shared>>)
        %add3A_800 = arith.constant 3 : i32
        %add3A_801 = arith.addi %mul3A_763, %add3A_800 : i32
        %add3A_802 = arith.constant 3 : i32
        %add3A_803 = arith.addi %mul3A_745, %add3A_802 : i32
        %dma_wait3A_804 = arith.constant 0 : i32
        %dma_wait3A_805 = tpu.memref_slice %arg15[%add3A_801, %dma_wait3A_804] : memref<24x128xf32, #tpu.memory_space<vmem>> -> memref<1x128xf32, #tpu.memory_space<vmem>>
        %dma_wait3A_806 = tpu.memref_squeeze %dma_wait3A_805 : memref<1x128xf32, #tpu.memory_space<vmem>> -> memref<128xf32, #tpu.memory_space<vmem>>
        %dma_wait3A_807 = arith.constant 0 : i32
        %dma_wait3A_808 = tpu.memref_slice %arg14[%add3A_803, %dma_wait3A_807] : memref<392x128xi32, #tpu.memory_space<vmem>> -> memref<1x128xi32, #tpu.memory_space<vmem>>
        %dma_wait3A_809 = tpu.memref_squeeze %dma_wait3A_808 : memref<1x128xi32, #tpu.memory_space<vmem>> -> memref<128xi32, #tpu.memory_space<vmem>>
        %dma_wait3A_810 = arith.constant 0 : i32
        %dma_wait3A_811 = tpu.memref_slice %arg19[%dma_wait3A_810] : memref<50176xf32, #tpu.memory_space<vmem_shared>> -> memref<50176xf32, #tpu.memory_space<vmem_shared>>
        tpu.wait_indirect_dma semaphore(%arg22 : memref<!tpu.dma_semaphore, #tpu.memory_space<semaphore_mem>>) src(%dma_wait3A_806 : memref<128xf32, #tpu.memory_space<vmem>>) dst(%dma_wait3A_811 : memref<50176xf32, #tpu.memory_space<vmem_shared>>)
        %add3A_812 = arith.constant 4 : i32
        %add3A_813 = arith.addi %mul3A_763, %add3A_812 : i32
        %add3A_814 = arith.constant 4 : i32
        %add3A_815 = arith.addi %mul3A_745, %add3A_814 : i32
        %dma_wait3A_816 = arith.constant 0 : i32
        %dma_wait3A_817 = tpu.memref_slice %arg15[%add3A_813, %dma_wait3A_816] : memref<24x128xf32, #tpu.memory_space<vmem>> -> memref<1x128xf32, #tpu.memory_space<vmem>>
        %dma_wait3A_818 = tpu.memref_squeeze %dma_wait3A_817 : memref<1x128xf32, #tpu.memory_space<vmem>> -> memref<128xf32, #tpu.memory_space<vmem>>
        %dma_wait3A_819 = arith.constant 0 : i32
        %dma_wait3A_820 = tpu.memref_slice %arg14[%add3A_815, %dma_wait3A_819] : memref<392x128xi32, #tpu.memory_space<vmem>> -> memref<1x128xi32, #tpu.memory_space<vmem>>
        %dma_wait3A_821 = tpu.memref_squeeze %dma_wait3A_820 : memref<1x128xi32, #tpu.memory_space<vmem>> -> memref<128xi32, #tpu.memory_space<vmem>>
        %dma_wait3A_822 = arith.constant 0 : i32
        %dma_wait3A_823 = tpu.memref_slice %arg19[%dma_wait3A_822] : memref<50176xf32, #tpu.memory_space<vmem_shared>> -> memref<50176xf32, #tpu.memory_space<vmem_shared>>
        tpu.wait_indirect_dma semaphore(%arg22 : memref<!tpu.dma_semaphore, #tpu.memory_space<semaphore_mem>>) src(%dma_wait3A_818 : memref<128xf32, #tpu.memory_space<vmem>>) dst(%dma_wait3A_823 : memref<50176xf32, #tpu.memory_space<vmem_shared>>)
        %add3A_824 = arith.constant 5 : i32
        %add3A_825 = arith.addi %mul3A_763, %add3A_824 : i32
        %add3A_826 = arith.constant 5 : i32
        %add3A_827 = arith.addi %mul3A_745, %add3A_826 : i32
        %dma_wait3A_828 = arith.constant 0 : i32
        %dma_wait3A_829 = tpu.memref_slice %arg15[%add3A_825, %dma_wait3A_828] : memref<24x128xf32, #tpu.memory_space<vmem>> -> memref<1x128xf32, #tpu.memory_space<vmem>>
        %dma_wait3A_830 = tpu.memref_squeeze %dma_wait3A_829 : memref<1x128xf32, #tpu.memory_space<vmem>> -> memref<128xf32, #tpu.memory_space<vmem>>
        %dma_wait3A_831 = arith.constant 0 : i32
        %dma_wait3A_832 = tpu.memref_slice %arg14[%add3A_827, %dma_wait3A_831] : memref<392x128xi32, #tpu.memory_space<vmem>> -> memref<1x128xi32, #tpu.memory_space<vmem>>
        %dma_wait3A_833 = tpu.memref_squeeze %dma_wait3A_832 : memref<1x128xi32, #tpu.memory_space<vmem>> -> memref<128xi32, #tpu.memory_space<vmem>>
        %dma_wait3A_834 = arith.constant 0 : i32
        %dma_wait3A_835 = tpu.memref_slice %arg19[%dma_wait3A_834] : memref<50176xf32, #tpu.memory_space<vmem_shared>> -> memref<50176xf32, #tpu.memory_space<vmem_shared>>
        tpu.wait_indirect_dma semaphore(%arg22 : memref<!tpu.dma_semaphore, #tpu.memory_space<semaphore_mem>>) src(%dma_wait3A_830 : memref<128xf32, #tpu.memory_space<vmem>>) dst(%dma_wait3A_835 : memref<50176xf32, #tpu.memory_space<vmem_shared>>)
        %add3A_836 = arith.constant 6 : i32
        %add3A_837 = arith.addi %mul3A_763, %add3A_836 : i32
        %add3A_838 = arith.constant 6 : i32
        %add3A_839 = arith.addi %mul3A_745, %add3A_838 : i32
        %dma_wait3A_840 = arith.constant 0 : i32
        %dma_wait3A_841 = tpu.memref_slice %arg15[%add3A_837, %dma_wait3A_840] : memref<24x128xf32, #tpu.memory_space<vmem>> -> memref<1x128xf32, #tpu.memory_space<vmem>>
        %dma_wait3A_842 = tpu.memref_squeeze %dma_wait3A_841 : memref<1x128xf32, #tpu.memory_space<vmem>> -> memref<128xf32, #tpu.memory_space<vmem>>
        %dma_wait3A_843 = arith.constant 0 : i32
        %dma_wait3A_844 = tpu.memref_slice %arg14[%add3A_839, %dma_wait3A_843] : memref<392x128xi32, #tpu.memory_space<vmem>> -> memref<1x128xi32, #tpu.memory_space<vmem>>
        %dma_wait3A_845 = tpu.memref_squeeze %dma_wait3A_844 : memref<1x128xi32, #tpu.memory_space<vmem>> -> memref<128xi32, #tpu.memory_space<vmem>>
        %dma_wait3A_846 = arith.constant 0 : i32
        %dma_wait3A_847 = tpu.memref_slice %arg19[%dma_wait3A_846] : memref<50176xf32, #tpu.memory_space<vmem_shared>> -> memref<50176xf32, #tpu.memory_space<vmem_shared>>
        tpu.wait_indirect_dma semaphore(%arg22 : memref<!tpu.dma_semaphore, #tpu.memory_space<semaphore_mem>>) src(%dma_wait3A_842 : memref<128xf32, #tpu.memory_space<vmem>>) dst(%dma_wait3A_847 : memref<50176xf32, #tpu.memory_space<vmem_shared>>)
        %add3A_848 = arith.constant 7 : i32
        %add3A_849 = arith.addi %mul3A_763, %add3A_848 : i32
        %add3A_850 = arith.constant 7 : i32
        %add3A_851 = arith.addi %mul3A_745, %add3A_850 : i32
        %dma_wait3A_852 = arith.constant 0 : i32
        %dma_wait3A_853 = tpu.memref_slice %arg15[%add3A_849, %dma_wait3A_852] : memref<24x128xf32, #tpu.memory_space<vmem>> -> memref<1x128xf32, #tpu.memory_space<vmem>>
        %dma_wait3A_854 = tpu.memref_squeeze %dma_wait3A_853 : memref<1x128xf32, #tpu.memory_space<vmem>> -> memref<128xf32, #tpu.memory_space<vmem>>
        %dma_wait3A_855 = arith.constant 0 : i32
        %dma_wait3A_856 = tpu.memref_slice %arg14[%add3A_851, %dma_wait3A_855] : memref<392x128xi32, #tpu.memory_space<vmem>> -> memref<1x128xi32, #tpu.memory_space<vmem>>
        %dma_wait3A_857 = tpu.memref_squeeze %dma_wait3A_856 : memref<1x128xi32, #tpu.memory_space<vmem>> -> memref<128xi32, #tpu.memory_space<vmem>>
        %dma_wait3A_858 = arith.constant 0 : i32
        %dma_wait3A_859 = tpu.memref_slice %arg19[%dma_wait3A_858] : memref<50176xf32, #tpu.memory_space<vmem_shared>> -> memref<50176xf32, #tpu.memory_space<vmem_shared>>
        tpu.wait_indirect_dma semaphore(%arg22 : memref<!tpu.dma_semaphore, #tpu.memory_space<semaphore_mem>>) src(%dma_wait3A_854 : memref<128xf32, #tpu.memory_space<vmem>>) dst(%dma_wait3A_859 : memref<50176xf32, #tpu.memory_space<vmem_shared>>)
      } else {
      }
    }
    %scan3A_202 = arith.constant 49 : i32
    %dma_wait3A = arith.constant 0 : i32
    %dma_wait3A_203 = arith.constant 384 : i32
    %dma_wait3A_204 = arith.constant 0 : i32
    %dma_wait3A_205 = tpu.memref_slice %arg15[%dma_wait3A, %dma_wait3A_204] : memref<24x128xf32, #tpu.memory_space<vmem>> -> memref<1x128xf32, #tpu.memory_space<vmem>>
    %dma_wait3A_206 = tpu.memref_squeeze %dma_wait3A_205 : memref<1x128xf32, #tpu.memory_space<vmem>> -> memref<128xf32, #tpu.memory_space<vmem>>
    %dma_wait3A_207 = arith.constant 0 : i32
    %dma_wait3A_208 = tpu.memref_slice %arg14[%dma_wait3A_203, %dma_wait3A_207] : memref<392x128xi32, #tpu.memory_space<vmem>> -> memref<1x128xi32, #tpu.memory_space<vmem>>
    %dma_wait3A_209 = tpu.memref_squeeze %dma_wait3A_208 : memref<1x128xi32, #tpu.memory_space<vmem>> -> memref<128xi32, #tpu.memory_space<vmem>>
    %dma_wait3A_210 = arith.constant 0 : i32
    %dma_wait3A_211 = tpu.memref_slice %arg19[%dma_wait3A_210] : memref<50176xf32, #tpu.memory_space<vmem_shared>> -> memref<50176xf32, #tpu.memory_space<vmem_shared>>
    tpu.wait_indirect_dma semaphore(%arg22 : memref<!tpu.dma_semaphore, #tpu.memory_space<semaphore_mem>>) src(%dma_wait3A_206 : memref<128xf32, #tpu.memory_space<vmem>>) dst(%dma_wait3A_211 : memref<50176xf32, #tpu.memory_space<vmem_shared>>)
    %dma_wait3A_212 = arith.constant 1 : i32
    %dma_wait3A_213 = arith.constant 385 : i32
    %dma_wait3A_214 = arith.constant 0 : i32
    %dma_wait3A_215 = tpu.memref_slice %arg15[%dma_wait3A_212, %dma_wait3A_214] : memref<24x128xf32, #tpu.memory_space<vmem>> -> memref<1x128xf32, #tpu.memory_space<vmem>>
    %dma_wait3A_216 = tpu.memref_squeeze %dma_wait3A_215 : memref<1x128xf32, #tpu.memory_space<vmem>> -> memref<128xf32, #tpu.memory_space<vmem>>
    %dma_wait3A_217 = arith.constant 0 : i32
    %dma_wait3A_218 = tpu.memref_slice %arg14[%dma_wait3A_213, %dma_wait3A_217] : memref<392x128xi32, #tpu.memory_space<vmem>> -> memref<1x128xi32, #tpu.memory_space<vmem>>
    %dma_wait3A_219 = tpu.memref_squeeze %dma_wait3A_218 : memref<1x128xi32, #tpu.memory_space<vmem>> -> memref<128xi32, #tpu.memory_space<vmem>>
    %dma_wait3A_220 = arith.constant 0 : i32
    %dma_wait3A_221 = tpu.memref_slice %arg19[%dma_wait3A_220] : memref<50176xf32, #tpu.memory_space<vmem_shared>> -> memref<50176xf32, #tpu.memory_space<vmem_shared>>
    tpu.wait_indirect_dma semaphore(%arg22 : memref<!tpu.dma_semaphore, #tpu.memory_space<semaphore_mem>>) src(%dma_wait3A_216 : memref<128xf32, #tpu.memory_space<vmem>>) dst(%dma_wait3A_221 : memref<50176xf32, #tpu.memory_space<vmem_shared>>)
    %dma_wait3A_222 = arith.constant 2 : i32
    %dma_wait3A_223 = arith.constant 386 : i32
    %dma_wait3A_224 = arith.constant 0 : i32
    %dma_wait3A_225 = tpu.memref_slice %arg15[%dma_wait3A_222, %dma_wait3A_224] : memref<24x128xf32, #tpu.memory_space<vmem>> -> memref<1x128xf32, #tpu.memory_space<vmem>>
    %dma_wait3A_226 = tpu.memref_squeeze %dma_wait3A_225 : memref<1x128xf32, #tpu.memory_space<vmem>> -> memref<128xf32, #tpu.memory_space<vmem>>
    %dma_wait3A_227 = arith.constant 0 : i32
    %dma_wait3A_228 = tpu.memref_slice %arg14[%dma_wait3A_223, %dma_wait3A_227] : memref<392x128xi32, #tpu.memory_space<vmem>> -> memref<1x128xi32, #tpu.memory_space<vmem>>
    %dma_wait3A_229 = tpu.memref_squeeze %dma_wait3A_228 : memref<1x128xi32, #tpu.memory_space<vmem>> -> memref<128xi32, #tpu.memory_space<vmem>>
    %dma_wait3A_230 = arith.constant 0 : i32
    %dma_wait3A_231 = tpu.memref_slice %arg19[%dma_wait3A_230] : memref<50176xf32, #tpu.memory_space<vmem_shared>> -> memref<50176xf32, #tpu.memory_space<vmem_shared>>
    tpu.wait_indirect_dma semaphore(%arg22 : memref<!tpu.dma_semaphore, #tpu.memory_space<semaphore_mem>>) src(%dma_wait3A_226 : memref<128xf32, #tpu.memory_space<vmem>>) dst(%dma_wait3A_231 : memref<50176xf32, #tpu.memory_space<vmem_shared>>)
    %dma_wait3A_232 = arith.constant 3 : i32
    %dma_wait3A_233 = arith.constant 387 : i32
    %dma_wait3A_234 = arith.constant 0 : i32
    %dma_wait3A_235 = tpu.memref_slice %arg15[%dma_wait3A_232, %dma_wait3A_234] : memref<24x128xf32, #tpu.memory_space<vmem>> -> memref<1x128xf32, #tpu.memory_space<vmem>>
    %dma_wait3A_236 = tpu.memref_squeeze %dma_wait3A_235 : memref<1x128xf32, #tpu.memory_space<vmem>> -> memref<128xf32, #tpu.memory_space<vmem>>
    %dma_wait3A_237 = arith.constant 0 : i32
    %dma_wait3A_238 = tpu.memref_slice %arg14[%dma_wait3A_233, %dma_wait3A_237] : memref<392x128xi32, #tpu.memory_space<vmem>> -> memref<1x128xi32, #tpu.memory_space<vmem>>
    %dma_wait3A_239 = tpu.memref_squeeze %dma_wait3A_238 : memref<1x128xi32, #tpu.memory_space<vmem>> -> memref<128xi32, #tpu.memory_space<vmem>>
    %dma_wait3A_240 = arith.constant 0 : i32
    %dma_wait3A_241 = tpu.memref_slice %arg19[%dma_wait3A_240] : memref<50176xf32, #tpu.memory_space<vmem_shared>> -> memref<50176xf32, #tpu.memory_space<vmem_shared>>
    tpu.wait_indirect_dma semaphore(%arg22 : memref<!tpu.dma_semaphore, #tpu.memory_space<semaphore_mem>>) src(%dma_wait3A_236 : memref<128xf32, #tpu.memory_space<vmem>>) dst(%dma_wait3A_241 : memref<50176xf32, #tpu.memory_space<vmem_shared>>)
    %dma_wait3A_242 = arith.constant 4 : i32
    %dma_wait3A_243 = arith.constant 388 : i32
    %dma_wait3A_244 = arith.constant 0 : i32
    %dma_wait3A_245 = tpu.memref_slice %arg15[%dma_wait3A_242, %dma_wait3A_244] : memref<24x128xf32, #tpu.memory_space<vmem>> -> memref<1x128xf32, #tpu.memory_space<vmem>>
    %dma_wait3A_246 = tpu.memref_squeeze %dma_wait3A_245 : memref<1x128xf32, #tpu.memory_space<vmem>> -> memref<128xf32, #tpu.memory_space<vmem>>
    %dma_wait3A_247 = arith.constant 0 : i32
    %dma_wait3A_248 = tpu.memref_slice %arg14[%dma_wait3A_243, %dma_wait3A_247] : memref<392x128xi32, #tpu.memory_space<vmem>> -> memref<1x128xi32, #tpu.memory_space<vmem>>
    %dma_wait3A_249 = tpu.memref_squeeze %dma_wait3A_248 : memref<1x128xi32, #tpu.memory_space<vmem>> -> memref<128xi32, #tpu.memory_space<vmem>>
    %dma_wait3A_250 = arith.constant 0 : i32
    %dma_wait3A_251 = tpu.memref_slice %arg19[%dma_wait3A_250] : memref<50176xf32, #tpu.memory_space<vmem_shared>> -> memref<50176xf32, #tpu.memory_space<vmem_shared>>
    tpu.wait_indirect_dma semaphore(%arg22 : memref<!tpu.dma_semaphore, #tpu.memory_space<semaphore_mem>>) src(%dma_wait3A_246 : memref<128xf32, #tpu.memory_space<vmem>>) dst(%dma_wait3A_251 : memref<50176xf32, #tpu.memory_space<vmem_shared>>)
    %dma_wait3A_252 = arith.constant 5 : i32
    %dma_wait3A_253 = arith.constant 389 : i32
    %dma_wait3A_254 = arith.constant 0 : i32
    %dma_wait3A_255 = tpu.memref_slice %arg15[%dma_wait3A_252, %dma_wait3A_254] : memref<24x128xf32, #tpu.memory_space<vmem>> -> memref<1x128xf32, #tpu.memory_space<vmem>>
    %dma_wait3A_256 = tpu.memref_squeeze %dma_wait3A_255 : memref<1x128xf32, #tpu.memory_space<vmem>> -> memref<128xf32, #tpu.memory_space<vmem>>
    %dma_wait3A_257 = arith.constant 0 : i32
    %dma_wait3A_258 = tpu.memref_slice %arg14[%dma_wait3A_253, %dma_wait3A_257] : memref<392x128xi32, #tpu.memory_space<vmem>> -> memref<1x128xi32, #tpu.memory_space<vmem>>
    %dma_wait3A_259 = tpu.memref_squeeze %dma_wait3A_258 : memref<1x128xi32, #tpu.memory_space<vmem>> -> memref<128xi32, #tpu.memory_space<vmem>>
    %dma_wait3A_260 = arith.constant 0 : i32
    %dma_wait3A_261 = tpu.memref_slice %arg19[%dma_wait3A_260] : memref<50176xf32, #tpu.memory_space<vmem_shared>> -> memref<50176xf32, #tpu.memory_space<vmem_shared>>
    tpu.wait_indirect_dma semaphore(%arg22 : memref<!tpu.dma_semaphore, #tpu.memory_space<semaphore_mem>>) src(%dma_wait3A_256 : memref<128xf32, #tpu.memory_space<vmem>>) dst(%dma_wait3A_261 : memref<50176xf32, #tpu.memory_space<vmem_shared>>)
    %dma_wait3A_262 = arith.constant 6 : i32
    %dma_wait3A_263 = arith.constant 390 : i32
    %dma_wait3A_264 = arith.constant 0 : i32
    %dma_wait3A_265 = tpu.memref_slice %arg15[%dma_wait3A_262, %dma_wait3A_264] : memref<24x128xf32, #tpu.memory_space<vmem>> -> memref<1x128xf32, #tpu.memory_space<vmem>>
    %dma_wait3A_266 = tpu.memref_squeeze %dma_wait3A_265 : memref<1x128xf32, #tpu.memory_space<vmem>> -> memref<128xf32, #tpu.memory_space<vmem>>
    %dma_wait3A_267 = arith.constant 0 : i32
    %dma_wait3A_268 = tpu.memref_slice %arg14[%dma_wait3A_263, %dma_wait3A_267] : memref<392x128xi32, #tpu.memory_space<vmem>> -> memref<1x128xi32, #tpu.memory_space<vmem>>
    %dma_wait3A_269 = tpu.memref_squeeze %dma_wait3A_268 : memref<1x128xi32, #tpu.memory_space<vmem>> -> memref<128xi32, #tpu.memory_space<vmem>>
    %dma_wait3A_270 = arith.constant 0 : i32
    %dma_wait3A_271 = tpu.memref_slice %arg19[%dma_wait3A_270] : memref<50176xf32, #tpu.memory_space<vmem_shared>> -> memref<50176xf32, #tpu.memory_space<vmem_shared>>
    tpu.wait_indirect_dma semaphore(%arg22 : memref<!tpu.dma_semaphore, #tpu.memory_space<semaphore_mem>>) src(%dma_wait3A_266 : memref<128xf32, #tpu.memory_space<vmem>>) dst(%dma_wait3A_271 : memref<50176xf32, #tpu.memory_space<vmem_shared>>)
    %dma_wait3A_272 = arith.constant 7 : i32
    %dma_wait3A_273 = arith.constant 391 : i32
    %dma_wait3A_274 = arith.constant 0 : i32
    %dma_wait3A_275 = tpu.memref_slice %arg15[%dma_wait3A_272, %dma_wait3A_274] : memref<24x128xf32, #tpu.memory_space<vmem>> -> memref<1x128xf32, #tpu.memory_space<vmem>>
    %dma_wait3A_276 = tpu.memref_squeeze %dma_wait3A_275 : memref<1x128xf32, #tpu.memory_space<vmem>> -> memref<128xf32, #tpu.memory_space<vmem>>
    %dma_wait3A_277 = arith.constant 0 : i32
    %dma_wait3A_278 = tpu.memref_slice %arg14[%dma_wait3A_273, %dma_wait3A_277] : memref<392x128xi32, #tpu.memory_space<vmem>> -> memref<1x128xi32, #tpu.memory_space<vmem>>
    %dma_wait3A_279 = tpu.memref_squeeze %dma_wait3A_278 : memref<1x128xi32, #tpu.memory_space<vmem>> -> memref<128xi32, #tpu.memory_space<vmem>>
    %dma_wait3A_280 = arith.constant 0 : i32
    %dma_wait3A_281 = tpu.memref_slice %arg19[%dma_wait3A_280] : memref<50176xf32, #tpu.memory_space<vmem_shared>> -> memref<50176xf32, #tpu.memory_space<vmem_shared>>
    tpu.wait_indirect_dma semaphore(%arg22 : memref<!tpu.dma_semaphore, #tpu.memory_space<semaphore_mem>>) src(%dma_wait3A_276 : memref<128xf32, #tpu.memory_space<vmem>>) dst(%dma_wait3A_281 : memref<50176xf32, #tpu.memory_space<vmem_shared>>)
    %barrier3A_282 = arith.constant 0 : index
    tpu.barrier barrier_id(%barrier3A_282)
    "tpu.region"() ({
      %run_scoped3A = tpu.sem_alloc : memref<!tpu.dma_semaphore, #tpu.memory_space<semaphore_mem>>
      %dma_start3A_628 = tpu.memref_slice %arg19[%mul3A_0] : memref<50176xf32, #tpu.memory_space<vmem_shared>> -> memref<3136xf32, #tpu.memory_space<vmem_shared>>
      %dma_start3A_629 = tpu.memref_slice %arg19[%mul3A_0] : memref<50176xf32, #tpu.memory_space<vmem_shared>> -> memref<3136xf32, #tpu.memory_space<vmem_shared>>
      tpu.enqueue_dma source(%dma_start3A_629 : memref<3136xf32, #tpu.memory_space<vmem_shared>>) target(%arg12 : memref<3136xf32, #tpu.memory_space<vmem>>) target_semaphore(%run_scoped3A : memref<!tpu.dma_semaphore, #tpu.memory_space<semaphore_mem>>)
      %dma_wait3A_630 = tpu.memref_slice %arg19[%mul3A_0] : memref<50176xf32, #tpu.memory_space<vmem_shared>> -> memref<3136xf32, #tpu.memory_space<vmem_shared>>
      %dma_wait3A_631 = tpu.memref_slice %arg19[%mul3A_0] : memref<50176xf32, #tpu.memory_space<vmem_shared>> -> memref<3136xf32, #tpu.memory_space<vmem_shared>>
      tpu.wait_dma2 semaphore(%run_scoped3A : memref<!tpu.dma_semaphore, #tpu.memory_space<semaphore_mem>>) src(%dma_wait3A_631 : memref<3136xf32, #tpu.memory_space<vmem_shared>>) dst(%arg12 : memref<3136xf32, #tpu.memory_space<vmem>>)
      tpu.yield
    }) : () -> ()
    %scan3A_283 = arith.constant 0 : i32
    %scan3A_284 = arith.constant 196 : i32
    %scan3A_285 = arith.addi %scan3A_283, %scan3A_284 : i32
    %scan3A_286 = arith.constant 1 : i32
    scf.for %scan3A_628 = %scan3A_283 to %scan3A_285 step %scan3A_286  : i32 {
      %mul3A_629 = arith.constant 16 : i32
      %mul3A_630 = arith.muli %scan3A_628, %mul3A_629 : i32
      %get3A_631 = arith.index_cast %mul3A_630 : i32 to index
      %get3A_632 = tpu.vector_load %arg12[%get3A_631] {strides = array<i32>} : memref<3136xf32, #tpu.memory_space<vmem>>, vector<16xf32>,
      %get3A_633 = vector.shape_cast %get3A_632 : vector<16xf32> to vector<16xf32>
      %bitcast_convert_type3A = tpu.bitcast %get3A_633 : vector<16xf32> -> vector<16xi32>
      %shift_right_arithmetic3A = arith.constant 1 : i32
      %shift_right_arithmetic3A_634 = vector.broadcast %shift_right_arithmetic3A : i32 to vector<16xi32>
      %shift_right_arithmetic3A_635 = arith.shrsi %bitcast_convert_type3A, %shift_right_arithmetic3A_634 : vector<16xi32>
      %sub3A = arith.constant 1597463007 : i32
      %sub3A_636 = vector.broadcast %sub3A : i32 to vector<16xi32>
      %sub3A_637 = arith.subi %sub3A_636, %shift_right_arithmetic3A_635 : vector<16xi32>
      %bitcast_convert_type3A_638 = tpu.bitcast %sub3A_637 : vector<16xi32> -> vector<16xf32>
      %mul3A_639 = arith.constant 5.000000e-01 : f32
      %mul3A_640 = vector.broadcast %mul3A_639 : f32 to vector<16xf32>
      %mul3A_641 = arith.mulf %mul3A_640, %get3A_633 : vector<16xf32>
      %mul3A_642 = arith.mulf %mul3A_641, %bitcast_convert_type3A_638 : vector<16xf32>
      %mul3A_643 = arith.mulf %mul3A_642, %bitcast_convert_type3A_638 : vector<16xf32>
      %sub3A_644 = arith.constant 1.500000e+00 : f32
      %sub3A_645 = vector.broadcast %sub3A_644 : f32 to vector<16xf32>
      %sub3A_646 = arith.subf %sub3A_645, %mul3A_643 : vector<16xf32>
      %mul3A_647 = arith.mulf %bitcast_convert_type3A_638, %sub3A_646 : vector<16xf32>
      %mul3A_648 = arith.constant 5.000000e-01 : f32
      %mul3A_649 = vector.broadcast %mul3A_648 : f32 to vector<16xf32>
      %mul3A_650 = arith.mulf %mul3A_649, %get3A_633 : vector<16xf32>
      %mul3A_651 = arith.mulf %mul3A_650, %mul3A_647 : vector<16xf32>
      %mul3A_652 = arith.mulf %mul3A_651, %mul3A_647 : vector<16xf32>
      %sub3A_653 = arith.constant 1.500000e+00 : f32
      %sub3A_654 = vector.broadcast %sub3A_653 : f32 to vector<16xf32>
      %sub3A_655 = arith.subf %sub3A_654, %mul3A_652 : vector<16xf32>
      %mul3A_656 = arith.mulf %mul3A_647, %sub3A_655 : vector<16xf32>
      %mul3A_657 = arith.constant 5.000000e-01 : f32
      %mul3A_658 = vector.broadcast %mul3A_657 : f32 to vector<16xf32>
      %mul3A_659 = arith.mulf %mul3A_658, %get3A_633 : vector<16xf32>
      %mul3A_660 = arith.mulf %mul3A_659, %mul3A_656 : vector<16xf32>
      %mul3A_661 = arith.mulf %mul3A_660, %mul3A_656 : vector<16xf32>
      %sub3A_662 = arith.constant 1.500000e+00 : f32
      %sub3A_663 = vector.broadcast %sub3A_662 : f32 to vector<16xf32>
      %sub3A_664 = arith.subf %sub3A_663, %mul3A_661 : vector<16xf32>
      %mul3A_665 = arith.mulf %mul3A_656, %sub3A_664 : vector<16xf32>
      %swap3A = arith.index_cast %mul3A_630 : i32 to index
      %swap3A_666 = tpu.vector_load %arg10[%swap3A] {strides = array<i32>} : memref<3136xf32, #tpu.memory_space<vmem>>, vector<16xf32>,
      %swap3A_667 = vector.shape_cast %swap3A_666 : vector<16xf32> to vector<16xf32>
      %swap3A_668 = vector.shape_cast %mul3A_665 : vector<16xf32> to vector<16xf32>
      tpu.vector_store %arg10[%swap3A], %swap3A_668 {strides = array<i32>} : memref<3136xf32, #tpu.memory_space<vmem>>, vector<16xf32>,
      %get3A_669 = arith.index_cast %mul3A_630 : i32 to index
      %get3A_670 = tpu.vector_load %arg9[%get3A_669] {strides = array<i32>} : memref<3136xf32, #tpu.memory_space<vmem>>, vector<16xf32>,
      %get3A_671 = vector.shape_cast %get3A_670 : vector<16xf32> to vector<16xf32>
      %mul3A_672 = arith.mulf %get3A_671, %mul3A_665 : vector<16xf32>
      %swap3A_673 = arith.index_cast %mul3A_630 : i32 to index
      %swap3A_674 = tpu.vector_load %arg11[%swap3A_673] {strides = array<i32>} : memref<3136xf32, #tpu.memory_space<vmem>>, vector<16xf32>,
      %swap3A_675 = vector.shape_cast %swap3A_674 : vector<16xf32> to vector<16xf32>
      %swap3A_676 = vector.shape_cast %mul3A_672 : vector<16xf32> to vector<16xf32>
      tpu.vector_store %arg11[%swap3A_673], %swap3A_676 {strides = array<i32>} : memref<3136xf32, #tpu.memory_space<vmem>>, vector<16xf32>,
      %swap3A_677 = arith.index_cast %mul3A_630 : i32 to index
      %swap3A_678 = tpu.vector_load %arg12[%swap3A_677] {strides = array<i32>} : memref<3136xf32, #tpu.memory_space<vmem>>, vector<16xf32>,
      %swap3A_679 = vector.shape_cast %swap3A_678 : vector<16xf32> to vector<16xf32>
      %swap3A_680 = vector.shape_cast %broadcast_in_dim3A_5 : vector<16xf32> to vector<16xf32>
      tpu.vector_store %arg12[%swap3A_677], %swap3A_680 {strides = array<i32>} : memref<3136xf32, #tpu.memory_space<vmem>>, vector<16xf32>,
    }
    %scan3A_287 = arith.constant 196 : i32
    "tpu.region"() ({
      %run_scoped3A = tpu.sem_alloc : memref<!tpu.dma_semaphore, #tpu.memory_space<semaphore_mem>>
      %dma_start3A_628 = tpu.memref_slice %arg20[%mul3A_0] : memref<50176xf32, #tpu.memory_space<vmem_shared>> -> memref<3136xf32, #tpu.memory_space<vmem_shared>>
      %dma_start3A_629 = tpu.memref_slice %arg20[%mul3A_0] : memref<50176xf32, #tpu.memory_space<vmem_shared>> -> memref<3136xf32, #tpu.memory_space<vmem_shared>>
      tpu.enqueue_dma source(%arg11 : memref<3136xf32, #tpu.memory_space<vmem>>) target(%dma_start3A_629 : memref<3136xf32, #tpu.memory_space<vmem_shared>>) target_semaphore(%run_scoped3A : memref<!tpu.dma_semaphore, #tpu.memory_space<semaphore_mem>>)
      %dma_wait3A_630 = tpu.memref_slice %arg20[%mul3A_0] : memref<50176xf32, #tpu.memory_space<vmem_shared>> -> memref<3136xf32, #tpu.memory_space<vmem_shared>>
      %dma_wait3A_631 = tpu.memref_slice %arg20[%mul3A_0] : memref<50176xf32, #tpu.memory_space<vmem_shared>> -> memref<3136xf32, #tpu.memory_space<vmem_shared>>
      tpu.wait_dma2 semaphore(%run_scoped3A : memref<!tpu.dma_semaphore, #tpu.memory_space<semaphore_mem>>) src(%arg11 : memref<3136xf32, #tpu.memory_space<vmem>>) dst(%dma_wait3A_631 : memref<3136xf32, #tpu.memory_space<vmem_shared>>)
      tpu.yield
    }) : () -> ()
    "tpu.region"() ({
      %run_scoped3A = tpu.sem_alloc : memref<!tpu.dma_semaphore, #tpu.memory_space<semaphore_mem>>
      %dma_start3A_628 = tpu.memref_slice %arg19[%mul3A_0] : memref<50176xf32, #tpu.memory_space<vmem_shared>> -> memref<3136xf32, #tpu.memory_space<vmem_shared>>
      %dma_start3A_629 = tpu.memref_slice %arg19[%mul3A_0] : memref<50176xf32, #tpu.memory_space<vmem_shared>> -> memref<3136xf32, #tpu.memory_space<vmem_shared>>
      tpu.enqueue_dma source(%arg12 : memref<3136xf32, #tpu.memory_space<vmem>>) target(%dma_start3A_629 : memref<3136xf32, #tpu.memory_space<vmem_shared>>) target_semaphore(%run_scoped3A : memref<!tpu.dma_semaphore, #tpu.memory_space<semaphore_mem>>)
      %dma_wait3A_630 = tpu.memref_slice %arg19[%mul3A_0] : memref<50176xf32, #tpu.memory_space<vmem_shared>> -> memref<3136xf32, #tpu.memory_space<vmem_shared>>
      %dma_wait3A_631 = tpu.memref_slice %arg19[%mul3A_0] : memref<50176xf32, #tpu.memory_space<vmem_shared>> -> memref<3136xf32, #tpu.memory_space<vmem_shared>>
      tpu.wait_dma2 semaphore(%run_scoped3A : memref<!tpu.dma_semaphore, #tpu.memory_space<semaphore_mem>>) src(%arg12 : memref<3136xf32, #tpu.memory_space<vmem>>) dst(%dma_wait3A_631 : memref<3136xf32, #tpu.memory_space<vmem_shared>>)
      tpu.yield
    }) : () -> ()
    %barrier3A_288 = arith.constant 0 : index
    tpu.barrier barrier_id(%barrier3A_288)
    %dma_start3A = arith.constant 0 : i32
    %dma_start3A_289 = arith.constant 0 : i32
    %dma_start3A_290 = arith.constant 0 : i32
    %dma_start3A_291 = tpu.memref_slice %arg15[%dma_start3A_289, %dma_start3A_290] : memref<24x128xf32, #tpu.memory_space<vmem>> -> memref<1x128xf32, #tpu.memory_space<vmem>>
    %dma_start3A_292 = tpu.memref_squeeze %dma_start3A_291 : memref<1x128xf32, #tpu.memory_space<vmem>> -> memref<128xf32, #tpu.memory_space<vmem>>
    %dma_start3A_293 = arith.constant 0 : i32
    %dma_start3A_294 = tpu.memref_slice %arg13[%dma_start3A, %dma_start3A_293] : memref<392x128xi32, #tpu.memory_space<vmem>> -> memref<1x128xi32, #tpu.memory_space<vmem>>
    %dma_start3A_295 = tpu.memref_squeeze %dma_start3A_294 : memref<1x128xi32, #tpu.memory_space<vmem>> -> memref<128xi32, #tpu.memory_space<vmem>>
    %dma_start3A_296 = arith.constant 0 : i32
    %dma_start3A_297 = tpu.memref_slice %arg20[%dma_start3A_296] : memref<50176xf32, #tpu.memory_space<vmem_shared>> -> memref<50176xf32, #tpu.memory_space<vmem_shared>>
    tpu.enqueue_indirect_dma source(%dma_start3A_297 : memref<50176xf32, #tpu.memory_space<vmem_shared>>) target(%dma_start3A_292 : memref<128xf32, #tpu.memory_space<vmem>>) offsets(%dma_start3A_295 : memref<128xi32, #tpu.memory_space<vmem>>) semaphore(%arg21 : memref<!tpu.dma_semaphore, #tpu.memory_space<semaphore_mem>>)
    %dma_start3A_298 = arith.constant 1 : i32
    %dma_start3A_299 = arith.constant 1 : i32
    %dma_start3A_300 = arith.constant 0 : i32
    %dma_start3A_301 = tpu.memref_slice %arg15[%dma_start3A_299, %dma_start3A_300] : memref<24x128xf32, #tpu.memory_space<vmem>> -> memref<1x128xf32, #tpu.memory_space<vmem>>
    %dma_start3A_302 = tpu.memref_squeeze %dma_start3A_301 : memref<1x128xf32, #tpu.memory_space<vmem>> -> memref<128xf32, #tpu.memory_space<vmem>>
    %dma_start3A_303 = arith.constant 0 : i32
    %dma_start3A_304 = tpu.memref_slice %arg13[%dma_start3A_298, %dma_start3A_303] : memref<392x128xi32, #tpu.memory_space<vmem>> -> memref<1x128xi32, #tpu.memory_space<vmem>>
    %dma_start3A_305 = tpu.memref_squeeze %dma_start3A_304 : memref<1x128xi32, #tpu.memory_space<vmem>> -> memref<128xi32, #tpu.memory_space<vmem>>
    %dma_start3A_306 = arith.constant 0 : i32
    %dma_start3A_307 = tpu.memref_slice %arg20[%dma_start3A_306] : memref<50176xf32, #tpu.memory_space<vmem_shared>> -> memref<50176xf32, #tpu.memory_space<vmem_shared>>
    tpu.enqueue_indirect_dma source(%dma_start3A_307 : memref<50176xf32, #tpu.memory_space<vmem_shared>>) target(%dma_start3A_302 : memref<128xf32, #tpu.memory_space<vmem>>) offsets(%dma_start3A_305 : memref<128xi32, #tpu.memory_space<vmem>>) semaphore(%arg21 : memref<!tpu.dma_semaphore, #tpu.memory_space<semaphore_mem>>)
    %dma_start3A_308 = arith.constant 2 : i32
    %dma_start3A_309 = arith.constant 2 : i32
    %dma_start3A_310 = arith.constant 0 : i32
    %dma_start3A_311 = tpu.memref_slice %arg15[%dma_start3A_309, %dma_start3A_310] : memref<24x128xf32, #tpu.memory_space<vmem>> -> memref<1x128xf32, #tpu.memory_space<vmem>>
    %dma_start3A_312 = tpu.memref_squeeze %dma_start3A_311 : memref<1x128xf32, #tpu.memory_space<vmem>> -> memref<128xf32, #tpu.memory_space<vmem>>
    %dma_start3A_313 = arith.constant 0 : i32
    %dma_start3A_314 = tpu.memref_slice %arg13[%dma_start3A_308, %dma_start3A_313] : memref<392x128xi32, #tpu.memory_space<vmem>> -> memref<1x128xi32, #tpu.memory_space<vmem>>
    %dma_start3A_315 = tpu.memref_squeeze %dma_start3A_314 : memref<1x128xi32, #tpu.memory_space<vmem>> -> memref<128xi32, #tpu.memory_space<vmem>>
    %dma_start3A_316 = arith.constant 0 : i32
    %dma_start3A_317 = tpu.memref_slice %arg20[%dma_start3A_316] : memref<50176xf32, #tpu.memory_space<vmem_shared>> -> memref<50176xf32, #tpu.memory_space<vmem_shared>>
    tpu.enqueue_indirect_dma source(%dma_start3A_317 : memref<50176xf32, #tpu.memory_space<vmem_shared>>) target(%dma_start3A_312 : memref<128xf32, #tpu.memory_space<vmem>>) offsets(%dma_start3A_315 : memref<128xi32, #tpu.memory_space<vmem>>) semaphore(%arg21 : memref<!tpu.dma_semaphore, #tpu.memory_space<semaphore_mem>>)
    %dma_start3A_318 = arith.constant 3 : i32
    %dma_start3A_319 = arith.constant 3 : i32
    %dma_start3A_320 = arith.constant 0 : i32
    %dma_start3A_321 = tpu.memref_slice %arg15[%dma_start3A_319, %dma_start3A_320] : memref<24x128xf32, #tpu.memory_space<vmem>> -> memref<1x128xf32, #tpu.memory_space<vmem>>
    %dma_start3A_322 = tpu.memref_squeeze %dma_start3A_321 : memref<1x128xf32, #tpu.memory_space<vmem>> -> memref<128xf32, #tpu.memory_space<vmem>>
    %dma_start3A_323 = arith.constant 0 : i32
    %dma_start3A_324 = tpu.memref_slice %arg13[%dma_start3A_318, %dma_start3A_323] : memref<392x128xi32, #tpu.memory_space<vmem>> -> memref<1x128xi32, #tpu.memory_space<vmem>>
    %dma_start3A_325 = tpu.memref_squeeze %dma_start3A_324 : memref<1x128xi32, #tpu.memory_space<vmem>> -> memref<128xi32, #tpu.memory_space<vmem>>
    %dma_start3A_326 = arith.constant 0 : i32
    %dma_start3A_327 = tpu.memref_slice %arg20[%dma_start3A_326] : memref<50176xf32, #tpu.memory_space<vmem_shared>> -> memref<50176xf32, #tpu.memory_space<vmem_shared>>
    tpu.enqueue_indirect_dma source(%dma_start3A_327 : memref<50176xf32, #tpu.memory_space<vmem_shared>>) target(%dma_start3A_322 : memref<128xf32, #tpu.memory_space<vmem>>) offsets(%dma_start3A_325 : memref<128xi32, #tpu.memory_space<vmem>>) semaphore(%arg21 : memref<!tpu.dma_semaphore, #tpu.memory_space<semaphore_mem>>)
    %dma_start3A_328 = arith.constant 4 : i32
    %dma_start3A_329 = arith.constant 4 : i32
    %dma_start3A_330 = arith.constant 0 : i32
    %dma_start3A_331 = tpu.memref_slice %arg15[%dma_start3A_329, %dma_start3A_330] : memref<24x128xf32, #tpu.memory_space<vmem>> -> memref<1x128xf32, #tpu.memory_space<vmem>>
    %dma_start3A_332 = tpu.memref_squeeze %dma_start3A_331 : memref<1x128xf32, #tpu.memory_space<vmem>> -> memref<128xf32, #tpu.memory_space<vmem>>
    %dma_start3A_333 = arith.constant 0 : i32
    %dma_start3A_334 = tpu.memref_slice %arg13[%dma_start3A_328, %dma_start3A_333] : memref<392x128xi32, #tpu.memory_space<vmem>> -> memref<1x128xi32, #tpu.memory_space<vmem>>
    %dma_start3A_335 = tpu.memref_squeeze %dma_start3A_334 : memref<1x128xi32, #tpu.memory_space<vmem>> -> memref<128xi32, #tpu.memory_space<vmem>>
    %dma_start3A_336 = arith.constant 0 : i32
    %dma_start3A_337 = tpu.memref_slice %arg20[%dma_start3A_336] : memref<50176xf32, #tpu.memory_space<vmem_shared>> -> memref<50176xf32, #tpu.memory_space<vmem_shared>>
    tpu.enqueue_indirect_dma source(%dma_start3A_337 : memref<50176xf32, #tpu.memory_space<vmem_shared>>) target(%dma_start3A_332 : memref<128xf32, #tpu.memory_space<vmem>>) offsets(%dma_start3A_335 : memref<128xi32, #tpu.memory_space<vmem>>) semaphore(%arg21 : memref<!tpu.dma_semaphore, #tpu.memory_space<semaphore_mem>>)
    %dma_start3A_338 = arith.constant 5 : i32
    %dma_start3A_339 = arith.constant 5 : i32
    %dma_start3A_340 = arith.constant 0 : i32
    %dma_start3A_341 = tpu.memref_slice %arg15[%dma_start3A_339, %dma_start3A_340] : memref<24x128xf32, #tpu.memory_space<vmem>> -> memref<1x128xf32, #tpu.memory_space<vmem>>
    %dma_start3A_342 = tpu.memref_squeeze %dma_start3A_341 : memref<1x128xf32, #tpu.memory_space<vmem>> -> memref<128xf32, #tpu.memory_space<vmem>>
    %dma_start3A_343 = arith.constant 0 : i32
    %dma_start3A_344 = tpu.memref_slice %arg13[%dma_start3A_338, %dma_start3A_343] : memref<392x128xi32, #tpu.memory_space<vmem>> -> memref<1x128xi32, #tpu.memory_space<vmem>>
    %dma_start3A_345 = tpu.memref_squeeze %dma_start3A_344 : memref<1x128xi32, #tpu.memory_space<vmem>> -> memref<128xi32, #tpu.memory_space<vmem>>
    %dma_start3A_346 = arith.constant 0 : i32
    %dma_start3A_347 = tpu.memref_slice %arg20[%dma_start3A_346] : memref<50176xf32, #tpu.memory_space<vmem_shared>> -> memref<50176xf32, #tpu.memory_space<vmem_shared>>
    tpu.enqueue_indirect_dma source(%dma_start3A_347 : memref<50176xf32, #tpu.memory_space<vmem_shared>>) target(%dma_start3A_342 : memref<128xf32, #tpu.memory_space<vmem>>) offsets(%dma_start3A_345 : memref<128xi32, #tpu.memory_space<vmem>>) semaphore(%arg21 : memref<!tpu.dma_semaphore, #tpu.memory_space<semaphore_mem>>)
    %dma_start3A_348 = arith.constant 6 : i32
    %dma_start3A_349 = arith.constant 6 : i32
    %dma_start3A_350 = arith.constant 0 : i32
    %dma_start3A_351 = tpu.memref_slice %arg15[%dma_start3A_349, %dma_start3A_350] : memref<24x128xf32, #tpu.memory_space<vmem>> -> memref<1x128xf32, #tpu.memory_space<vmem>>
    %dma_start3A_352 = tpu.memref_squeeze %dma_start3A_351 : memref<1x128xf32, #tpu.memory_space<vmem>> -> memref<128xf32, #tpu.memory_space<vmem>>
    %dma_start3A_353 = arith.constant 0 : i32
    %dma_start3A_354 = tpu.memref_slice %arg13[%dma_start3A_348, %dma_start3A_353] : memref<392x128xi32, #tpu.memory_space<vmem>> -> memref<1x128xi32, #tpu.memory_space<vmem>>
    %dma_start3A_355 = tpu.memref_squeeze %dma_start3A_354 : memref<1x128xi32, #tpu.memory_space<vmem>> -> memref<128xi32, #tpu.memory_space<vmem>>
    %dma_start3A_356 = arith.constant 0 : i32
    %dma_start3A_357 = tpu.memref_slice %arg20[%dma_start3A_356] : memref<50176xf32, #tpu.memory_space<vmem_shared>> -> memref<50176xf32, #tpu.memory_space<vmem_shared>>
    tpu.enqueue_indirect_dma source(%dma_start3A_357 : memref<50176xf32, #tpu.memory_space<vmem_shared>>) target(%dma_start3A_352 : memref<128xf32, #tpu.memory_space<vmem>>) offsets(%dma_start3A_355 : memref<128xi32, #tpu.memory_space<vmem>>) semaphore(%arg21 : memref<!tpu.dma_semaphore, #tpu.memory_space<semaphore_mem>>)
    %dma_start3A_358 = arith.constant 7 : i32
    %dma_start3A_359 = arith.constant 7 : i32
    %dma_start3A_360 = arith.constant 0 : i32
    %dma_start3A_361 = tpu.memref_slice %arg15[%dma_start3A_359, %dma_start3A_360] : memref<24x128xf32, #tpu.memory_space<vmem>> -> memref<1x128xf32, #tpu.memory_space<vmem>>
    %dma_start3A_362 = tpu.memref_squeeze %dma_start3A_361 : memref<1x128xf32, #tpu.memory_space<vmem>> -> memref<128xf32, #tpu.memory_space<vmem>>
    %dma_start3A_363 = arith.constant 0 : i32
    %dma_start3A_364 = tpu.memref_slice %arg13[%dma_start3A_358, %dma_start3A_363] : memref<392x128xi32, #tpu.memory_space<vmem>> -> memref<1x128xi32, #tpu.memory_space<vmem>>
    %dma_start3A_365 = tpu.memref_squeeze %dma_start3A_364 : memref<1x128xi32, #tpu.memory_space<vmem>> -> memref<128xi32, #tpu.memory_space<vmem>>
    %dma_start3A_366 = arith.constant 0 : i32
    %dma_start3A_367 = tpu.memref_slice %arg20[%dma_start3A_366] : memref<50176xf32, #tpu.memory_space<vmem_shared>> -> memref<50176xf32, #tpu.memory_space<vmem_shared>>
    tpu.enqueue_indirect_dma source(%dma_start3A_367 : memref<50176xf32, #tpu.memory_space<vmem_shared>>) target(%dma_start3A_362 : memref<128xf32, #tpu.memory_space<vmem>>) offsets(%dma_start3A_365 : memref<128xi32, #tpu.memory_space<vmem>>) semaphore(%arg21 : memref<!tpu.dma_semaphore, #tpu.memory_space<semaphore_mem>>)
    %scan3A_368 = arith.constant 0 : i32
    %scan3A_369 = arith.constant 49 : i32
    %scan3A_370 = arith.addi %scan3A_368, %scan3A_369 : i32
    %scan3A_371 = arith.constant 1 : i32
    scf.for %scan3A_628 = %scan3A_368 to %scan3A_370 step %scan3A_371  : i32 {
      %mul3A_629 = arith.constant 8 : i32
      %mul3A_630 = arith.muli %scan3A_628, %mul3A_629 : i32
      %jit3A = arith.constant 3 : i32
      %eq3A_631 = arith.constant 0 : i32
      %eq3A_632 = arith.cmpi eq, %jit3A, %eq3A_631 : i32
      %jit3A_633 = arith.constant 1 : i32
      %select_n3A = arith.select %eq3A_632, %jit3A_633, %jit3A : i32
      %rem3A = arith.remsi %scan3A_628, %select_n3A : i32
      %ne3A = arith.constant 0 : i32
      %ne3A_634 = arith.cmpi ne, %rem3A, %ne3A : i32
      %lt3A = arith.constant 0 : i32
      %lt3A_635 = arith.cmpi slt, %rem3A, %lt3A : i32
      %lt3A_636 = arith.constant 0 : i32
      %lt3A_637 = arith.cmpi slt, %select_n3A, %lt3A_636 : i32
      %ne3A_638 = arith.xori %lt3A_635, %lt3A_637 : i1
      %and3A = arith.andi %ne3A_638, %ne3A_634 : i1
      %add3A_639 = arith.addi %rem3A, %select_n3A : i32
      %select_n3A_640 = arith.select %and3A, %add3A_639, %rem3A : i32
      %mul3A_641 = arith.constant 8 : i32
      %mul3A_642 = arith.muli %select_n3A_640, %mul3A_641 : i32
      %add3A_643 = arith.constant 1 : i32
      %add3A_644 = arith.addi %scan3A_628, %add3A_643 : i32
      %lt3A_645 = arith.constant 49 : i32
      %lt3A_646 = arith.cmpi slt, %add3A_644, %lt3A_645 : i32
      %convert_element_type3A_647 = arith.extui %lt3A_646 : i1 to i32
      %cond3A_648 = arith.constant 0 : i32
      %cond3A_649 = arith.cmpi ne, %convert_element_type3A_647, %cond3A_648 : i32
      scf.if %cond3A_649 {
        %add3A_866 = arith.constant 1 : i32
        %add3A_867 = arith.addi %scan3A_628, %add3A_866 : i32
        %mul3A_868 = arith.constant 8 : i32
        %mul3A_869 = arith.muli %add3A_867, %mul3A_868 : i32
        %jit3A_870 = arith.constant 3 : i32
        %eq3A_871 = arith.constant 0 : i32
        %eq3A_872 = arith.cmpi eq, %jit3A_870, %eq3A_871 : i32
        %jit3A_873 = arith.constant 1 : i32
        %select_n3A_874 = arith.select %eq3A_872, %jit3A_873, %jit3A_870 : i32
        %rem3A_875 = arith.remsi %add3A_867, %select_n3A_874 : i32
        %ne3A_876 = arith.constant 0 : i32
        %ne3A_877 = arith.cmpi ne, %rem3A_875, %ne3A_876 : i32
        %lt3A_878 = arith.constant 0 : i32
        %lt3A_879 = arith.cmpi slt, %rem3A_875, %lt3A_878 : i32
        %lt3A_880 = arith.constant 0 : i32
        %lt3A_881 = arith.cmpi slt, %select_n3A_874, %lt3A_880 : i32
        %ne3A_882 = arith.xori %lt3A_879, %lt3A_881 : i1
        %and3A_883 = arith.andi %ne3A_882, %ne3A_877 : i1
        %add3A_884 = arith.addi %rem3A_875, %select_n3A_874 : i32
        %select_n3A_885 = arith.select %and3A_883, %add3A_884, %rem3A_875 : i32
        %mul3A_886 = arith.constant 8 : i32
        %mul3A_887 = arith.muli %select_n3A_885, %mul3A_886 : i32
        %add3A_888 = arith.constant 0 : i32
        %add3A_889 = arith.addi %mul3A_869, %add3A_888 : i32
        %add3A_890 = arith.constant 0 : i32
        %add3A_891 = arith.addi %mul3A_887, %add3A_890 : i32
        %dma_start3A_892 = arith.constant 0 : i32
        %dma_start3A_893 = tpu.memref_slice %arg15[%add3A_891, %dma_start3A_892] : memref<24x128xf32, #tpu.memory_space<vmem>> -> memref<1x128xf32, #tpu.memory_space<vmem>>
        %dma_start3A_894 = tpu.memref_squeeze %dma_start3A_893 : memref<1x128xf32, #tpu.memory_space<vmem>> -> memref<128xf32, #tpu.memory_space<vmem>>
        %dma_start3A_895 = arith.constant 0 : i32
        %dma_start3A_896 = tpu.memref_slice %arg13[%add3A_889, %dma_start3A_895] : memref<392x128xi32, #tpu.memory_space<vmem>> -> memref<1x128xi32, #tpu.memory_space<vmem>>
        %dma_start3A_897 = tpu.memref_squeeze %dma_start3A_896 : memref<1x128xi32, #tpu.memory_space<vmem>> -> memref<128xi32, #tpu.memory_space<vmem>>
        %dma_start3A_898 = arith.constant 0 : i32
        %dma_start3A_899 = tpu.memref_slice %arg20[%dma_start3A_898] : memref<50176xf32, #tpu.memory_space<vmem_shared>> -> memref<50176xf32, #tpu.memory_space<vmem_shared>>
        tpu.enqueue_indirect_dma source(%dma_start3A_899 : memref<50176xf32, #tpu.memory_space<vmem_shared>>) target(%dma_start3A_894 : memref<128xf32, #tpu.memory_space<vmem>>) offsets(%dma_start3A_897 : memref<128xi32, #tpu.memory_space<vmem>>) semaphore(%arg21 : memref<!tpu.dma_semaphore, #tpu.memory_space<semaphore_mem>>)
        %add3A_900 = arith.constant 1 : i32
        %add3A_901 = arith.addi %mul3A_869, %add3A_900 : i32
        %add3A_902 = arith.constant 1 : i32
        %add3A_903 = arith.addi %mul3A_887, %add3A_902 : i32
        %dma_start3A_904 = arith.constant 0 : i32
        %dma_start3A_905 = tpu.memref_slice %arg15[%add3A_903, %dma_start3A_904] : memref<24x128xf32, #tpu.memory_space<vmem>> -> memref<1x128xf32, #tpu.memory_space<vmem>>
        %dma_start3A_906 = tpu.memref_squeeze %dma_start3A_905 : memref<1x128xf32, #tpu.memory_space<vmem>> -> memref<128xf32, #tpu.memory_space<vmem>>
        %dma_start3A_907 = arith.constant 0 : i32
        %dma_start3A_908 = tpu.memref_slice %arg13[%add3A_901, %dma_start3A_907] : memref<392x128xi32, #tpu.memory_space<vmem>> -> memref<1x128xi32, #tpu.memory_space<vmem>>
        %dma_start3A_909 = tpu.memref_squeeze %dma_start3A_908 : memref<1x128xi32, #tpu.memory_space<vmem>> -> memref<128xi32, #tpu.memory_space<vmem>>
        %dma_start3A_910 = arith.constant 0 : i32
        %dma_start3A_911 = tpu.memref_slice %arg20[%dma_start3A_910] : memref<50176xf32, #tpu.memory_space<vmem_shared>> -> memref<50176xf32, #tpu.memory_space<vmem_shared>>
        tpu.enqueue_indirect_dma source(%dma_start3A_911 : memref<50176xf32, #tpu.memory_space<vmem_shared>>) target(%dma_start3A_906 : memref<128xf32, #tpu.memory_space<vmem>>) offsets(%dma_start3A_909 : memref<128xi32, #tpu.memory_space<vmem>>) semaphore(%arg21 : memref<!tpu.dma_semaphore, #tpu.memory_space<semaphore_mem>>)
        %add3A_912 = arith.constant 2 : i32
        %add3A_913 = arith.addi %mul3A_869, %add3A_912 : i32
        %add3A_914 = arith.constant 2 : i32
        %add3A_915 = arith.addi %mul3A_887, %add3A_914 : i32
        %dma_start3A_916 = arith.constant 0 : i32
        %dma_start3A_917 = tpu.memref_slice %arg15[%add3A_915, %dma_start3A_916] : memref<24x128xf32, #tpu.memory_space<vmem>> -> memref<1x128xf32, #tpu.memory_space<vmem>>
        %dma_start3A_918 = tpu.memref_squeeze %dma_start3A_917 : memref<1x128xf32, #tpu.memory_space<vmem>> -> memref<128xf32, #tpu.memory_space<vmem>>
        %dma_start3A_919 = arith.constant 0 : i32
        %dma_start3A_920 = tpu.memref_slice %arg13[%add3A_913, %dma_start3A_919] : memref<392x128xi32, #tpu.memory_space<vmem>> -> memref<1x128xi32, #tpu.memory_space<vmem>>
        %dma_start3A_921 = tpu.memref_squeeze %dma_start3A_920 : memref<1x128xi32, #tpu.memory_space<vmem>> -> memref<128xi32, #tpu.memory_space<vmem>>
        %dma_start3A_922 = arith.constant 0 : i32
        %dma_start3A_923 = tpu.memref_slice %arg20[%dma_start3A_922] : memref<50176xf32, #tpu.memory_space<vmem_shared>> -> memref<50176xf32, #tpu.memory_space<vmem_shared>>
        tpu.enqueue_indirect_dma source(%dma_start3A_923 : memref<50176xf32, #tpu.memory_space<vmem_shared>>) target(%dma_start3A_918 : memref<128xf32, #tpu.memory_space<vmem>>) offsets(%dma_start3A_921 : memref<128xi32, #tpu.memory_space<vmem>>) semaphore(%arg21 : memref<!tpu.dma_semaphore, #tpu.memory_space<semaphore_mem>>)
        %add3A_924 = arith.constant 3 : i32
        %add3A_925 = arith.addi %mul3A_869, %add3A_924 : i32
        %add3A_926 = arith.constant 3 : i32
        %add3A_927 = arith.addi %mul3A_887, %add3A_926 : i32
        %dma_start3A_928 = arith.constant 0 : i32
        %dma_start3A_929 = tpu.memref_slice %arg15[%add3A_927, %dma_start3A_928] : memref<24x128xf32, #tpu.memory_space<vmem>> -> memref<1x128xf32, #tpu.memory_space<vmem>>
        %dma_start3A_930 = tpu.memref_squeeze %dma_start3A_929 : memref<1x128xf32, #tpu.memory_space<vmem>> -> memref<128xf32, #tpu.memory_space<vmem>>
        %dma_start3A_931 = arith.constant 0 : i32
        %dma_start3A_932 = tpu.memref_slice %arg13[%add3A_925, %dma_start3A_931] : memref<392x128xi32, #tpu.memory_space<vmem>> -> memref<1x128xi32, #tpu.memory_space<vmem>>
        %dma_start3A_933 = tpu.memref_squeeze %dma_start3A_932 : memref<1x128xi32, #tpu.memory_space<vmem>> -> memref<128xi32, #tpu.memory_space<vmem>>
        %dma_start3A_934 = arith.constant 0 : i32
        %dma_start3A_935 = tpu.memref_slice %arg20[%dma_start3A_934] : memref<50176xf32, #tpu.memory_space<vmem_shared>> -> memref<50176xf32, #tpu.memory_space<vmem_shared>>
        tpu.enqueue_indirect_dma source(%dma_start3A_935 : memref<50176xf32, #tpu.memory_space<vmem_shared>>) target(%dma_start3A_930 : memref<128xf32, #tpu.memory_space<vmem>>) offsets(%dma_start3A_933 : memref<128xi32, #tpu.memory_space<vmem>>) semaphore(%arg21 : memref<!tpu.dma_semaphore, #tpu.memory_space<semaphore_mem>>)
        %add3A_936 = arith.constant 4 : i32
        %add3A_937 = arith.addi %mul3A_869, %add3A_936 : i32
        %add3A_938 = arith.constant 4 : i32
        %add3A_939 = arith.addi %mul3A_887, %add3A_938 : i32
        %dma_start3A_940 = arith.constant 0 : i32
        %dma_start3A_941 = tpu.memref_slice %arg15[%add3A_939, %dma_start3A_940] : memref<24x128xf32, #tpu.memory_space<vmem>> -> memref<1x128xf32, #tpu.memory_space<vmem>>
        %dma_start3A_942 = tpu.memref_squeeze %dma_start3A_941 : memref<1x128xf32, #tpu.memory_space<vmem>> -> memref<128xf32, #tpu.memory_space<vmem>>
        %dma_start3A_943 = arith.constant 0 : i32
        %dma_start3A_944 = tpu.memref_slice %arg13[%add3A_937, %dma_start3A_943] : memref<392x128xi32, #tpu.memory_space<vmem>> -> memref<1x128xi32, #tpu.memory_space<vmem>>
        %dma_start3A_945 = tpu.memref_squeeze %dma_start3A_944 : memref<1x128xi32, #tpu.memory_space<vmem>> -> memref<128xi32, #tpu.memory_space<vmem>>
        %dma_start3A_946 = arith.constant 0 : i32
        %dma_start3A_947 = tpu.memref_slice %arg20[%dma_start3A_946] : memref<50176xf32, #tpu.memory_space<vmem_shared>> -> memref<50176xf32, #tpu.memory_space<vmem_shared>>
        tpu.enqueue_indirect_dma source(%dma_start3A_947 : memref<50176xf32, #tpu.memory_space<vmem_shared>>) target(%dma_start3A_942 : memref<128xf32, #tpu.memory_space<vmem>>) offsets(%dma_start3A_945 : memref<128xi32, #tpu.memory_space<vmem>>) semaphore(%arg21 : memref<!tpu.dma_semaphore, #tpu.memory_space<semaphore_mem>>)
        %add3A_948 = arith.constant 5 : i32
        %add3A_949 = arith.addi %mul3A_869, %add3A_948 : i32
        %add3A_950 = arith.constant 5 : i32
        %add3A_951 = arith.addi %mul3A_887, %add3A_950 : i32
        %dma_start3A_952 = arith.constant 0 : i32
        %dma_start3A_953 = tpu.memref_slice %arg15[%add3A_951, %dma_start3A_952] : memref<24x128xf32, #tpu.memory_space<vmem>> -> memref<1x128xf32, #tpu.memory_space<vmem>>
        %dma_start3A_954 = tpu.memref_squeeze %dma_start3A_953 : memref<1x128xf32, #tpu.memory_space<vmem>> -> memref<128xf32, #tpu.memory_space<vmem>>
        %dma_start3A_955 = arith.constant 0 : i32
        %dma_start3A_956 = tpu.memref_slice %arg13[%add3A_949, %dma_start3A_955] : memref<392x128xi32, #tpu.memory_space<vmem>> -> memref<1x128xi32, #tpu.memory_space<vmem>>
        %dma_start3A_957 = tpu.memref_squeeze %dma_start3A_956 : memref<1x128xi32, #tpu.memory_space<vmem>> -> memref<128xi32, #tpu.memory_space<vmem>>
        %dma_start3A_958 = arith.constant 0 : i32
        %dma_start3A_959 = tpu.memref_slice %arg20[%dma_start3A_958] : memref<50176xf32, #tpu.memory_space<vmem_shared>> -> memref<50176xf32, #tpu.memory_space<vmem_shared>>
        tpu.enqueue_indirect_dma source(%dma_start3A_959 : memref<50176xf32, #tpu.memory_space<vmem_shared>>) target(%dma_start3A_954 : memref<128xf32, #tpu.memory_space<vmem>>) offsets(%dma_start3A_957 : memref<128xi32, #tpu.memory_space<vmem>>) semaphore(%arg21 : memref<!tpu.dma_semaphore, #tpu.memory_space<semaphore_mem>>)
        %add3A_960 = arith.constant 6 : i32
        %add3A_961 = arith.addi %mul3A_869, %add3A_960 : i32
        %add3A_962 = arith.constant 6 : i32
        %add3A_963 = arith.addi %mul3A_887, %add3A_962 : i32
        %dma_start3A_964 = arith.constant 0 : i32
        %dma_start3A_965 = tpu.memref_slice %arg15[%add3A_963, %dma_start3A_964] : memref<24x128xf32, #tpu.memory_space<vmem>> -> memref<1x128xf32, #tpu.memory_space<vmem>>
        %dma_start3A_966 = tpu.memref_squeeze %dma_start3A_965 : memref<1x128xf32, #tpu.memory_space<vmem>> -> memref<128xf32, #tpu.memory_space<vmem>>
        %dma_start3A_967 = arith.constant 0 : i32
        %dma_start3A_968 = tpu.memref_slice %arg13[%add3A_961, %dma_start3A_967] : memref<392x128xi32, #tpu.memory_space<vmem>> -> memref<1x128xi32, #tpu.memory_space<vmem>>
        %dma_start3A_969 = tpu.memref_squeeze %dma_start3A_968 : memref<1x128xi32, #tpu.memory_space<vmem>> -> memref<128xi32, #tpu.memory_space<vmem>>
        %dma_start3A_970 = arith.constant 0 : i32
        %dma_start3A_971 = tpu.memref_slice %arg20[%dma_start3A_970] : memref<50176xf32, #tpu.memory_space<vmem_shared>> -> memref<50176xf32, #tpu.memory_space<vmem_shared>>
        tpu.enqueue_indirect_dma source(%dma_start3A_971 : memref<50176xf32, #tpu.memory_space<vmem_shared>>) target(%dma_start3A_966 : memref<128xf32, #tpu.memory_space<vmem>>) offsets(%dma_start3A_969 : memref<128xi32, #tpu.memory_space<vmem>>) semaphore(%arg21 : memref<!tpu.dma_semaphore, #tpu.memory_space<semaphore_mem>>)
        %add3A_972 = arith.constant 7 : i32
        %add3A_973 = arith.addi %mul3A_869, %add3A_972 : i32
        %add3A_974 = arith.constant 7 : i32
        %add3A_975 = arith.addi %mul3A_887, %add3A_974 : i32
        %dma_start3A_976 = arith.constant 0 : i32
        %dma_start3A_977 = tpu.memref_slice %arg15[%add3A_975, %dma_start3A_976] : memref<24x128xf32, #tpu.memory_space<vmem>> -> memref<1x128xf32, #tpu.memory_space<vmem>>
        %dma_start3A_978 = tpu.memref_squeeze %dma_start3A_977 : memref<1x128xf32, #tpu.memory_space<vmem>> -> memref<128xf32, #tpu.memory_space<vmem>>
        %dma_start3A_979 = arith.constant 0 : i32
        %dma_start3A_980 = tpu.memref_slice %arg13[%add3A_973, %dma_start3A_979] : memref<392x128xi32, #tpu.memory_space<vmem>> -> memref<1x128xi32, #tpu.memory_space<vmem>>
        %dma_start3A_981 = tpu.memref_squeeze %dma_start3A_980 : memref<1x128xi32, #tpu.memory_space<vmem>> -> memref<128xi32, #tpu.memory_space<vmem>>
        %dma_start3A_982 = arith.constant 0 : i32
        %dma_start3A_983 = tpu.memref_slice %arg20[%dma_start3A_982] : memref<50176xf32, #tpu.memory_space<vmem_shared>> -> memref<50176xf32, #tpu.memory_space<vmem_shared>>
        tpu.enqueue_indirect_dma source(%dma_start3A_983 : memref<50176xf32, #tpu.memory_space<vmem_shared>>) target(%dma_start3A_978 : memref<128xf32, #tpu.memory_space<vmem>>) offsets(%dma_start3A_981 : memref<128xi32, #tpu.memory_space<vmem>>) semaphore(%arg21 : memref<!tpu.dma_semaphore, #tpu.memory_space<semaphore_mem>>)
      } else {
      }
      %gt3A = arith.constant 0 : i32
      %gt3A_650 = arith.cmpi sgt, %scan3A_628, %gt3A : i32
      %convert_element_type3A_651 = arith.extui %gt3A_650 : i1 to i32
      %cond3A_652 = arith.constant 0 : i32
      %cond3A_653 = arith.cmpi ne, %convert_element_type3A_651, %cond3A_652 : i32
      scf.if %cond3A_653 {
        %sub3A = arith.constant 1 : i32
        %sub3A_866 = arith.subi %scan3A_628, %sub3A : i32
        %mul3A_867 = arith.constant 8 : i32
        %mul3A_868 = arith.muli %sub3A_866, %mul3A_867 : i32
        %jit3A_869 = arith.constant 2 : i32
        %eq3A_870 = arith.constant 0 : i32
        %eq3A_871 = arith.cmpi eq, %jit3A_869, %eq3A_870 : i32
        %jit3A_872 = arith.constant 1 : i32
        %select_n3A_873 = arith.select %eq3A_871, %jit3A_872, %jit3A_869 : i32
        %rem3A_874 = arith.remsi %sub3A_866, %select_n3A_873 : i32
        %ne3A_875 = arith.constant 0 : i32
        %ne3A_876 = arith.cmpi ne, %rem3A_874, %ne3A_875 : i32
        %lt3A_877 = arith.constant 0 : i32
        %lt3A_878 = arith.cmpi slt, %rem3A_874, %lt3A_877 : i32
        %lt3A_879 = arith.constant 0 : i32
        %lt3A_880 = arith.cmpi slt, %select_n3A_873, %lt3A_879 : i32
        %ne3A_881 = arith.xori %lt3A_878, %lt3A_880 : i1
        %and3A_882 = arith.andi %ne3A_881, %ne3A_876 : i1
        %add3A_883 = arith.addi %rem3A_874, %select_n3A_873 : i32
        %select_n3A_884 = arith.select %and3A_882, %add3A_883, %rem3A_874 : i32
        %mul3A_885 = arith.constant 8 : i32
        %mul3A_886 = arith.muli %select_n3A_884, %mul3A_885 : i32
        %add3A_887 = arith.constant 0 : i32
        %add3A_888 = arith.addi %mul3A_886, %add3A_887 : i32
        %add3A_889 = arith.constant 0 : i32
        %add3A_890 = arith.addi %mul3A_868, %add3A_889 : i32
        %dma_wait3A_891 = arith.constant 0 : i32
        %dma_wait3A_892 = tpu.memref_slice %arg15[%add3A_888, %dma_wait3A_891] : memref<24x128xf32, #tpu.memory_space<vmem>> -> memref<1x128xf32, #tpu.memory_space<vmem>>
        %dma_wait3A_893 = tpu.memref_squeeze %dma_wait3A_892 : memref<1x128xf32, #tpu.memory_space<vmem>> -> memref<128xf32, #tpu.memory_space<vmem>>
        %dma_wait3A_894 = arith.constant 0 : i32
        %dma_wait3A_895 = tpu.memref_slice %arg14[%add3A_890, %dma_wait3A_894] : memref<392x128xi32, #tpu.memory_space<vmem>> -> memref<1x128xi32, #tpu.memory_space<vmem>>
        %dma_wait3A_896 = tpu.memref_squeeze %dma_wait3A_895 : memref<1x128xi32, #tpu.memory_space<vmem>> -> memref<128xi32, #tpu.memory_space<vmem>>
        %dma_wait3A_897 = arith.constant 0 : i32
        %dma_wait3A_898 = tpu.memref_slice %arg19[%dma_wait3A_897] : memref<50176xf32, #tpu.memory_space<vmem_shared>> -> memref<50176xf32, #tpu.memory_space<vmem_shared>>
        tpu.wait_indirect_dma semaphore(%arg22 : memref<!tpu.dma_semaphore, #tpu.memory_space<semaphore_mem>>) src(%dma_wait3A_893 : memref<128xf32, #tpu.memory_space<vmem>>) dst(%dma_wait3A_898 : memref<50176xf32, #tpu.memory_space<vmem_shared>>)
        %add3A_899 = arith.constant 1 : i32
        %add3A_900 = arith.addi %mul3A_886, %add3A_899 : i32
        %add3A_901 = arith.constant 1 : i32
        %add3A_902 = arith.addi %mul3A_868, %add3A_901 : i32
        %dma_wait3A_903 = arith.constant 0 : i32
        %dma_wait3A_904 = tpu.memref_slice %arg15[%add3A_900, %dma_wait3A_903] : memref<24x128xf32, #tpu.memory_space<vmem>> -> memref<1x128xf32, #tpu.memory_space<vmem>>
        %dma_wait3A_905 = tpu.memref_squeeze %dma_wait3A_904 : memref<1x128xf32, #tpu.memory_space<vmem>> -> memref<128xf32, #tpu.memory_space<vmem>>
        %dma_wait3A_906 = arith.constant 0 : i32
        %dma_wait3A_907 = tpu.memref_slice %arg14[%add3A_902, %dma_wait3A_906] : memref<392x128xi32, #tpu.memory_space<vmem>> -> memref<1x128xi32, #tpu.memory_space<vmem>>
        %dma_wait3A_908 = tpu.memref_squeeze %dma_wait3A_907 : memref<1x128xi32, #tpu.memory_space<vmem>> -> memref<128xi32, #tpu.memory_space<vmem>>
        %dma_wait3A_909 = arith.constant 0 : i32
        %dma_wait3A_910 = tpu.memref_slice %arg19[%dma_wait3A_909] : memref<50176xf32, #tpu.memory_space<vmem_shared>> -> memref<50176xf32, #tpu.memory_space<vmem_shared>>
        tpu.wait_indirect_dma semaphore(%arg22 : memref<!tpu.dma_semaphore, #tpu.memory_space<semaphore_mem>>) src(%dma_wait3A_905 : memref<128xf32, #tpu.memory_space<vmem>>) dst(%dma_wait3A_910 : memref<50176xf32, #tpu.memory_space<vmem_shared>>)
        %add3A_911 = arith.constant 2 : i32
        %add3A_912 = arith.addi %mul3A_886, %add3A_911 : i32
        %add3A_913 = arith.constant 2 : i32
        %add3A_914 = arith.addi %mul3A_868, %add3A_913 : i32
        %dma_wait3A_915 = arith.constant 0 : i32
        %dma_wait3A_916 = tpu.memref_slice %arg15[%add3A_912, %dma_wait3A_915] : memref<24x128xf32, #tpu.memory_space<vmem>> -> memref<1x128xf32, #tpu.memory_space<vmem>>
        %dma_wait3A_917 = tpu.memref_squeeze %dma_wait3A_916 : memref<1x128xf32, #tpu.memory_space<vmem>> -> memref<128xf32, #tpu.memory_space<vmem>>
        %dma_wait3A_918 = arith.constant 0 : i32
        %dma_wait3A_919 = tpu.memref_slice %arg14[%add3A_914, %dma_wait3A_918] : memref<392x128xi32, #tpu.memory_space<vmem>> -> memref<1x128xi32, #tpu.memory_space<vmem>>
        %dma_wait3A_920 = tpu.memref_squeeze %dma_wait3A_919 : memref<1x128xi32, #tpu.memory_space<vmem>> -> memref<128xi32, #tpu.memory_space<vmem>>
        %dma_wait3A_921 = arith.constant 0 : i32
        %dma_wait3A_922 = tpu.memref_slice %arg19[%dma_wait3A_921] : memref<50176xf32, #tpu.memory_space<vmem_shared>> -> memref<50176xf32, #tpu.memory_space<vmem_shared>>
        tpu.wait_indirect_dma semaphore(%arg22 : memref<!tpu.dma_semaphore, #tpu.memory_space<semaphore_mem>>) src(%dma_wait3A_917 : memref<128xf32, #tpu.memory_space<vmem>>) dst(%dma_wait3A_922 : memref<50176xf32, #tpu.memory_space<vmem_shared>>)
        %add3A_923 = arith.constant 3 : i32
        %add3A_924 = arith.addi %mul3A_886, %add3A_923 : i32
        %add3A_925 = arith.constant 3 : i32
        %add3A_926 = arith.addi %mul3A_868, %add3A_925 : i32
        %dma_wait3A_927 = arith.constant 0 : i32
        %dma_wait3A_928 = tpu.memref_slice %arg15[%add3A_924, %dma_wait3A_927] : memref<24x128xf32, #tpu.memory_space<vmem>> -> memref<1x128xf32, #tpu.memory_space<vmem>>
        %dma_wait3A_929 = tpu.memref_squeeze %dma_wait3A_928 : memref<1x128xf32, #tpu.memory_space<vmem>> -> memref<128xf32, #tpu.memory_space<vmem>>
        %dma_wait3A_930 = arith.constant 0 : i32
        %dma_wait3A_931 = tpu.memref_slice %arg14[%add3A_926, %dma_wait3A_930] : memref<392x128xi32, #tpu.memory_space<vmem>> -> memref<1x128xi32, #tpu.memory_space<vmem>>
        %dma_wait3A_932 = tpu.memref_squeeze %dma_wait3A_931 : memref<1x128xi32, #tpu.memory_space<vmem>> -> memref<128xi32, #tpu.memory_space<vmem>>
        %dma_wait3A_933 = arith.constant 0 : i32
        %dma_wait3A_934 = tpu.memref_slice %arg19[%dma_wait3A_933] : memref<50176xf32, #tpu.memory_space<vmem_shared>> -> memref<50176xf32, #tpu.memory_space<vmem_shared>>
        tpu.wait_indirect_dma semaphore(%arg22 : memref<!tpu.dma_semaphore, #tpu.memory_space<semaphore_mem>>) src(%dma_wait3A_929 : memref<128xf32, #tpu.memory_space<vmem>>) dst(%dma_wait3A_934 : memref<50176xf32, #tpu.memory_space<vmem_shared>>)
        %add3A_935 = arith.constant 4 : i32
        %add3A_936 = arith.addi %mul3A_886, %add3A_935 : i32
        %add3A_937 = arith.constant 4 : i32
        %add3A_938 = arith.addi %mul3A_868, %add3A_937 : i32
        %dma_wait3A_939 = arith.constant 0 : i32
        %dma_wait3A_940 = tpu.memref_slice %arg15[%add3A_936, %dma_wait3A_939] : memref<24x128xf32, #tpu.memory_space<vmem>> -> memref<1x128xf32, #tpu.memory_space<vmem>>
        %dma_wait3A_941 = tpu.memref_squeeze %dma_wait3A_940 : memref<1x128xf32, #tpu.memory_space<vmem>> -> memref<128xf32, #tpu.memory_space<vmem>>
        %dma_wait3A_942 = arith.constant 0 : i32
        %dma_wait3A_943 = tpu.memref_slice %arg14[%add3A_938, %dma_wait3A_942] : memref<392x128xi32, #tpu.memory_space<vmem>> -> memref<1x128xi32, #tpu.memory_space<vmem>>
        %dma_wait3A_944 = tpu.memref_squeeze %dma_wait3A_943 : memref<1x128xi32, #tpu.memory_space<vmem>> -> memref<128xi32, #tpu.memory_space<vmem>>
        %dma_wait3A_945 = arith.constant 0 : i32
        %dma_wait3A_946 = tpu.memref_slice %arg19[%dma_wait3A_945] : memref<50176xf32, #tpu.memory_space<vmem_shared>> -> memref<50176xf32, #tpu.memory_space<vmem_shared>>
        tpu.wait_indirect_dma semaphore(%arg22 : memref<!tpu.dma_semaphore, #tpu.memory_space<semaphore_mem>>) src(%dma_wait3A_941 : memref<128xf32, #tpu.memory_space<vmem>>) dst(%dma_wait3A_946 : memref<50176xf32, #tpu.memory_space<vmem_shared>>)
        %add3A_947 = arith.constant 5 : i32
        %add3A_948 = arith.addi %mul3A_886, %add3A_947 : i32
        %add3A_949 = arith.constant 5 : i32
        %add3A_950 = arith.addi %mul3A_868, %add3A_949 : i32
        %dma_wait3A_951 = arith.constant 0 : i32
        %dma_wait3A_952 = tpu.memref_slice %arg15[%add3A_948, %dma_wait3A_951] : memref<24x128xf32, #tpu.memory_space<vmem>> -> memref<1x128xf32, #tpu.memory_space<vmem>>
        %dma_wait3A_953 = tpu.memref_squeeze %dma_wait3A_952 : memref<1x128xf32, #tpu.memory_space<vmem>> -> memref<128xf32, #tpu.memory_space<vmem>>
        %dma_wait3A_954 = arith.constant 0 : i32
        %dma_wait3A_955 = tpu.memref_slice %arg14[%add3A_950, %dma_wait3A_954] : memref<392x128xi32, #tpu.memory_space<vmem>> -> memref<1x128xi32, #tpu.memory_space<vmem>>
        %dma_wait3A_956 = tpu.memref_squeeze %dma_wait3A_955 : memref<1x128xi32, #tpu.memory_space<vmem>> -> memref<128xi32, #tpu.memory_space<vmem>>
        %dma_wait3A_957 = arith.constant 0 : i32
        %dma_wait3A_958 = tpu.memref_slice %arg19[%dma_wait3A_957] : memref<50176xf32, #tpu.memory_space<vmem_shared>> -> memref<50176xf32, #tpu.memory_space<vmem_shared>>
        tpu.wait_indirect_dma semaphore(%arg22 : memref<!tpu.dma_semaphore, #tpu.memory_space<semaphore_mem>>) src(%dma_wait3A_953 : memref<128xf32, #tpu.memory_space<vmem>>) dst(%dma_wait3A_958 : memref<50176xf32, #tpu.memory_space<vmem_shared>>)
        %add3A_959 = arith.constant 6 : i32
        %add3A_960 = arith.addi %mul3A_886, %add3A_959 : i32
        %add3A_961 = arith.constant 6 : i32
        %add3A_962 = arith.addi %mul3A_868, %add3A_961 : i32
        %dma_wait3A_963 = arith.constant 0 : i32
        %dma_wait3A_964 = tpu.memref_slice %arg15[%add3A_960, %dma_wait3A_963] : memref<24x128xf32, #tpu.memory_space<vmem>> -> memref<1x128xf32, #tpu.memory_space<vmem>>
        %dma_wait3A_965 = tpu.memref_squeeze %dma_wait3A_964 : memref<1x128xf32, #tpu.memory_space<vmem>> -> memref<128xf32, #tpu.memory_space<vmem>>
        %dma_wait3A_966 = arith.constant 0 : i32
        %dma_wait3A_967 = tpu.memref_slice %arg14[%add3A_962, %dma_wait3A_966] : memref<392x128xi32, #tpu.memory_space<vmem>> -> memref<1x128xi32, #tpu.memory_space<vmem>>
        %dma_wait3A_968 = tpu.memref_squeeze %dma_wait3A_967 : memref<1x128xi32, #tpu.memory_space<vmem>> -> memref<128xi32, #tpu.memory_space<vmem>>
        %dma_wait3A_969 = arith.constant 0 : i32
        %dma_wait3A_970 = tpu.memref_slice %arg19[%dma_wait3A_969] : memref<50176xf32, #tpu.memory_space<vmem_shared>> -> memref<50176xf32, #tpu.memory_space<vmem_shared>>
        tpu.wait_indirect_dma semaphore(%arg22 : memref<!tpu.dma_semaphore, #tpu.memory_space<semaphore_mem>>) src(%dma_wait3A_965 : memref<128xf32, #tpu.memory_space<vmem>>) dst(%dma_wait3A_970 : memref<50176xf32, #tpu.memory_space<vmem_shared>>)
        %add3A_971 = arith.constant 7 : i32
        %add3A_972 = arith.addi %mul3A_886, %add3A_971 : i32
        %add3A_973 = arith.constant 7 : i32
        %add3A_974 = arith.addi %mul3A_868, %add3A_973 : i32
        %dma_wait3A_975 = arith.constant 0 : i32
        %dma_wait3A_976 = tpu.memref_slice %arg15[%add3A_972, %dma_wait3A_975] : memref<24x128xf32, #tpu.memory_space<vmem>> -> memref<1x128xf32, #tpu.memory_space<vmem>>
        %dma_wait3A_977 = tpu.memref_squeeze %dma_wait3A_976 : memref<1x128xf32, #tpu.memory_space<vmem>> -> memref<128xf32, #tpu.memory_space<vmem>>
        %dma_wait3A_978 = arith.constant 0 : i32
        %dma_wait3A_979 = tpu.memref_slice %arg14[%add3A_974, %dma_wait3A_978] : memref<392x128xi32, #tpu.memory_space<vmem>> -> memref<1x128xi32, #tpu.memory_space<vmem>>
        %dma_wait3A_980 = tpu.memref_squeeze %dma_wait3A_979 : memref<1x128xi32, #tpu.memory_space<vmem>> -> memref<128xi32, #tpu.memory_space<vmem>>
        %dma_wait3A_981 = arith.constant 0 : i32
        %dma_wait3A_982 = tpu.memref_slice %arg19[%dma_wait3A_981] : memref<50176xf32, #tpu.memory_space<vmem_shared>> -> memref<50176xf32, #tpu.memory_space<vmem_shared>>
        tpu.wait_indirect_dma semaphore(%arg22 : memref<!tpu.dma_semaphore, #tpu.memory_space<semaphore_mem>>) src(%dma_wait3A_977 : memref<128xf32, #tpu.memory_space<vmem>>) dst(%dma_wait3A_982 : memref<50176xf32, #tpu.memory_space<vmem_shared>>)
      } else {
      }
      %mul3A_654 = arith.constant 8 : i32
      %mul3A_655 = arith.muli %scan3A_628, %mul3A_654 : i32
      %jit3A_656 = arith.constant 3 : i32
      %eq3A_657 = arith.constant 0 : i32
      %eq3A_658 = arith.cmpi eq, %jit3A_656, %eq3A_657 : i32
      %jit3A_659 = arith.constant 1 : i32
      %select_n3A_660 = arith.select %eq3A_658, %jit3A_659, %jit3A_656 : i32
      %rem3A_661 = arith.remsi %scan3A_628, %select_n3A_660 : i32
      %ne3A_662 = arith.constant 0 : i32
      %ne3A_663 = arith.cmpi ne, %rem3A_661, %ne3A_662 : i32
      %lt3A_664 = arith.constant 0 : i32
      %lt3A_665 = arith.cmpi slt, %rem3A_661, %lt3A_664 : i32
      %lt3A_666 = arith.constant 0 : i32
      %lt3A_667 = arith.cmpi slt, %select_n3A_660, %lt3A_666 : i32
      %ne3A_668 = arith.xori %lt3A_665, %lt3A_667 : i1
      %and3A_669 = arith.andi %ne3A_668, %ne3A_663 : i1
      %add3A_670 = arith.addi %rem3A_661, %select_n3A_660 : i32
      %select_n3A_671 = arith.select %and3A_669, %add3A_670, %rem3A_661 : i32
      %mul3A_672 = arith.constant 8 : i32
      %mul3A_673 = arith.muli %select_n3A_671, %mul3A_672 : i32
      %add3A_674 = arith.constant 0 : i32
      %add3A_675 = arith.addi %mul3A_655, %add3A_674 : i32
      %add3A_676 = arith.constant 0 : i32
      %add3A_677 = arith.addi %mul3A_673, %add3A_676 : i32
      %dma_wait3A_678 = arith.constant 0 : i32
      %dma_wait3A_679 = tpu.memref_slice %arg15[%add3A_677, %dma_wait3A_678] : memref<24x128xf32, #tpu.memory_space<vmem>> -> memref<1x128xf32, #tpu.memory_space<vmem>>
      %dma_wait3A_680 = tpu.memref_squeeze %dma_wait3A_679 : memref<1x128xf32, #tpu.memory_space<vmem>> -> memref<128xf32, #tpu.memory_space<vmem>>
      %dma_wait3A_681 = arith.constant 0 : i32
      %dma_wait3A_682 = tpu.memref_slice %arg13[%add3A_675, %dma_wait3A_681] : memref<392x128xi32, #tpu.memory_space<vmem>> -> memref<1x128xi32, #tpu.memory_space<vmem>>
      %dma_wait3A_683 = tpu.memref_squeeze %dma_wait3A_682 : memref<1x128xi32, #tpu.memory_space<vmem>> -> memref<128xi32, #tpu.memory_space<vmem>>
      %dma_wait3A_684 = arith.constant 0 : i32
      %dma_wait3A_685 = tpu.memref_slice %arg20[%dma_wait3A_684] : memref<50176xf32, #tpu.memory_space<vmem_shared>> -> memref<50176xf32, #tpu.memory_space<vmem_shared>>
      tpu.wait_indirect_dma semaphore(%arg21 : memref<!tpu.dma_semaphore, #tpu.memory_space<semaphore_mem>>) src(%dma_wait3A_685 : memref<50176xf32, #tpu.memory_space<vmem_shared>>) dst(%dma_wait3A_680 : memref<128xf32, #tpu.memory_space<vmem>>)
      %add3A_686 = arith.constant 1 : i32
      %add3A_687 = arith.addi %mul3A_655, %add3A_686 : i32
      %add3A_688 = arith.constant 1 : i32
      %add3A_689 = arith.addi %mul3A_673, %add3A_688 : i32
      %dma_wait3A_690 = arith.constant 0 : i32
      %dma_wait3A_691 = tpu.memref_slice %arg15[%add3A_689, %dma_wait3A_690] : memref<24x128xf32, #tpu.memory_space<vmem>> -> memref<1x128xf32, #tpu.memory_space<vmem>>
      %dma_wait3A_692 = tpu.memref_squeeze %dma_wait3A_691 : memref<1x128xf32, #tpu.memory_space<vmem>> -> memref<128xf32, #tpu.memory_space<vmem>>
      %dma_wait3A_693 = arith.constant 0 : i32
      %dma_wait3A_694 = tpu.memref_slice %arg13[%add3A_687, %dma_wait3A_693] : memref<392x128xi32, #tpu.memory_space<vmem>> -> memref<1x128xi32, #tpu.memory_space<vmem>>
      %dma_wait3A_695 = tpu.memref_squeeze %dma_wait3A_694 : memref<1x128xi32, #tpu.memory_space<vmem>> -> memref<128xi32, #tpu.memory_space<vmem>>
      %dma_wait3A_696 = arith.constant 0 : i32
      %dma_wait3A_697 = tpu.memref_slice %arg20[%dma_wait3A_696] : memref<50176xf32, #tpu.memory_space<vmem_shared>> -> memref<50176xf32, #tpu.memory_space<vmem_shared>>
      tpu.wait_indirect_dma semaphore(%arg21 : memref<!tpu.dma_semaphore, #tpu.memory_space<semaphore_mem>>) src(%dma_wait3A_697 : memref<50176xf32, #tpu.memory_space<vmem_shared>>) dst(%dma_wait3A_692 : memref<128xf32, #tpu.memory_space<vmem>>)
      %add3A_698 = arith.constant 2 : i32
      %add3A_699 = arith.addi %mul3A_655, %add3A_698 : i32
      %add3A_700 = arith.constant 2 : i32
      %add3A_701 = arith.addi %mul3A_673, %add3A_700 : i32
      %dma_wait3A_702 = arith.constant 0 : i32
      %dma_wait3A_703 = tpu.memref_slice %arg15[%add3A_701, %dma_wait3A_702] : memref<24x128xf32, #tpu.memory_space<vmem>> -> memref<1x128xf32, #tpu.memory_space<vmem>>
      %dma_wait3A_704 = tpu.memref_squeeze %dma_wait3A_703 : memref<1x128xf32, #tpu.memory_space<vmem>> -> memref<128xf32, #tpu.memory_space<vmem>>
      %dma_wait3A_705 = arith.constant 0 : i32
      %dma_wait3A_706 = tpu.memref_slice %arg13[%add3A_699, %dma_wait3A_705] : memref<392x128xi32, #tpu.memory_space<vmem>> -> memref<1x128xi32, #tpu.memory_space<vmem>>
      %dma_wait3A_707 = tpu.memref_squeeze %dma_wait3A_706 : memref<1x128xi32, #tpu.memory_space<vmem>> -> memref<128xi32, #tpu.memory_space<vmem>>
      %dma_wait3A_708 = arith.constant 0 : i32
      %dma_wait3A_709 = tpu.memref_slice %arg20[%dma_wait3A_708] : memref<50176xf32, #tpu.memory_space<vmem_shared>> -> memref<50176xf32, #tpu.memory_space<vmem_shared>>
      tpu.wait_indirect_dma semaphore(%arg21 : memref<!tpu.dma_semaphore, #tpu.memory_space<semaphore_mem>>) src(%dma_wait3A_709 : memref<50176xf32, #tpu.memory_space<vmem_shared>>) dst(%dma_wait3A_704 : memref<128xf32, #tpu.memory_space<vmem>>)
      %add3A_710 = arith.constant 3 : i32
      %add3A_711 = arith.addi %mul3A_655, %add3A_710 : i32
      %add3A_712 = arith.constant 3 : i32
      %add3A_713 = arith.addi %mul3A_673, %add3A_712 : i32
      %dma_wait3A_714 = arith.constant 0 : i32
      %dma_wait3A_715 = tpu.memref_slice %arg15[%add3A_713, %dma_wait3A_714] : memref<24x128xf32, #tpu.memory_space<vmem>> -> memref<1x128xf32, #tpu.memory_space<vmem>>
      %dma_wait3A_716 = tpu.memref_squeeze %dma_wait3A_715 : memref<1x128xf32, #tpu.memory_space<vmem>> -> memref<128xf32, #tpu.memory_space<vmem>>
      %dma_wait3A_717 = arith.constant 0 : i32
      %dma_wait3A_718 = tpu.memref_slice %arg13[%add3A_711, %dma_wait3A_717] : memref<392x128xi32, #tpu.memory_space<vmem>> -> memref<1x128xi32, #tpu.memory_space<vmem>>
      %dma_wait3A_719 = tpu.memref_squeeze %dma_wait3A_718 : memref<1x128xi32, #tpu.memory_space<vmem>> -> memref<128xi32, #tpu.memory_space<vmem>>
      %dma_wait3A_720 = arith.constant 0 : i32
      %dma_wait3A_721 = tpu.memref_slice %arg20[%dma_wait3A_720] : memref<50176xf32, #tpu.memory_space<vmem_shared>> -> memref<50176xf32, #tpu.memory_space<vmem_shared>>
      tpu.wait_indirect_dma semaphore(%arg21 : memref<!tpu.dma_semaphore, #tpu.memory_space<semaphore_mem>>) src(%dma_wait3A_721 : memref<50176xf32, #tpu.memory_space<vmem_shared>>) dst(%dma_wait3A_716 : memref<128xf32, #tpu.memory_space<vmem>>)
      %add3A_722 = arith.constant 4 : i32
      %add3A_723 = arith.addi %mul3A_655, %add3A_722 : i32
      %add3A_724 = arith.constant 4 : i32
      %add3A_725 = arith.addi %mul3A_673, %add3A_724 : i32
      %dma_wait3A_726 = arith.constant 0 : i32
      %dma_wait3A_727 = tpu.memref_slice %arg15[%add3A_725, %dma_wait3A_726] : memref<24x128xf32, #tpu.memory_space<vmem>> -> memref<1x128xf32, #tpu.memory_space<vmem>>
      %dma_wait3A_728 = tpu.memref_squeeze %dma_wait3A_727 : memref<1x128xf32, #tpu.memory_space<vmem>> -> memref<128xf32, #tpu.memory_space<vmem>>
      %dma_wait3A_729 = arith.constant 0 : i32
      %dma_wait3A_730 = tpu.memref_slice %arg13[%add3A_723, %dma_wait3A_729] : memref<392x128xi32, #tpu.memory_space<vmem>> -> memref<1x128xi32, #tpu.memory_space<vmem>>
      %dma_wait3A_731 = tpu.memref_squeeze %dma_wait3A_730 : memref<1x128xi32, #tpu.memory_space<vmem>> -> memref<128xi32, #tpu.memory_space<vmem>>
      %dma_wait3A_732 = arith.constant 0 : i32
      %dma_wait3A_733 = tpu.memref_slice %arg20[%dma_wait3A_732] : memref<50176xf32, #tpu.memory_space<vmem_shared>> -> memref<50176xf32, #tpu.memory_space<vmem_shared>>
      tpu.wait_indirect_dma semaphore(%arg21 : memref<!tpu.dma_semaphore, #tpu.memory_space<semaphore_mem>>) src(%dma_wait3A_733 : memref<50176xf32, #tpu.memory_space<vmem_shared>>) dst(%dma_wait3A_728 : memref<128xf32, #tpu.memory_space<vmem>>)
      %add3A_734 = arith.constant 5 : i32
      %add3A_735 = arith.addi %mul3A_655, %add3A_734 : i32
      %add3A_736 = arith.constant 5 : i32
      %add3A_737 = arith.addi %mul3A_673, %add3A_736 : i32
      %dma_wait3A_738 = arith.constant 0 : i32
      %dma_wait3A_739 = tpu.memref_slice %arg15[%add3A_737, %dma_wait3A_738] : memref<24x128xf32, #tpu.memory_space<vmem>> -> memref<1x128xf32, #tpu.memory_space<vmem>>
      %dma_wait3A_740 = tpu.memref_squeeze %dma_wait3A_739 : memref<1x128xf32, #tpu.memory_space<vmem>> -> memref<128xf32, #tpu.memory_space<vmem>>
      %dma_wait3A_741 = arith.constant 0 : i32
      %dma_wait3A_742 = tpu.memref_slice %arg13[%add3A_735, %dma_wait3A_741] : memref<392x128xi32, #tpu.memory_space<vmem>> -> memref<1x128xi32, #tpu.memory_space<vmem>>
      %dma_wait3A_743 = tpu.memref_squeeze %dma_wait3A_742 : memref<1x128xi32, #tpu.memory_space<vmem>> -> memref<128xi32, #tpu.memory_space<vmem>>
      %dma_wait3A_744 = arith.constant 0 : i32
      %dma_wait3A_745 = tpu.memref_slice %arg20[%dma_wait3A_744] : memref<50176xf32, #tpu.memory_space<vmem_shared>> -> memref<50176xf32, #tpu.memory_space<vmem_shared>>
      tpu.wait_indirect_dma semaphore(%arg21 : memref<!tpu.dma_semaphore, #tpu.memory_space<semaphore_mem>>) src(%dma_wait3A_745 : memref<50176xf32, #tpu.memory_space<vmem_shared>>) dst(%dma_wait3A_740 : memref<128xf32, #tpu.memory_space<vmem>>)
      %add3A_746 = arith.constant 6 : i32
      %add3A_747 = arith.addi %mul3A_655, %add3A_746 : i32
      %add3A_748 = arith.constant 6 : i32
      %add3A_749 = arith.addi %mul3A_673, %add3A_748 : i32
      %dma_wait3A_750 = arith.constant 0 : i32
      %dma_wait3A_751 = tpu.memref_slice %arg15[%add3A_749, %dma_wait3A_750] : memref<24x128xf32, #tpu.memory_space<vmem>> -> memref<1x128xf32, #tpu.memory_space<vmem>>
      %dma_wait3A_752 = tpu.memref_squeeze %dma_wait3A_751 : memref<1x128xf32, #tpu.memory_space<vmem>> -> memref<128xf32, #tpu.memory_space<vmem>>
      %dma_wait3A_753 = arith.constant 0 : i32
      %dma_wait3A_754 = tpu.memref_slice %arg13[%add3A_747, %dma_wait3A_753] : memref<392x128xi32, #tpu.memory_space<vmem>> -> memref<1x128xi32, #tpu.memory_space<vmem>>
      %dma_wait3A_755 = tpu.memref_squeeze %dma_wait3A_754 : memref<1x128xi32, #tpu.memory_space<vmem>> -> memref<128xi32, #tpu.memory_space<vmem>>
      %dma_wait3A_756 = arith.constant 0 : i32
      %dma_wait3A_757 = tpu.memref_slice %arg20[%dma_wait3A_756] : memref<50176xf32, #tpu.memory_space<vmem_shared>> -> memref<50176xf32, #tpu.memory_space<vmem_shared>>
      tpu.wait_indirect_dma semaphore(%arg21 : memref<!tpu.dma_semaphore, #tpu.memory_space<semaphore_mem>>) src(%dma_wait3A_757 : memref<50176xf32, #tpu.memory_space<vmem_shared>>) dst(%dma_wait3A_752 : memref<128xf32, #tpu.memory_space<vmem>>)
      %add3A_758 = arith.constant 7 : i32
      %add3A_759 = arith.addi %mul3A_655, %add3A_758 : i32
      %add3A_760 = arith.constant 7 : i32
      %add3A_761 = arith.addi %mul3A_673, %add3A_760 : i32
      %dma_wait3A_762 = arith.constant 0 : i32
      %dma_wait3A_763 = tpu.memref_slice %arg15[%add3A_761, %dma_wait3A_762] : memref<24x128xf32, #tpu.memory_space<vmem>> -> memref<1x128xf32, #tpu.memory_space<vmem>>
      %dma_wait3A_764 = tpu.memref_squeeze %dma_wait3A_763 : memref<1x128xf32, #tpu.memory_space<vmem>> -> memref<128xf32, #tpu.memory_space<vmem>>
      %dma_wait3A_765 = arith.constant 0 : i32
      %dma_wait3A_766 = tpu.memref_slice %arg13[%add3A_759, %dma_wait3A_765] : memref<392x128xi32, #tpu.memory_space<vmem>> -> memref<1x128xi32, #tpu.memory_space<vmem>>
      %dma_wait3A_767 = tpu.memref_squeeze %dma_wait3A_766 : memref<1x128xi32, #tpu.memory_space<vmem>> -> memref<128xi32, #tpu.memory_space<vmem>>
      %dma_wait3A_768 = arith.constant 0 : i32
      %dma_wait3A_769 = tpu.memref_slice %arg20[%dma_wait3A_768] : memref<50176xf32, #tpu.memory_space<vmem_shared>> -> memref<50176xf32, #tpu.memory_space<vmem_shared>>
      tpu.wait_indirect_dma semaphore(%arg21 : memref<!tpu.dma_semaphore, #tpu.memory_space<semaphore_mem>>) src(%dma_wait3A_769 : memref<50176xf32, #tpu.memory_space<vmem_shared>>) dst(%dma_wait3A_764 : memref<128xf32, #tpu.memory_space<vmem>>)
      %add3A_770 = arith.constant 0 : i32
      %add3A_771 = arith.addi %mul3A_642, %add3A_770 : i32
      %add3A_772 = arith.constant 0 : i32
      %add3A_773 = arith.addi %mul3A_630, %add3A_772 : i32
      %dma_start3A_774 = arith.constant 0 : i32
      %dma_start3A_775 = tpu.memref_slice %arg15[%add3A_771, %dma_start3A_774] : memref<24x128xf32, #tpu.memory_space<vmem>> -> memref<1x128xf32, #tpu.memory_space<vmem>>
      %dma_start3A_776 = tpu.memref_squeeze %dma_start3A_775 : memref<1x128xf32, #tpu.memory_space<vmem>> -> memref<128xf32, #tpu.memory_space<vmem>>
      %dma_start3A_777 = arith.constant 0 : i32
      %dma_start3A_778 = tpu.memref_slice %arg14[%add3A_773, %dma_start3A_777] : memref<392x128xi32, #tpu.memory_space<vmem>> -> memref<1x128xi32, #tpu.memory_space<vmem>>
      %dma_start3A_779 = tpu.memref_squeeze %dma_start3A_778 : memref<1x128xi32, #tpu.memory_space<vmem>> -> memref<128xi32, #tpu.memory_space<vmem>>
      %dma_start3A_780 = arith.constant 0 : i32
      %dma_start3A_781 = tpu.memref_slice %arg19[%dma_start3A_780] : memref<50176xf32, #tpu.memory_space<vmem_shared>> -> memref<50176xf32, #tpu.memory_space<vmem_shared>>
      tpu.enqueue_indirect_dma source(%dma_start3A_776 : memref<128xf32, #tpu.memory_space<vmem>>) target(%dma_start3A_781 : memref<50176xf32, #tpu.memory_space<vmem_shared>>) offsets(%dma_start3A_779 : memref<128xi32, #tpu.memory_space<vmem>>) semaphore(%arg22 : memref<!tpu.dma_semaphore, #tpu.memory_space<semaphore_mem>>) {add = true}
      %add3A_782 = arith.constant 1 : i32
      %add3A_783 = arith.addi %mul3A_642, %add3A_782 : i32
      %add3A_784 = arith.constant 1 : i32
      %add3A_785 = arith.addi %mul3A_630, %add3A_784 : i32
      %dma_start3A_786 = arith.constant 0 : i32
      %dma_start3A_787 = tpu.memref_slice %arg15[%add3A_783, %dma_start3A_786] : memref<24x128xf32, #tpu.memory_space<vmem>> -> memref<1x128xf32, #tpu.memory_space<vmem>>
      %dma_start3A_788 = tpu.memref_squeeze %dma_start3A_787 : memref<1x128xf32, #tpu.memory_space<vmem>> -> memref<128xf32, #tpu.memory_space<vmem>>
      %dma_start3A_789 = arith.constant 0 : i32
      %dma_start3A_790 = tpu.memref_slice %arg14[%add3A_785, %dma_start3A_789] : memref<392x128xi32, #tpu.memory_space<vmem>> -> memref<1x128xi32, #tpu.memory_space<vmem>>
      %dma_start3A_791 = tpu.memref_squeeze %dma_start3A_790 : memref<1x128xi32, #tpu.memory_space<vmem>> -> memref<128xi32, #tpu.memory_space<vmem>>
      %dma_start3A_792 = arith.constant 0 : i32
      %dma_start3A_793 = tpu.memref_slice %arg19[%dma_start3A_792] : memref<50176xf32, #tpu.memory_space<vmem_shared>> -> memref<50176xf32, #tpu.memory_space<vmem_shared>>
      tpu.enqueue_indirect_dma source(%dma_start3A_788 : memref<128xf32, #tpu.memory_space<vmem>>) target(%dma_start3A_793 : memref<50176xf32, #tpu.memory_space<vmem_shared>>) offsets(%dma_start3A_791 : memref<128xi32, #tpu.memory_space<vmem>>) semaphore(%arg22 : memref<!tpu.dma_semaphore, #tpu.memory_space<semaphore_mem>>) {add = true}
      %add3A_794 = arith.constant 2 : i32
      %add3A_795 = arith.addi %mul3A_642, %add3A_794 : i32
      %add3A_796 = arith.constant 2 : i32
      %add3A_797 = arith.addi %mul3A_630, %add3A_796 : i32
      %dma_start3A_798 = arith.constant 0 : i32
      %dma_start3A_799 = tpu.memref_slice %arg15[%add3A_795, %dma_start3A_798] : memref<24x128xf32, #tpu.memory_space<vmem>> -> memref<1x128xf32, #tpu.memory_space<vmem>>
      %dma_start3A_800 = tpu.memref_squeeze %dma_start3A_799 : memref<1x128xf32, #tpu.memory_space<vmem>> -> memref<128xf32, #tpu.memory_space<vmem>>
      %dma_start3A_801 = arith.constant 0 : i32
      %dma_start3A_802 = tpu.memref_slice %arg14[%add3A_797, %dma_start3A_801] : memref<392x128xi32, #tpu.memory_space<vmem>> -> memref<1x128xi32, #tpu.memory_space<vmem>>
      %dma_start3A_803 = tpu.memref_squeeze %dma_start3A_802 : memref<1x128xi32, #tpu.memory_space<vmem>> -> memref<128xi32, #tpu.memory_space<vmem>>
      %dma_start3A_804 = arith.constant 0 : i32
      %dma_start3A_805 = tpu.memref_slice %arg19[%dma_start3A_804] : memref<50176xf32, #tpu.memory_space<vmem_shared>> -> memref<50176xf32, #tpu.memory_space<vmem_shared>>
      tpu.enqueue_indirect_dma source(%dma_start3A_800 : memref<128xf32, #tpu.memory_space<vmem>>) target(%dma_start3A_805 : memref<50176xf32, #tpu.memory_space<vmem_shared>>) offsets(%dma_start3A_803 : memref<128xi32, #tpu.memory_space<vmem>>) semaphore(%arg22 : memref<!tpu.dma_semaphore, #tpu.memory_space<semaphore_mem>>) {add = true}
      %add3A_806 = arith.constant 3 : i32
      %add3A_807 = arith.addi %mul3A_642, %add3A_806 : i32
      %add3A_808 = arith.constant 3 : i32
      %add3A_809 = arith.addi %mul3A_630, %add3A_808 : i32
      %dma_start3A_810 = arith.constant 0 : i32
      %dma_start3A_811 = tpu.memref_slice %arg15[%add3A_807, %dma_start3A_810] : memref<24x128xf32, #tpu.memory_space<vmem>> -> memref<1x128xf32, #tpu.memory_space<vmem>>
      %dma_start3A_812 = tpu.memref_squeeze %dma_start3A_811 : memref<1x128xf32, #tpu.memory_space<vmem>> -> memref<128xf32, #tpu.memory_space<vmem>>
      %dma_start3A_813 = arith.constant 0 : i32
      %dma_start3A_814 = tpu.memref_slice %arg14[%add3A_809, %dma_start3A_813] : memref<392x128xi32, #tpu.memory_space<vmem>> -> memref<1x128xi32, #tpu.memory_space<vmem>>
      %dma_start3A_815 = tpu.memref_squeeze %dma_start3A_814 : memref<1x128xi32, #tpu.memory_space<vmem>> -> memref<128xi32, #tpu.memory_space<vmem>>
      %dma_start3A_816 = arith.constant 0 : i32
      %dma_start3A_817 = tpu.memref_slice %arg19[%dma_start3A_816] : memref<50176xf32, #tpu.memory_space<vmem_shared>> -> memref<50176xf32, #tpu.memory_space<vmem_shared>>
      tpu.enqueue_indirect_dma source(%dma_start3A_812 : memref<128xf32, #tpu.memory_space<vmem>>) target(%dma_start3A_817 : memref<50176xf32, #tpu.memory_space<vmem_shared>>) offsets(%dma_start3A_815 : memref<128xi32, #tpu.memory_space<vmem>>) semaphore(%arg22 : memref<!tpu.dma_semaphore, #tpu.memory_space<semaphore_mem>>) {add = true}
      %add3A_818 = arith.constant 4 : i32
      %add3A_819 = arith.addi %mul3A_642, %add3A_818 : i32
      %add3A_820 = arith.constant 4 : i32
      %add3A_821 = arith.addi %mul3A_630, %add3A_820 : i32
      %dma_start3A_822 = arith.constant 0 : i32
      %dma_start3A_823 = tpu.memref_slice %arg15[%add3A_819, %dma_start3A_822] : memref<24x128xf32, #tpu.memory_space<vmem>> -> memref<1x128xf32, #tpu.memory_space<vmem>>
      %dma_start3A_824 = tpu.memref_squeeze %dma_start3A_823 : memref<1x128xf32, #tpu.memory_space<vmem>> -> memref<128xf32, #tpu.memory_space<vmem>>
      %dma_start3A_825 = arith.constant 0 : i32
      %dma_start3A_826 = tpu.memref_slice %arg14[%add3A_821, %dma_start3A_825] : memref<392x128xi32, #tpu.memory_space<vmem>> -> memref<1x128xi32, #tpu.memory_space<vmem>>
      %dma_start3A_827 = tpu.memref_squeeze %dma_start3A_826 : memref<1x128xi32, #tpu.memory_space<vmem>> -> memref<128xi32, #tpu.memory_space<vmem>>
      %dma_start3A_828 = arith.constant 0 : i32
      %dma_start3A_829 = tpu.memref_slice %arg19[%dma_start3A_828] : memref<50176xf32, #tpu.memory_space<vmem_shared>> -> memref<50176xf32, #tpu.memory_space<vmem_shared>>
      tpu.enqueue_indirect_dma source(%dma_start3A_824 : memref<128xf32, #tpu.memory_space<vmem>>) target(%dma_start3A_829 : memref<50176xf32, #tpu.memory_space<vmem_shared>>) offsets(%dma_start3A_827 : memref<128xi32, #tpu.memory_space<vmem>>) semaphore(%arg22 : memref<!tpu.dma_semaphore, #tpu.memory_space<semaphore_mem>>) {add = true}
      %add3A_830 = arith.constant 5 : i32
      %add3A_831 = arith.addi %mul3A_642, %add3A_830 : i32
      %add3A_832 = arith.constant 5 : i32
      %add3A_833 = arith.addi %mul3A_630, %add3A_832 : i32
      %dma_start3A_834 = arith.constant 0 : i32
      %dma_start3A_835 = tpu.memref_slice %arg15[%add3A_831, %dma_start3A_834] : memref<24x128xf32, #tpu.memory_space<vmem>> -> memref<1x128xf32, #tpu.memory_space<vmem>>
      %dma_start3A_836 = tpu.memref_squeeze %dma_start3A_835 : memref<1x128xf32, #tpu.memory_space<vmem>> -> memref<128xf32, #tpu.memory_space<vmem>>
      %dma_start3A_837 = arith.constant 0 : i32
      %dma_start3A_838 = tpu.memref_slice %arg14[%add3A_833, %dma_start3A_837] : memref<392x128xi32, #tpu.memory_space<vmem>> -> memref<1x128xi32, #tpu.memory_space<vmem>>
      %dma_start3A_839 = tpu.memref_squeeze %dma_start3A_838 : memref<1x128xi32, #tpu.memory_space<vmem>> -> memref<128xi32, #tpu.memory_space<vmem>>
      %dma_start3A_840 = arith.constant 0 : i32
      %dma_start3A_841 = tpu.memref_slice %arg19[%dma_start3A_840] : memref<50176xf32, #tpu.memory_space<vmem_shared>> -> memref<50176xf32, #tpu.memory_space<vmem_shared>>
      tpu.enqueue_indirect_dma source(%dma_start3A_836 : memref<128xf32, #tpu.memory_space<vmem>>) target(%dma_start3A_841 : memref<50176xf32, #tpu.memory_space<vmem_shared>>) offsets(%dma_start3A_839 : memref<128xi32, #tpu.memory_space<vmem>>) semaphore(%arg22 : memref<!tpu.dma_semaphore, #tpu.memory_space<semaphore_mem>>) {add = true}
      %add3A_842 = arith.constant 6 : i32
      %add3A_843 = arith.addi %mul3A_642, %add3A_842 : i32
      %add3A_844 = arith.constant 6 : i32
      %add3A_845 = arith.addi %mul3A_630, %add3A_844 : i32
      %dma_start3A_846 = arith.constant 0 : i32
      %dma_start3A_847 = tpu.memref_slice %arg15[%add3A_843, %dma_start3A_846] : memref<24x128xf32, #tpu.memory_space<vmem>> -> memref<1x128xf32, #tpu.memory_space<vmem>>
      %dma_start3A_848 = tpu.memref_squeeze %dma_start3A_847 : memref<1x128xf32, #tpu.memory_space<vmem>> -> memref<128xf32, #tpu.memory_space<vmem>>
      %dma_start3A_849 = arith.constant 0 : i32
      %dma_start3A_850 = tpu.memref_slice %arg14[%add3A_845, %dma_start3A_849] : memref<392x128xi32, #tpu.memory_space<vmem>> -> memref<1x128xi32, #tpu.memory_space<vmem>>
      %dma_start3A_851 = tpu.memref_squeeze %dma_start3A_850 : memref<1x128xi32, #tpu.memory_space<vmem>> -> memref<128xi32, #tpu.memory_space<vmem>>
      %dma_start3A_852 = arith.constant 0 : i32
      %dma_start3A_853 = tpu.memref_slice %arg19[%dma_start3A_852] : memref<50176xf32, #tpu.memory_space<vmem_shared>> -> memref<50176xf32, #tpu.memory_space<vmem_shared>>
      tpu.enqueue_indirect_dma source(%dma_start3A_848 : memref<128xf32, #tpu.memory_space<vmem>>) target(%dma_start3A_853 : memref<50176xf32, #tpu.memory_space<vmem_shared>>) offsets(%dma_start3A_851 : memref<128xi32, #tpu.memory_space<vmem>>) semaphore(%arg22 : memref<!tpu.dma_semaphore, #tpu.memory_space<semaphore_mem>>) {add = true}
      %add3A_854 = arith.constant 7 : i32
      %add3A_855 = arith.addi %mul3A_642, %add3A_854 : i32
      %add3A_856 = arith.constant 7 : i32
      %add3A_857 = arith.addi %mul3A_630, %add3A_856 : i32
      %dma_start3A_858 = arith.constant 0 : i32
      %dma_start3A_859 = tpu.memref_slice %arg15[%add3A_855, %dma_start3A_858] : memref<24x128xf32, #tpu.memory_space<vmem>> -> memref<1x128xf32, #tpu.memory_space<vmem>>
      %dma_start3A_860 = tpu.memref_squeeze %dma_start3A_859 : memref<1x128xf32, #tpu.memory_space<vmem>> -> memref<128xf32, #tpu.memory_space<vmem>>
      %dma_start3A_861 = arith.constant 0 : i32
      %dma_start3A_862 = tpu.memref_slice %arg14[%add3A_857, %dma_start3A_861] : memref<392x128xi32, #tpu.memory_space<vmem>> -> memref<1x128xi32, #tpu.memory_space<vmem>>
      %dma_start3A_863 = tpu.memref_squeeze %dma_start3A_862 : memref<1x128xi32, #tpu.memory_space<vmem>> -> memref<128xi32, #tpu.memory_space<vmem>>
      %dma_start3A_864 = arith.constant 0 : i32
      %dma_start3A_865 = tpu.memref_slice %arg19[%dma_start3A_864] : memref<50176xf32, #tpu.memory_space<vmem_shared>> -> memref<50176xf32, #tpu.memory_space<vmem_shared>>
      tpu.enqueue_indirect_dma source(%dma_start3A_860 : memref<128xf32, #tpu.memory_space<vmem>>) target(%dma_start3A_865 : memref<50176xf32, #tpu.memory_space<vmem_shared>>) offsets(%dma_start3A_863 : memref<128xi32, #tpu.memory_space<vmem>>) semaphore(%arg22 : memref<!tpu.dma_semaphore, #tpu.memory_space<semaphore_mem>>) {add = true}
    }
    %scan3A_372 = arith.constant 49 : i32
    %dma_wait3A_373 = arith.constant 0 : i32
    %dma_wait3A_374 = arith.constant 384 : i32
    %dma_wait3A_375 = arith.constant 0 : i32
    %dma_wait3A_376 = tpu.memref_slice %arg15[%dma_wait3A_373, %dma_wait3A_375] : memref<24x128xf32, #tpu.memory_space<vmem>> -> memref<1x128xf32, #tpu.memory_space<vmem>>
    %dma_wait3A_377 = tpu.memref_squeeze %dma_wait3A_376 : memref<1x128xf32, #tpu.memory_space<vmem>> -> memref<128xf32, #tpu.memory_space<vmem>>
    %dma_wait3A_378 = arith.constant 0 : i32
    %dma_wait3A_379 = tpu.memref_slice %arg14[%dma_wait3A_374, %dma_wait3A_378] : memref<392x128xi32, #tpu.memory_space<vmem>> -> memref<1x128xi32, #tpu.memory_space<vmem>>
    %dma_wait3A_380 = tpu.memref_squeeze %dma_wait3A_379 : memref<1x128xi32, #tpu.memory_space<vmem>> -> memref<128xi32, #tpu.memory_space<vmem>>
    %dma_wait3A_381 = arith.constant 0 : i32
    %dma_wait3A_382 = tpu.memref_slice %arg19[%dma_wait3A_381] : memref<50176xf32, #tpu.memory_space<vmem_shared>> -> memref<50176xf32, #tpu.memory_space<vmem_shared>>
    tpu.wait_indirect_dma semaphore(%arg22 : memref<!tpu.dma_semaphore, #tpu.memory_space<semaphore_mem>>) src(%dma_wait3A_377 : memref<128xf32, #tpu.memory_space<vmem>>) dst(%dma_wait3A_382 : memref<50176xf32, #tpu.memory_space<vmem_shared>>)
    %dma_wait3A_383 = arith.constant 1 : i32
    %dma_wait3A_384 = arith.constant 385 : i32
    %dma_wait3A_385 = arith.constant 0 : i32
    %dma_wait3A_386 = tpu.memref_slice %arg15[%dma_wait3A_383, %dma_wait3A_385] : memref<24x128xf32, #tpu.memory_space<vmem>> -> memref<1x128xf32, #tpu.memory_space<vmem>>
    %dma_wait3A_387 = tpu.memref_squeeze %dma_wait3A_386 : memref<1x128xf32, #tpu.memory_space<vmem>> -> memref<128xf32, #tpu.memory_space<vmem>>
    %dma_wait3A_388 = arith.constant 0 : i32
    %dma_wait3A_389 = tpu.memref_slice %arg14[%dma_wait3A_384, %dma_wait3A_388] : memref<392x128xi32, #tpu.memory_space<vmem>> -> memref<1x128xi32, #tpu.memory_space<vmem>>
    %dma_wait3A_390 = tpu.memref_squeeze %dma_wait3A_389 : memref<1x128xi32, #tpu.memory_space<vmem>> -> memref<128xi32, #tpu.memory_space<vmem>>
    %dma_wait3A_391 = arith.constant 0 : i32
    %dma_wait3A_392 = tpu.memref_slice %arg19[%dma_wait3A_391] : memref<50176xf32, #tpu.memory_space<vmem_shared>> -> memref<50176xf32, #tpu.memory_space<vmem_shared>>
    tpu.wait_indirect_dma semaphore(%arg22 : memref<!tpu.dma_semaphore, #tpu.memory_space<semaphore_mem>>) src(%dma_wait3A_387 : memref<128xf32, #tpu.memory_space<vmem>>) dst(%dma_wait3A_392 : memref<50176xf32, #tpu.memory_space<vmem_shared>>)
    %dma_wait3A_393 = arith.constant 2 : i32
    %dma_wait3A_394 = arith.constant 386 : i32
    %dma_wait3A_395 = arith.constant 0 : i32
    %dma_wait3A_396 = tpu.memref_slice %arg15[%dma_wait3A_393, %dma_wait3A_395] : memref<24x128xf32, #tpu.memory_space<vmem>> -> memref<1x128xf32, #tpu.memory_space<vmem>>
    %dma_wait3A_397 = tpu.memref_squeeze %dma_wait3A_396 : memref<1x128xf32, #tpu.memory_space<vmem>> -> memref<128xf32, #tpu.memory_space<vmem>>
    %dma_wait3A_398 = arith.constant 0 : i32
    %dma_wait3A_399 = tpu.memref_slice %arg14[%dma_wait3A_394, %dma_wait3A_398] : memref<392x128xi32, #tpu.memory_space<vmem>> -> memref<1x128xi32, #tpu.memory_space<vmem>>
    %dma_wait3A_400 = tpu.memref_squeeze %dma_wait3A_399 : memref<1x128xi32, #tpu.memory_space<vmem>> -> memref<128xi32, #tpu.memory_space<vmem>>
    %dma_wait3A_401 = arith.constant 0 : i32
    %dma_wait3A_402 = tpu.memref_slice %arg19[%dma_wait3A_401] : memref<50176xf32, #tpu.memory_space<vmem_shared>> -> memref<50176xf32, #tpu.memory_space<vmem_shared>>
    tpu.wait_indirect_dma semaphore(%arg22 : memref<!tpu.dma_semaphore, #tpu.memory_space<semaphore_mem>>) src(%dma_wait3A_397 : memref<128xf32, #tpu.memory_space<vmem>>) dst(%dma_wait3A_402 : memref<50176xf32, #tpu.memory_space<vmem_shared>>)
    %dma_wait3A_403 = arith.constant 3 : i32
    %dma_wait3A_404 = arith.constant 387 : i32
    %dma_wait3A_405 = arith.constant 0 : i32
    %dma_wait3A_406 = tpu.memref_slice %arg15[%dma_wait3A_403, %dma_wait3A_405] : memref<24x128xf32, #tpu.memory_space<vmem>> -> memref<1x128xf32, #tpu.memory_space<vmem>>
    %dma_wait3A_407 = tpu.memref_squeeze %dma_wait3A_406 : memref<1x128xf32, #tpu.memory_space<vmem>> -> memref<128xf32, #tpu.memory_space<vmem>>
    %dma_wait3A_408 = arith.constant 0 : i32
    %dma_wait3A_409 = tpu.memref_slice %arg14[%dma_wait3A_404, %dma_wait3A_408] : memref<392x128xi32, #tpu.memory_space<vmem>> -> memref<1x128xi32, #tpu.memory_space<vmem>>
    %dma_wait3A_410 = tpu.memref_squeeze %dma_wait3A_409 : memref<1x128xi32, #tpu.memory_space<vmem>> -> memref<128xi32, #tpu.memory_space<vmem>>
    %dma_wait3A_411 = arith.constant 0 : i32
    %dma_wait3A_412 = tpu.memref_slice %arg19[%dma_wait3A_411] : memref<50176xf32, #tpu.memory_space<vmem_shared>> -> memref<50176xf32, #tpu.memory_space<vmem_shared>>
    tpu.wait_indirect_dma semaphore(%arg22 : memref<!tpu.dma_semaphore, #tpu.memory_space<semaphore_mem>>) src(%dma_wait3A_407 : memref<128xf32, #tpu.memory_space<vmem>>) dst(%dma_wait3A_412 : memref<50176xf32, #tpu.memory_space<vmem_shared>>)
    %dma_wait3A_413 = arith.constant 4 : i32
    %dma_wait3A_414 = arith.constant 388 : i32
    %dma_wait3A_415 = arith.constant 0 : i32
    %dma_wait3A_416 = tpu.memref_slice %arg15[%dma_wait3A_413, %dma_wait3A_415] : memref<24x128xf32, #tpu.memory_space<vmem>> -> memref<1x128xf32, #tpu.memory_space<vmem>>
    %dma_wait3A_417 = tpu.memref_squeeze %dma_wait3A_416 : memref<1x128xf32, #tpu.memory_space<vmem>> -> memref<128xf32, #tpu.memory_space<vmem>>
    %dma_wait3A_418 = arith.constant 0 : i32
    %dma_wait3A_419 = tpu.memref_slice %arg14[%dma_wait3A_414, %dma_wait3A_418] : memref<392x128xi32, #tpu.memory_space<vmem>> -> memref<1x128xi32, #tpu.memory_space<vmem>>
    %dma_wait3A_420 = tpu.memref_squeeze %dma_wait3A_419 : memref<1x128xi32, #tpu.memory_space<vmem>> -> memref<128xi32, #tpu.memory_space<vmem>>
    %dma_wait3A_421 = arith.constant 0 : i32
    %dma_wait3A_422 = tpu.memref_slice %arg19[%dma_wait3A_421] : memref<50176xf32, #tpu.memory_space<vmem_shared>> -> memref<50176xf32, #tpu.memory_space<vmem_shared>>
    tpu.wait_indirect_dma semaphore(%arg22 : memref<!tpu.dma_semaphore, #tpu.memory_space<semaphore_mem>>) src(%dma_wait3A_417 : memref<128xf32, #tpu.memory_space<vmem>>) dst(%dma_wait3A_422 : memref<50176xf32, #tpu.memory_space<vmem_shared>>)
    %dma_wait3A_423 = arith.constant 5 : i32
    %dma_wait3A_424 = arith.constant 389 : i32
    %dma_wait3A_425 = arith.constant 0 : i32
    %dma_wait3A_426 = tpu.memref_slice %arg15[%dma_wait3A_423, %dma_wait3A_425] : memref<24x128xf32, #tpu.memory_space<vmem>> -> memref<1x128xf32, #tpu.memory_space<vmem>>
    %dma_wait3A_427 = tpu.memref_squeeze %dma_wait3A_426 : memref<1x128xf32, #tpu.memory_space<vmem>> -> memref<128xf32, #tpu.memory_space<vmem>>
    %dma_wait3A_428 = arith.constant 0 : i32
    %dma_wait3A_429 = tpu.memref_slice %arg14[%dma_wait3A_424, %dma_wait3A_428] : memref<392x128xi32, #tpu.memory_space<vmem>> -> memref<1x128xi32, #tpu.memory_space<vmem>>
    %dma_wait3A_430 = tpu.memref_squeeze %dma_wait3A_429 : memref<1x128xi32, #tpu.memory_space<vmem>> -> memref<128xi32, #tpu.memory_space<vmem>>
    %dma_wait3A_431 = arith.constant 0 : i32
    %dma_wait3A_432 = tpu.memref_slice %arg19[%dma_wait3A_431] : memref<50176xf32, #tpu.memory_space<vmem_shared>> -> memref<50176xf32, #tpu.memory_space<vmem_shared>>
    tpu.wait_indirect_dma semaphore(%arg22 : memref<!tpu.dma_semaphore, #tpu.memory_space<semaphore_mem>>) src(%dma_wait3A_427 : memref<128xf32, #tpu.memory_space<vmem>>) dst(%dma_wait3A_432 : memref<50176xf32, #tpu.memory_space<vmem_shared>>)
    %dma_wait3A_433 = arith.constant 6 : i32
    %dma_wait3A_434 = arith.constant 390 : i32
    %dma_wait3A_435 = arith.constant 0 : i32
    %dma_wait3A_436 = tpu.memref_slice %arg15[%dma_wait3A_433, %dma_wait3A_435] : memref<24x128xf32, #tpu.memory_space<vmem>> -> memref<1x128xf32, #tpu.memory_space<vmem>>
    %dma_wait3A_437 = tpu.memref_squeeze %dma_wait3A_436 : memref<1x128xf32, #tpu.memory_space<vmem>> -> memref<128xf32, #tpu.memory_space<vmem>>
    %dma_wait3A_438 = arith.constant 0 : i32
    %dma_wait3A_439 = tpu.memref_slice %arg14[%dma_wait3A_434, %dma_wait3A_438] : memref<392x128xi32, #tpu.memory_space<vmem>> -> memref<1x128xi32, #tpu.memory_space<vmem>>
    %dma_wait3A_440 = tpu.memref_squeeze %dma_wait3A_439 : memref<1x128xi32, #tpu.memory_space<vmem>> -> memref<128xi32, #tpu.memory_space<vmem>>
    %dma_wait3A_441 = arith.constant 0 : i32
    %dma_wait3A_442 = tpu.memref_slice %arg19[%dma_wait3A_441] : memref<50176xf32, #tpu.memory_space<vmem_shared>> -> memref<50176xf32, #tpu.memory_space<vmem_shared>>
    tpu.wait_indirect_dma semaphore(%arg22 : memref<!tpu.dma_semaphore, #tpu.memory_space<semaphore_mem>>) src(%dma_wait3A_437 : memref<128xf32, #tpu.memory_space<vmem>>) dst(%dma_wait3A_442 : memref<50176xf32, #tpu.memory_space<vmem_shared>>)
    %dma_wait3A_443 = arith.constant 7 : i32
    %dma_wait3A_444 = arith.constant 391 : i32
    %dma_wait3A_445 = arith.constant 0 : i32
    %dma_wait3A_446 = tpu.memref_slice %arg15[%dma_wait3A_443, %dma_wait3A_445] : memref<24x128xf32, #tpu.memory_space<vmem>> -> memref<1x128xf32, #tpu.memory_space<vmem>>
    %dma_wait3A_447 = tpu.memref_squeeze %dma_wait3A_446 : memref<1x128xf32, #tpu.memory_space<vmem>> -> memref<128xf32, #tpu.memory_space<vmem>>
    %dma_wait3A_448 = arith.constant 0 : i32
    %dma_wait3A_449 = tpu.memref_slice %arg14[%dma_wait3A_444, %dma_wait3A_448] : memref<392x128xi32, #tpu.memory_space<vmem>> -> memref<1x128xi32, #tpu.memory_space<vmem>>
    %dma_wait3A_450 = tpu.memref_squeeze %dma_wait3A_449 : memref<1x128xi32, #tpu.memory_space<vmem>> -> memref<128xi32, #tpu.memory_space<vmem>>
    %dma_wait3A_451 = arith.constant 0 : i32
    %dma_wait3A_452 = tpu.memref_slice %arg19[%dma_wait3A_451] : memref<50176xf32, #tpu.memory_space<vmem_shared>> -> memref<50176xf32, #tpu.memory_space<vmem_shared>>
    tpu.wait_indirect_dma semaphore(%arg22 : memref<!tpu.dma_semaphore, #tpu.memory_space<semaphore_mem>>) src(%dma_wait3A_447 : memref<128xf32, #tpu.memory_space<vmem>>) dst(%dma_wait3A_452 : memref<50176xf32, #tpu.memory_space<vmem_shared>>)
    %barrier3A_453 = arith.constant 0 : index
    tpu.barrier barrier_id(%barrier3A_453)
    "tpu.region"() ({
      %run_scoped3A = tpu.sem_alloc : memref<!tpu.dma_semaphore, #tpu.memory_space<semaphore_mem>>
      %dma_start3A_628 = tpu.memref_slice %arg19[%mul3A_0] : memref<50176xf32, #tpu.memory_space<vmem_shared>> -> memref<3136xf32, #tpu.memory_space<vmem_shared>>
      %dma_start3A_629 = tpu.memref_slice %arg19[%mul3A_0] : memref<50176xf32, #tpu.memory_space<vmem_shared>> -> memref<3136xf32, #tpu.memory_space<vmem_shared>>
      tpu.enqueue_dma source(%dma_start3A_629 : memref<3136xf32, #tpu.memory_space<vmem_shared>>) target(%arg12 : memref<3136xf32, #tpu.memory_space<vmem>>) target_semaphore(%run_scoped3A : memref<!tpu.dma_semaphore, #tpu.memory_space<semaphore_mem>>)
      %dma_wait3A_630 = tpu.memref_slice %arg19[%mul3A_0] : memref<50176xf32, #tpu.memory_space<vmem_shared>> -> memref<3136xf32, #tpu.memory_space<vmem_shared>>
      %dma_wait3A_631 = tpu.memref_slice %arg19[%mul3A_0] : memref<50176xf32, #tpu.memory_space<vmem_shared>> -> memref<3136xf32, #tpu.memory_space<vmem_shared>>
      tpu.wait_dma2 semaphore(%run_scoped3A : memref<!tpu.dma_semaphore, #tpu.memory_space<semaphore_mem>>) src(%dma_wait3A_631 : memref<3136xf32, #tpu.memory_space<vmem_shared>>) dst(%arg12 : memref<3136xf32, #tpu.memory_space<vmem>>)
      tpu.yield
    }) : () -> ()
    %scan3A_454 = arith.constant 0 : i32
    %scan3A_455 = arith.constant 196 : i32
    %scan3A_456 = arith.addi %scan3A_454, %scan3A_455 : i32
    %scan3A_457 = arith.constant 1 : i32
    scf.for %scan3A_628 = %scan3A_454 to %scan3A_456 step %scan3A_457  : i32 {
      %mul3A_629 = arith.constant 16 : i32
      %mul3A_630 = arith.muli %scan3A_628, %mul3A_629 : i32
      %get3A_631 = arith.index_cast %mul3A_630 : i32 to index
      %get3A_632 = tpu.vector_load %arg10[%get3A_631] {strides = array<i32>} : memref<3136xf32, #tpu.memory_space<vmem>>, vector<16xf32>,
      %get3A_633 = vector.shape_cast %get3A_632 : vector<16xf32> to vector<16xf32>
      %get3A_634 = arith.index_cast %mul3A_630 : i32 to index
      %get3A_635 = tpu.vector_load %arg12[%get3A_634] {strides = array<i32>} : memref<3136xf32, #tpu.memory_space<vmem>>, vector<16xf32>,
      %get3A_636 = vector.shape_cast %get3A_635 : vector<16xf32> to vector<16xf32>
      %get3A_637 = arith.index_cast %mul3A_630 : i32 to index
      %get3A_638 = tpu.vector_load %arg11[%get3A_637] {strides = array<i32>} : memref<3136xf32, #tpu.memory_space<vmem>>, vector<16xf32>,
      %get3A_639 = vector.shape_cast %get3A_638 : vector<16xf32> to vector<16xf32>
      %add3A_640 = arith.addf %get3A_636, %get3A_639 : vector<16xf32>
      %mul3A_641 = arith.mulf %get3A_633, %add3A_640 : vector<16xf32>
      %max3A_642 = arith.maximumf %mul3A_641, %broadcast_in_dim3A_5 : vector<16xf32>
      %mul3A_643 = arith.mulf %add3A_149, %max3A_642 : vector<16xf32>
      %neg3A_644 = arith.constant 0.000000e+00 : f32
      %neg3A_645 = vector.broadcast %neg3A_644 : f32 to vector<16xf32>
      %neg3A_646 = arith.subf %neg3A_645, %mul3A_641 : vector<16xf32>
      %max3A_647 = arith.maximumf %neg3A_646, %broadcast_in_dim3A_5 : vector<16xf32>
      %mul3A_648 = arith.mulf %add3A_181, %max3A_647 : vector<16xf32>
      %add3A_649 = arith.addf %mul3A_643, %mul3A_648 : vector<16xf32>
      %get3A_650 = arith.index_cast %mul3A_630 : i32 to index
      %get3A_651 = tpu.vector_load %arg10[%get3A_650] {strides = array<i32>} : memref<3136xf32, #tpu.memory_space<vmem>>, vector<16xf32>,
      %get3A_652 = vector.shape_cast %get3A_651 : vector<16xf32> to vector<16xf32>
      %mul3A_653 = arith.mulf %add3A_649, %get3A_652 : vector<16xf32>
      %swap3A = arith.index_cast %mul3A_630 : i32 to index
      %swap3A_654 = tpu.vector_load %arg11[%swap3A] {strides = array<i32>} : memref<3136xf32, #tpu.memory_space<vmem>>, vector<16xf32>,
      %swap3A_655 = vector.shape_cast %swap3A_654 : vector<16xf32> to vector<16xf32>
      %swap3A_656 = vector.shape_cast %mul3A_653 : vector<16xf32> to vector<16xf32>
      tpu.vector_store %arg11[%swap3A], %swap3A_656 {strides = array<i32>} : memref<3136xf32, #tpu.memory_space<vmem>>, vector<16xf32>,
      %swap3A_657 = arith.index_cast %mul3A_630 : i32 to index
      %swap3A_658 = tpu.vector_load %arg12[%swap3A_657] {strides = array<i32>} : memref<3136xf32, #tpu.memory_space<vmem>>, vector<16xf32>,
      %swap3A_659 = vector.shape_cast %swap3A_658 : vector<16xf32> to vector<16xf32>
      %swap3A_660 = vector.shape_cast %broadcast_in_dim3A_5 : vector<16xf32> to vector<16xf32>
      tpu.vector_store %arg12[%swap3A_657], %swap3A_660 {strides = array<i32>} : memref<3136xf32, #tpu.memory_space<vmem>>, vector<16xf32>,
    }
    %scan3A_458 = arith.constant 196 : i32
    "tpu.region"() ({
      %run_scoped3A = tpu.sem_alloc : memref<!tpu.dma_semaphore, #tpu.memory_space<semaphore_mem>>
      %dma_start3A_628 = tpu.memref_slice %arg20[%mul3A_0] : memref<50176xf32, #tpu.memory_space<vmem_shared>> -> memref<3136xf32, #tpu.memory_space<vmem_shared>>
      %dma_start3A_629 = tpu.memref_slice %arg20[%mul3A_0] : memref<50176xf32, #tpu.memory_space<vmem_shared>> -> memref<3136xf32, #tpu.memory_space<vmem_shared>>
      tpu.enqueue_dma source(%arg11 : memref<3136xf32, #tpu.memory_space<vmem>>) target(%dma_start3A_629 : memref<3136xf32, #tpu.memory_space<vmem_shared>>) target_semaphore(%run_scoped3A : memref<!tpu.dma_semaphore, #tpu.memory_space<semaphore_mem>>)
      %dma_wait3A_630 = tpu.memref_slice %arg20[%mul3A_0] : memref<50176xf32, #tpu.memory_space<vmem_shared>> -> memref<3136xf32, #tpu.memory_space<vmem_shared>>
      %dma_wait3A_631 = tpu.memref_slice %arg20[%mul3A_0] : memref<50176xf32, #tpu.memory_space<vmem_shared>> -> memref<3136xf32, #tpu.memory_space<vmem_shared>>
      tpu.wait_dma2 semaphore(%run_scoped3A : memref<!tpu.dma_semaphore, #tpu.memory_space<semaphore_mem>>) src(%arg11 : memref<3136xf32, #tpu.memory_space<vmem>>) dst(%dma_wait3A_631 : memref<3136xf32, #tpu.memory_space<vmem_shared>>)
      tpu.yield
    }) : () -> ()
    "tpu.region"() ({
      %run_scoped3A = tpu.sem_alloc : memref<!tpu.dma_semaphore, #tpu.memory_space<semaphore_mem>>
      %dma_start3A_628 = tpu.memref_slice %arg19[%mul3A_0] : memref<50176xf32, #tpu.memory_space<vmem_shared>> -> memref<3136xf32, #tpu.memory_space<vmem_shared>>
      %dma_start3A_629 = tpu.memref_slice %arg19[%mul3A_0] : memref<50176xf32, #tpu.memory_space<vmem_shared>> -> memref<3136xf32, #tpu.memory_space<vmem_shared>>
      tpu.enqueue_dma source(%arg12 : memref<3136xf32, #tpu.memory_space<vmem>>) target(%dma_start3A_629 : memref<3136xf32, #tpu.memory_space<vmem_shared>>) target_semaphore(%run_scoped3A : memref<!tpu.dma_semaphore, #tpu.memory_space<semaphore_mem>>)
      %dma_wait3A_630 = tpu.memref_slice %arg19[%mul3A_0] : memref<50176xf32, #tpu.memory_space<vmem_shared>> -> memref<3136xf32, #tpu.memory_space<vmem_shared>>
      %dma_wait3A_631 = tpu.memref_slice %arg19[%mul3A_0] : memref<50176xf32, #tpu.memory_space<vmem_shared>> -> memref<3136xf32, #tpu.memory_space<vmem_shared>>
      tpu.wait_dma2 semaphore(%run_scoped3A : memref<!tpu.dma_semaphore, #tpu.memory_space<semaphore_mem>>) src(%arg12 : memref<3136xf32, #tpu.memory_space<vmem>>) dst(%dma_wait3A_631 : memref<3136xf32, #tpu.memory_space<vmem_shared>>)
      tpu.yield
    }) : () -> ()
    %barrier3A_459 = arith.constant 0 : index
    tpu.barrier barrier_id(%barrier3A_459)
    %dma_start3A_460 = arith.constant 0 : i32
    %dma_start3A_461 = arith.constant 0 : i32
    %dma_start3A_462 = arith.constant 0 : i32
    %dma_start3A_463 = tpu.memref_slice %arg15[%dma_start3A_461, %dma_start3A_462] : memref<24x128xf32, #tpu.memory_space<vmem>> -> memref<1x128xf32, #tpu.memory_space<vmem>>
    %dma_start3A_464 = tpu.memref_squeeze %dma_start3A_463 : memref<1x128xf32, #tpu.memory_space<vmem>> -> memref<128xf32, #tpu.memory_space<vmem>>
    %dma_start3A_465 = arith.constant 0 : i32
    %dma_start3A_466 = tpu.memref_slice %arg13[%dma_start3A_460, %dma_start3A_465] : memref<392x128xi32, #tpu.memory_space<vmem>> -> memref<1x128xi32, #tpu.memory_space<vmem>>
    %dma_start3A_467 = tpu.memref_squeeze %dma_start3A_466 : memref<1x128xi32, #tpu.memory_space<vmem>> -> memref<128xi32, #tpu.memory_space<vmem>>
    %dma_start3A_468 = arith.constant 0 : i32
    %dma_start3A_469 = tpu.memref_slice %arg20[%dma_start3A_468] : memref<50176xf32, #tpu.memory_space<vmem_shared>> -> memref<50176xf32, #tpu.memory_space<vmem_shared>>
    tpu.enqueue_indirect_dma source(%dma_start3A_469 : memref<50176xf32, #tpu.memory_space<vmem_shared>>) target(%dma_start3A_464 : memref<128xf32, #tpu.memory_space<vmem>>) offsets(%dma_start3A_467 : memref<128xi32, #tpu.memory_space<vmem>>) semaphore(%arg21 : memref<!tpu.dma_semaphore, #tpu.memory_space<semaphore_mem>>)
    %dma_start3A_470 = arith.constant 1 : i32
    %dma_start3A_471 = arith.constant 1 : i32
    %dma_start3A_472 = arith.constant 0 : i32
    %dma_start3A_473 = tpu.memref_slice %arg15[%dma_start3A_471, %dma_start3A_472] : memref<24x128xf32, #tpu.memory_space<vmem>> -> memref<1x128xf32, #tpu.memory_space<vmem>>
    %dma_start3A_474 = tpu.memref_squeeze %dma_start3A_473 : memref<1x128xf32, #tpu.memory_space<vmem>> -> memref<128xf32, #tpu.memory_space<vmem>>
    %dma_start3A_475 = arith.constant 0 : i32
    %dma_start3A_476 = tpu.memref_slice %arg13[%dma_start3A_470, %dma_start3A_475] : memref<392x128xi32, #tpu.memory_space<vmem>> -> memref<1x128xi32, #tpu.memory_space<vmem>>
    %dma_start3A_477 = tpu.memref_squeeze %dma_start3A_476 : memref<1x128xi32, #tpu.memory_space<vmem>> -> memref<128xi32, #tpu.memory_space<vmem>>
    %dma_start3A_478 = arith.constant 0 : i32
    %dma_start3A_479 = tpu.memref_slice %arg20[%dma_start3A_478] : memref<50176xf32, #tpu.memory_space<vmem_shared>> -> memref<50176xf32, #tpu.memory_space<vmem_shared>>
    tpu.enqueue_indirect_dma source(%dma_start3A_479 : memref<50176xf32, #tpu.memory_space<vmem_shared>>) target(%dma_start3A_474 : memref<128xf32, #tpu.memory_space<vmem>>) offsets(%dma_start3A_477 : memref<128xi32, #tpu.memory_space<vmem>>) semaphore(%arg21 : memref<!tpu.dma_semaphore, #tpu.memory_space<semaphore_mem>>)
    %dma_start3A_480 = arith.constant 2 : i32
    %dma_start3A_481 = arith.constant 2 : i32
    %dma_start3A_482 = arith.constant 0 : i32
    %dma_start3A_483 = tpu.memref_slice %arg15[%dma_start3A_481, %dma_start3A_482] : memref<24x128xf32, #tpu.memory_space<vmem>> -> memref<1x128xf32, #tpu.memory_space<vmem>>
    %dma_start3A_484 = tpu.memref_squeeze %dma_start3A_483 : memref<1x128xf32, #tpu.memory_space<vmem>> -> memref<128xf32, #tpu.memory_space<vmem>>
    %dma_start3A_485 = arith.constant 0 : i32
    %dma_start3A_486 = tpu.memref_slice %arg13[%dma_start3A_480, %dma_start3A_485] : memref<392x128xi32, #tpu.memory_space<vmem>> -> memref<1x128xi32, #tpu.memory_space<vmem>>
    %dma_start3A_487 = tpu.memref_squeeze %dma_start3A_486 : memref<1x128xi32, #tpu.memory_space<vmem>> -> memref<128xi32, #tpu.memory_space<vmem>>
    %dma_start3A_488 = arith.constant 0 : i32
    %dma_start3A_489 = tpu.memref_slice %arg20[%dma_start3A_488] : memref<50176xf32, #tpu.memory_space<vmem_shared>> -> memref<50176xf32, #tpu.memory_space<vmem_shared>>
    tpu.enqueue_indirect_dma source(%dma_start3A_489 : memref<50176xf32, #tpu.memory_space<vmem_shared>>) target(%dma_start3A_484 : memref<128xf32, #tpu.memory_space<vmem>>) offsets(%dma_start3A_487 : memref<128xi32, #tpu.memory_space<vmem>>) semaphore(%arg21 : memref<!tpu.dma_semaphore, #tpu.memory_space<semaphore_mem>>)
    %dma_start3A_490 = arith.constant 3 : i32
    %dma_start3A_491 = arith.constant 3 : i32
    %dma_start3A_492 = arith.constant 0 : i32
    %dma_start3A_493 = tpu.memref_slice %arg15[%dma_start3A_491, %dma_start3A_492] : memref<24x128xf32, #tpu.memory_space<vmem>> -> memref<1x128xf32, #tpu.memory_space<vmem>>
    %dma_start3A_494 = tpu.memref_squeeze %dma_start3A_493 : memref<1x128xf32, #tpu.memory_space<vmem>> -> memref<128xf32, #tpu.memory_space<vmem>>
    %dma_start3A_495 = arith.constant 0 : i32
    %dma_start3A_496 = tpu.memref_slice %arg13[%dma_start3A_490, %dma_start3A_495] : memref<392x128xi32, #tpu.memory_space<vmem>> -> memref<1x128xi32, #tpu.memory_space<vmem>>
    %dma_start3A_497 = tpu.memref_squeeze %dma_start3A_496 : memref<1x128xi32, #tpu.memory_space<vmem>> -> memref<128xi32, #tpu.memory_space<vmem>>
    %dma_start3A_498 = arith.constant 0 : i32
    %dma_start3A_499 = tpu.memref_slice %arg20[%dma_start3A_498] : memref<50176xf32, #tpu.memory_space<vmem_shared>> -> memref<50176xf32, #tpu.memory_space<vmem_shared>>
    tpu.enqueue_indirect_dma source(%dma_start3A_499 : memref<50176xf32, #tpu.memory_space<vmem_shared>>) target(%dma_start3A_494 : memref<128xf32, #tpu.memory_space<vmem>>) offsets(%dma_start3A_497 : memref<128xi32, #tpu.memory_space<vmem>>) semaphore(%arg21 : memref<!tpu.dma_semaphore, #tpu.memory_space<semaphore_mem>>)
    %dma_start3A_500 = arith.constant 4 : i32
    %dma_start3A_501 = arith.constant 4 : i32
    %dma_start3A_502 = arith.constant 0 : i32
    %dma_start3A_503 = tpu.memref_slice %arg15[%dma_start3A_501, %dma_start3A_502] : memref<24x128xf32, #tpu.memory_space<vmem>> -> memref<1x128xf32, #tpu.memory_space<vmem>>
    %dma_start3A_504 = tpu.memref_squeeze %dma_start3A_503 : memref<1x128xf32, #tpu.memory_space<vmem>> -> memref<128xf32, #tpu.memory_space<vmem>>
    %dma_start3A_505 = arith.constant 0 : i32
    %dma_start3A_506 = tpu.memref_slice %arg13[%dma_start3A_500, %dma_start3A_505] : memref<392x128xi32, #tpu.memory_space<vmem>> -> memref<1x128xi32, #tpu.memory_space<vmem>>
    %dma_start3A_507 = tpu.memref_squeeze %dma_start3A_506 : memref<1x128xi32, #tpu.memory_space<vmem>> -> memref<128xi32, #tpu.memory_space<vmem>>
    %dma_start3A_508 = arith.constant 0 : i32
    %dma_start3A_509 = tpu.memref_slice %arg20[%dma_start3A_508] : memref<50176xf32, #tpu.memory_space<vmem_shared>> -> memref<50176xf32, #tpu.memory_space<vmem_shared>>
    tpu.enqueue_indirect_dma source(%dma_start3A_509 : memref<50176xf32, #tpu.memory_space<vmem_shared>>) target(%dma_start3A_504 : memref<128xf32, #tpu.memory_space<vmem>>) offsets(%dma_start3A_507 : memref<128xi32, #tpu.memory_space<vmem>>) semaphore(%arg21 : memref<!tpu.dma_semaphore, #tpu.memory_space<semaphore_mem>>)
    %dma_start3A_510 = arith.constant 5 : i32
    %dma_start3A_511 = arith.constant 5 : i32
    %dma_start3A_512 = arith.constant 0 : i32
    %dma_start3A_513 = tpu.memref_slice %arg15[%dma_start3A_511, %dma_start3A_512] : memref<24x128xf32, #tpu.memory_space<vmem>> -> memref<1x128xf32, #tpu.memory_space<vmem>>
    %dma_start3A_514 = tpu.memref_squeeze %dma_start3A_513 : memref<1x128xf32, #tpu.memory_space<vmem>> -> memref<128xf32, #tpu.memory_space<vmem>>
    %dma_start3A_515 = arith.constant 0 : i32
    %dma_start3A_516 = tpu.memref_slice %arg13[%dma_start3A_510, %dma_start3A_515] : memref<392x128xi32, #tpu.memory_space<vmem>> -> memref<1x128xi32, #tpu.memory_space<vmem>>
    %dma_start3A_517 = tpu.memref_squeeze %dma_start3A_516 : memref<1x128xi32, #tpu.memory_space<vmem>> -> memref<128xi32, #tpu.memory_space<vmem>>
    %dma_start3A_518 = arith.constant 0 : i32
    %dma_start3A_519 = tpu.memref_slice %arg20[%dma_start3A_518] : memref<50176xf32, #tpu.memory_space<vmem_shared>> -> memref<50176xf32, #tpu.memory_space<vmem_shared>>
    tpu.enqueue_indirect_dma source(%dma_start3A_519 : memref<50176xf32, #tpu.memory_space<vmem_shared>>) target(%dma_start3A_514 : memref<128xf32, #tpu.memory_space<vmem>>) offsets(%dma_start3A_517 : memref<128xi32, #tpu.memory_space<vmem>>) semaphore(%arg21 : memref<!tpu.dma_semaphore, #tpu.memory_space<semaphore_mem>>)
    %dma_start3A_520 = arith.constant 6 : i32
    %dma_start3A_521 = arith.constant 6 : i32
    %dma_start3A_522 = arith.constant 0 : i32
    %dma_start3A_523 = tpu.memref_slice %arg15[%dma_start3A_521, %dma_start3A_522] : memref<24x128xf32, #tpu.memory_space<vmem>> -> memref<1x128xf32, #tpu.memory_space<vmem>>
    %dma_start3A_524 = tpu.memref_squeeze %dma_start3A_523 : memref<1x128xf32, #tpu.memory_space<vmem>> -> memref<128xf32, #tpu.memory_space<vmem>>
    %dma_start3A_525 = arith.constant 0 : i32
    %dma_start3A_526 = tpu.memref_slice %arg13[%dma_start3A_520, %dma_start3A_525] : memref<392x128xi32, #tpu.memory_space<vmem>> -> memref<1x128xi32, #tpu.memory_space<vmem>>
    %dma_start3A_527 = tpu.memref_squeeze %dma_start3A_526 : memref<1x128xi32, #tpu.memory_space<vmem>> -> memref<128xi32, #tpu.memory_space<vmem>>
    %dma_start3A_528 = arith.constant 0 : i32
    %dma_start3A_529 = tpu.memref_slice %arg20[%dma_start3A_528] : memref<50176xf32, #tpu.memory_space<vmem_shared>> -> memref<50176xf32, #tpu.memory_space<vmem_shared>>
    tpu.enqueue_indirect_dma source(%dma_start3A_529 : memref<50176xf32, #tpu.memory_space<vmem_shared>>) target(%dma_start3A_524 : memref<128xf32, #tpu.memory_space<vmem>>) offsets(%dma_start3A_527 : memref<128xi32, #tpu.memory_space<vmem>>) semaphore(%arg21 : memref<!tpu.dma_semaphore, #tpu.memory_space<semaphore_mem>>)
    %dma_start3A_530 = arith.constant 7 : i32
    %dma_start3A_531 = arith.constant 7 : i32
    %dma_start3A_532 = arith.constant 0 : i32
    %dma_start3A_533 = tpu.memref_slice %arg15[%dma_start3A_531, %dma_start3A_532] : memref<24x128xf32, #tpu.memory_space<vmem>> -> memref<1x128xf32, #tpu.memory_space<vmem>>
    %dma_start3A_534 = tpu.memref_squeeze %dma_start3A_533 : memref<1x128xf32, #tpu.memory_space<vmem>> -> memref<128xf32, #tpu.memory_space<vmem>>
    %dma_start3A_535 = arith.constant 0 : i32
    %dma_start3A_536 = tpu.memref_slice %arg13[%dma_start3A_530, %dma_start3A_535] : memref<392x128xi32, #tpu.memory_space<vmem>> -> memref<1x128xi32, #tpu.memory_space<vmem>>
    %dma_start3A_537 = tpu.memref_squeeze %dma_start3A_536 : memref<1x128xi32, #tpu.memory_space<vmem>> -> memref<128xi32, #tpu.memory_space<vmem>>
    %dma_start3A_538 = arith.constant 0 : i32
    %dma_start3A_539 = tpu.memref_slice %arg20[%dma_start3A_538] : memref<50176xf32, #tpu.memory_space<vmem_shared>> -> memref<50176xf32, #tpu.memory_space<vmem_shared>>
    tpu.enqueue_indirect_dma source(%dma_start3A_539 : memref<50176xf32, #tpu.memory_space<vmem_shared>>) target(%dma_start3A_534 : memref<128xf32, #tpu.memory_space<vmem>>) offsets(%dma_start3A_537 : memref<128xi32, #tpu.memory_space<vmem>>) semaphore(%arg21 : memref<!tpu.dma_semaphore, #tpu.memory_space<semaphore_mem>>)
    %scan3A_540 = arith.constant 0 : i32
    %scan3A_541 = arith.constant 49 : i32
    %scan3A_542 = arith.addi %scan3A_540, %scan3A_541 : i32
    %scan3A_543 = arith.constant 1 : i32
    scf.for %scan3A_628 = %scan3A_540 to %scan3A_542 step %scan3A_543  : i32 {
      %mul3A_629 = arith.constant 8 : i32
      %mul3A_630 = arith.muli %scan3A_628, %mul3A_629 : i32
      %jit3A = arith.constant 3 : i32
      %eq3A_631 = arith.constant 0 : i32
      %eq3A_632 = arith.cmpi eq, %jit3A, %eq3A_631 : i32
      %jit3A_633 = arith.constant 1 : i32
      %select_n3A = arith.select %eq3A_632, %jit3A_633, %jit3A : i32
      %rem3A = arith.remsi %scan3A_628, %select_n3A : i32
      %ne3A = arith.constant 0 : i32
      %ne3A_634 = arith.cmpi ne, %rem3A, %ne3A : i32
      %lt3A = arith.constant 0 : i32
      %lt3A_635 = arith.cmpi slt, %rem3A, %lt3A : i32
      %lt3A_636 = arith.constant 0 : i32
      %lt3A_637 = arith.cmpi slt, %select_n3A, %lt3A_636 : i32
      %ne3A_638 = arith.xori %lt3A_635, %lt3A_637 : i1
      %and3A = arith.andi %ne3A_638, %ne3A_634 : i1
      %add3A_639 = arith.addi %rem3A, %select_n3A : i32
      %select_n3A_640 = arith.select %and3A, %add3A_639, %rem3A : i32
      %mul3A_641 = arith.constant 8 : i32
      %mul3A_642 = arith.muli %select_n3A_640, %mul3A_641 : i32
      %add3A_643 = arith.constant 1 : i32
      %add3A_644 = arith.addi %scan3A_628, %add3A_643 : i32
      %lt3A_645 = arith.constant 49 : i32
      %lt3A_646 = arith.cmpi slt, %add3A_644, %lt3A_645 : i32
      %convert_element_type3A_647 = arith.extui %lt3A_646 : i1 to i32
      %cond3A_648 = arith.constant 0 : i32
      %cond3A_649 = arith.cmpi ne, %convert_element_type3A_647, %cond3A_648 : i32
      scf.if %cond3A_649 {
        %add3A_866 = arith.constant 1 : i32
        %add3A_867 = arith.addi %scan3A_628, %add3A_866 : i32
        %mul3A_868 = arith.constant 8 : i32
        %mul3A_869 = arith.muli %add3A_867, %mul3A_868 : i32
        %jit3A_870 = arith.constant 3 : i32
        %eq3A_871 = arith.constant 0 : i32
        %eq3A_872 = arith.cmpi eq, %jit3A_870, %eq3A_871 : i32
        %jit3A_873 = arith.constant 1 : i32
        %select_n3A_874 = arith.select %eq3A_872, %jit3A_873, %jit3A_870 : i32
        %rem3A_875 = arith.remsi %add3A_867, %select_n3A_874 : i32
        %ne3A_876 = arith.constant 0 : i32
        %ne3A_877 = arith.cmpi ne, %rem3A_875, %ne3A_876 : i32
        %lt3A_878 = arith.constant 0 : i32
        %lt3A_879 = arith.cmpi slt, %rem3A_875, %lt3A_878 : i32
        %lt3A_880 = arith.constant 0 : i32
        %lt3A_881 = arith.cmpi slt, %select_n3A_874, %lt3A_880 : i32
        %ne3A_882 = arith.xori %lt3A_879, %lt3A_881 : i1
        %and3A_883 = arith.andi %ne3A_882, %ne3A_877 : i1
        %add3A_884 = arith.addi %rem3A_875, %select_n3A_874 : i32
        %select_n3A_885 = arith.select %and3A_883, %add3A_884, %rem3A_875 : i32
        %mul3A_886 = arith.constant 8 : i32
        %mul3A_887 = arith.muli %select_n3A_885, %mul3A_886 : i32
        %add3A_888 = arith.constant 0 : i32
        %add3A_889 = arith.addi %mul3A_869, %add3A_888 : i32
        %add3A_890 = arith.constant 0 : i32
        %add3A_891 = arith.addi %mul3A_887, %add3A_890 : i32
        %dma_start3A_892 = arith.constant 0 : i32
        %dma_start3A_893 = tpu.memref_slice %arg15[%add3A_891, %dma_start3A_892] : memref<24x128xf32, #tpu.memory_space<vmem>> -> memref<1x128xf32, #tpu.memory_space<vmem>>
        %dma_start3A_894 = tpu.memref_squeeze %dma_start3A_893 : memref<1x128xf32, #tpu.memory_space<vmem>> -> memref<128xf32, #tpu.memory_space<vmem>>
        %dma_start3A_895 = arith.constant 0 : i32
        %dma_start3A_896 = tpu.memref_slice %arg13[%add3A_889, %dma_start3A_895] : memref<392x128xi32, #tpu.memory_space<vmem>> -> memref<1x128xi32, #tpu.memory_space<vmem>>
        %dma_start3A_897 = tpu.memref_squeeze %dma_start3A_896 : memref<1x128xi32, #tpu.memory_space<vmem>> -> memref<128xi32, #tpu.memory_space<vmem>>
        %dma_start3A_898 = arith.constant 0 : i32
        %dma_start3A_899 = tpu.memref_slice %arg20[%dma_start3A_898] : memref<50176xf32, #tpu.memory_space<vmem_shared>> -> memref<50176xf32, #tpu.memory_space<vmem_shared>>
        tpu.enqueue_indirect_dma source(%dma_start3A_899 : memref<50176xf32, #tpu.memory_space<vmem_shared>>) target(%dma_start3A_894 : memref<128xf32, #tpu.memory_space<vmem>>) offsets(%dma_start3A_897 : memref<128xi32, #tpu.memory_space<vmem>>) semaphore(%arg21 : memref<!tpu.dma_semaphore, #tpu.memory_space<semaphore_mem>>)
        %add3A_900 = arith.constant 1 : i32
        %add3A_901 = arith.addi %mul3A_869, %add3A_900 : i32
        %add3A_902 = arith.constant 1 : i32
        %add3A_903 = arith.addi %mul3A_887, %add3A_902 : i32
        %dma_start3A_904 = arith.constant 0 : i32
        %dma_start3A_905 = tpu.memref_slice %arg15[%add3A_903, %dma_start3A_904] : memref<24x128xf32, #tpu.memory_space<vmem>> -> memref<1x128xf32, #tpu.memory_space<vmem>>
        %dma_start3A_906 = tpu.memref_squeeze %dma_start3A_905 : memref<1x128xf32, #tpu.memory_space<vmem>> -> memref<128xf32, #tpu.memory_space<vmem>>
        %dma_start3A_907 = arith.constant 0 : i32
        %dma_start3A_908 = tpu.memref_slice %arg13[%add3A_901, %dma_start3A_907] : memref<392x128xi32, #tpu.memory_space<vmem>> -> memref<1x128xi32, #tpu.memory_space<vmem>>
        %dma_start3A_909 = tpu.memref_squeeze %dma_start3A_908 : memref<1x128xi32, #tpu.memory_space<vmem>> -> memref<128xi32, #tpu.memory_space<vmem>>
        %dma_start3A_910 = arith.constant 0 : i32
        %dma_start3A_911 = tpu.memref_slice %arg20[%dma_start3A_910] : memref<50176xf32, #tpu.memory_space<vmem_shared>> -> memref<50176xf32, #tpu.memory_space<vmem_shared>>
        tpu.enqueue_indirect_dma source(%dma_start3A_911 : memref<50176xf32, #tpu.memory_space<vmem_shared>>) target(%dma_start3A_906 : memref<128xf32, #tpu.memory_space<vmem>>) offsets(%dma_start3A_909 : memref<128xi32, #tpu.memory_space<vmem>>) semaphore(%arg21 : memref<!tpu.dma_semaphore, #tpu.memory_space<semaphore_mem>>)
        %add3A_912 = arith.constant 2 : i32
        %add3A_913 = arith.addi %mul3A_869, %add3A_912 : i32
        %add3A_914 = arith.constant 2 : i32
        %add3A_915 = arith.addi %mul3A_887, %add3A_914 : i32
        %dma_start3A_916 = arith.constant 0 : i32
        %dma_start3A_917 = tpu.memref_slice %arg15[%add3A_915, %dma_start3A_916] : memref<24x128xf32, #tpu.memory_space<vmem>> -> memref<1x128xf32, #tpu.memory_space<vmem>>
        %dma_start3A_918 = tpu.memref_squeeze %dma_start3A_917 : memref<1x128xf32, #tpu.memory_space<vmem>> -> memref<128xf32, #tpu.memory_space<vmem>>
        %dma_start3A_919 = arith.constant 0 : i32
        %dma_start3A_920 = tpu.memref_slice %arg13[%add3A_913, %dma_start3A_919] : memref<392x128xi32, #tpu.memory_space<vmem>> -> memref<1x128xi32, #tpu.memory_space<vmem>>
        %dma_start3A_921 = tpu.memref_squeeze %dma_start3A_920 : memref<1x128xi32, #tpu.memory_space<vmem>> -> memref<128xi32, #tpu.memory_space<vmem>>
        %dma_start3A_922 = arith.constant 0 : i32
        %dma_start3A_923 = tpu.memref_slice %arg20[%dma_start3A_922] : memref<50176xf32, #tpu.memory_space<vmem_shared>> -> memref<50176xf32, #tpu.memory_space<vmem_shared>>
        tpu.enqueue_indirect_dma source(%dma_start3A_923 : memref<50176xf32, #tpu.memory_space<vmem_shared>>) target(%dma_start3A_918 : memref<128xf32, #tpu.memory_space<vmem>>) offsets(%dma_start3A_921 : memref<128xi32, #tpu.memory_space<vmem>>) semaphore(%arg21 : memref<!tpu.dma_semaphore, #tpu.memory_space<semaphore_mem>>)
        %add3A_924 = arith.constant 3 : i32
        %add3A_925 = arith.addi %mul3A_869, %add3A_924 : i32
        %add3A_926 = arith.constant 3 : i32
        %add3A_927 = arith.addi %mul3A_887, %add3A_926 : i32
        %dma_start3A_928 = arith.constant 0 : i32
        %dma_start3A_929 = tpu.memref_slice %arg15[%add3A_927, %dma_start3A_928] : memref<24x128xf32, #tpu.memory_space<vmem>> -> memref<1x128xf32, #tpu.memory_space<vmem>>
        %dma_start3A_930 = tpu.memref_squeeze %dma_start3A_929 : memref<1x128xf32, #tpu.memory_space<vmem>> -> memref<128xf32, #tpu.memory_space<vmem>>
        %dma_start3A_931 = arith.constant 0 : i32
        %dma_start3A_932 = tpu.memref_slice %arg13[%add3A_925, %dma_start3A_931] : memref<392x128xi32, #tpu.memory_space<vmem>> -> memref<1x128xi32, #tpu.memory_space<vmem>>
        %dma_start3A_933 = tpu.memref_squeeze %dma_start3A_932 : memref<1x128xi32, #tpu.memory_space<vmem>> -> memref<128xi32, #tpu.memory_space<vmem>>
        %dma_start3A_934 = arith.constant 0 : i32
        %dma_start3A_935 = tpu.memref_slice %arg20[%dma_start3A_934] : memref<50176xf32, #tpu.memory_space<vmem_shared>> -> memref<50176xf32, #tpu.memory_space<vmem_shared>>
        tpu.enqueue_indirect_dma source(%dma_start3A_935 : memref<50176xf32, #tpu.memory_space<vmem_shared>>) target(%dma_start3A_930 : memref<128xf32, #tpu.memory_space<vmem>>) offsets(%dma_start3A_933 : memref<128xi32, #tpu.memory_space<vmem>>) semaphore(%arg21 : memref<!tpu.dma_semaphore, #tpu.memory_space<semaphore_mem>>)
        %add3A_936 = arith.constant 4 : i32
        %add3A_937 = arith.addi %mul3A_869, %add3A_936 : i32
        %add3A_938 = arith.constant 4 : i32
        %add3A_939 = arith.addi %mul3A_887, %add3A_938 : i32
        %dma_start3A_940 = arith.constant 0 : i32
        %dma_start3A_941 = tpu.memref_slice %arg15[%add3A_939, %dma_start3A_940] : memref<24x128xf32, #tpu.memory_space<vmem>> -> memref<1x128xf32, #tpu.memory_space<vmem>>
        %dma_start3A_942 = tpu.memref_squeeze %dma_start3A_941 : memref<1x128xf32, #tpu.memory_space<vmem>> -> memref<128xf32, #tpu.memory_space<vmem>>
        %dma_start3A_943 = arith.constant 0 : i32
        %dma_start3A_944 = tpu.memref_slice %arg13[%add3A_937, %dma_start3A_943] : memref<392x128xi32, #tpu.memory_space<vmem>> -> memref<1x128xi32, #tpu.memory_space<vmem>>
        %dma_start3A_945 = tpu.memref_squeeze %dma_start3A_944 : memref<1x128xi32, #tpu.memory_space<vmem>> -> memref<128xi32, #tpu.memory_space<vmem>>
        %dma_start3A_946 = arith.constant 0 : i32
        %dma_start3A_947 = tpu.memref_slice %arg20[%dma_start3A_946] : memref<50176xf32, #tpu.memory_space<vmem_shared>> -> memref<50176xf32, #tpu.memory_space<vmem_shared>>
        tpu.enqueue_indirect_dma source(%dma_start3A_947 : memref<50176xf32, #tpu.memory_space<vmem_shared>>) target(%dma_start3A_942 : memref<128xf32, #tpu.memory_space<vmem>>) offsets(%dma_start3A_945 : memref<128xi32, #tpu.memory_space<vmem>>) semaphore(%arg21 : memref<!tpu.dma_semaphore, #tpu.memory_space<semaphore_mem>>)
        %add3A_948 = arith.constant 5 : i32
        %add3A_949 = arith.addi %mul3A_869, %add3A_948 : i32
        %add3A_950 = arith.constant 5 : i32
        %add3A_951 = arith.addi %mul3A_887, %add3A_950 : i32
        %dma_start3A_952 = arith.constant 0 : i32
        %dma_start3A_953 = tpu.memref_slice %arg15[%add3A_951, %dma_start3A_952] : memref<24x128xf32, #tpu.memory_space<vmem>> -> memref<1x128xf32, #tpu.memory_space<vmem>>
        %dma_start3A_954 = tpu.memref_squeeze %dma_start3A_953 : memref<1x128xf32, #tpu.memory_space<vmem>> -> memref<128xf32, #tpu.memory_space<vmem>>
        %dma_start3A_955 = arith.constant 0 : i32
        %dma_start3A_956 = tpu.memref_slice %arg13[%add3A_949, %dma_start3A_955] : memref<392x128xi32, #tpu.memory_space<vmem>> -> memref<1x128xi32, #tpu.memory_space<vmem>>
        %dma_start3A_957 = tpu.memref_squeeze %dma_start3A_956 : memref<1x128xi32, #tpu.memory_space<vmem>> -> memref<128xi32, #tpu.memory_space<vmem>>
        %dma_start3A_958 = arith.constant 0 : i32
        %dma_start3A_959 = tpu.memref_slice %arg20[%dma_start3A_958] : memref<50176xf32, #tpu.memory_space<vmem_shared>> -> memref<50176xf32, #tpu.memory_space<vmem_shared>>
        tpu.enqueue_indirect_dma source(%dma_start3A_959 : memref<50176xf32, #tpu.memory_space<vmem_shared>>) target(%dma_start3A_954 : memref<128xf32, #tpu.memory_space<vmem>>) offsets(%dma_start3A_957 : memref<128xi32, #tpu.memory_space<vmem>>) semaphore(%arg21 : memref<!tpu.dma_semaphore, #tpu.memory_space<semaphore_mem>>)
        %add3A_960 = arith.constant 6 : i32
        %add3A_961 = arith.addi %mul3A_869, %add3A_960 : i32
        %add3A_962 = arith.constant 6 : i32
        %add3A_963 = arith.addi %mul3A_887, %add3A_962 : i32
        %dma_start3A_964 = arith.constant 0 : i32
        %dma_start3A_965 = tpu.memref_slice %arg15[%add3A_963, %dma_start3A_964] : memref<24x128xf32, #tpu.memory_space<vmem>> -> memref<1x128xf32, #tpu.memory_space<vmem>>
        %dma_start3A_966 = tpu.memref_squeeze %dma_start3A_965 : memref<1x128xf32, #tpu.memory_space<vmem>> -> memref<128xf32, #tpu.memory_space<vmem>>
        %dma_start3A_967 = arith.constant 0 : i32
        %dma_start3A_968 = tpu.memref_slice %arg13[%add3A_961, %dma_start3A_967] : memref<392x128xi32, #tpu.memory_space<vmem>> -> memref<1x128xi32, #tpu.memory_space<vmem>>
        %dma_start3A_969 = tpu.memref_squeeze %dma_start3A_968 : memref<1x128xi32, #tpu.memory_space<vmem>> -> memref<128xi32, #tpu.memory_space<vmem>>
        %dma_start3A_970 = arith.constant 0 : i32
        %dma_start3A_971 = tpu.memref_slice %arg20[%dma_start3A_970] : memref<50176xf32, #tpu.memory_space<vmem_shared>> -> memref<50176xf32, #tpu.memory_space<vmem_shared>>
        tpu.enqueue_indirect_dma source(%dma_start3A_971 : memref<50176xf32, #tpu.memory_space<vmem_shared>>) target(%dma_start3A_966 : memref<128xf32, #tpu.memory_space<vmem>>) offsets(%dma_start3A_969 : memref<128xi32, #tpu.memory_space<vmem>>) semaphore(%arg21 : memref<!tpu.dma_semaphore, #tpu.memory_space<semaphore_mem>>)
        %add3A_972 = arith.constant 7 : i32
        %add3A_973 = arith.addi %mul3A_869, %add3A_972 : i32
        %add3A_974 = arith.constant 7 : i32
        %add3A_975 = arith.addi %mul3A_887, %add3A_974 : i32
        %dma_start3A_976 = arith.constant 0 : i32
        %dma_start3A_977 = tpu.memref_slice %arg15[%add3A_975, %dma_start3A_976] : memref<24x128xf32, #tpu.memory_space<vmem>> -> memref<1x128xf32, #tpu.memory_space<vmem>>
        %dma_start3A_978 = tpu.memref_squeeze %dma_start3A_977 : memref<1x128xf32, #tpu.memory_space<vmem>> -> memref<128xf32, #tpu.memory_space<vmem>>
        %dma_start3A_979 = arith.constant 0 : i32
        %dma_start3A_980 = tpu.memref_slice %arg13[%add3A_973, %dma_start3A_979] : memref<392x128xi32, #tpu.memory_space<vmem>> -> memref<1x128xi32, #tpu.memory_space<vmem>>
        %dma_start3A_981 = tpu.memref_squeeze %dma_start3A_980 : memref<1x128xi32, #tpu.memory_space<vmem>> -> memref<128xi32, #tpu.memory_space<vmem>>
        %dma_start3A_982 = arith.constant 0 : i32
        %dma_start3A_983 = tpu.memref_slice %arg20[%dma_start3A_982] : memref<50176xf32, #tpu.memory_space<vmem_shared>> -> memref<50176xf32, #tpu.memory_space<vmem_shared>>
        tpu.enqueue_indirect_dma source(%dma_start3A_983 : memref<50176xf32, #tpu.memory_space<vmem_shared>>) target(%dma_start3A_978 : memref<128xf32, #tpu.memory_space<vmem>>) offsets(%dma_start3A_981 : memref<128xi32, #tpu.memory_space<vmem>>) semaphore(%arg21 : memref<!tpu.dma_semaphore, #tpu.memory_space<semaphore_mem>>)
      } else {
      }
      %gt3A = arith.constant 0 : i32
      %gt3A_650 = arith.cmpi sgt, %scan3A_628, %gt3A : i32
      %convert_element_type3A_651 = arith.extui %gt3A_650 : i1 to i32
      %cond3A_652 = arith.constant 0 : i32
      %cond3A_653 = arith.cmpi ne, %convert_element_type3A_651, %cond3A_652 : i32
      scf.if %cond3A_653 {
        %sub3A = arith.constant 1 : i32
        %sub3A_866 = arith.subi %scan3A_628, %sub3A : i32
        %mul3A_867 = arith.constant 8 : i32
        %mul3A_868 = arith.muli %sub3A_866, %mul3A_867 : i32
        %jit3A_869 = arith.constant 2 : i32
        %eq3A_870 = arith.constant 0 : i32
        %eq3A_871 = arith.cmpi eq, %jit3A_869, %eq3A_870 : i32
        %jit3A_872 = arith.constant 1 : i32
        %select_n3A_873 = arith.select %eq3A_871, %jit3A_872, %jit3A_869 : i32
        %rem3A_874 = arith.remsi %sub3A_866, %select_n3A_873 : i32
        %ne3A_875 = arith.constant 0 : i32
        %ne3A_876 = arith.cmpi ne, %rem3A_874, %ne3A_875 : i32
        %lt3A_877 = arith.constant 0 : i32
        %lt3A_878 = arith.cmpi slt, %rem3A_874, %lt3A_877 : i32
        %lt3A_879 = arith.constant 0 : i32
        %lt3A_880 = arith.cmpi slt, %select_n3A_873, %lt3A_879 : i32
        %ne3A_881 = arith.xori %lt3A_878, %lt3A_880 : i1
        %and3A_882 = arith.andi %ne3A_881, %ne3A_876 : i1
        %add3A_883 = arith.addi %rem3A_874, %select_n3A_873 : i32
        %select_n3A_884 = arith.select %and3A_882, %add3A_883, %rem3A_874 : i32
        %mul3A_885 = arith.constant 8 : i32
        %mul3A_886 = arith.muli %select_n3A_884, %mul3A_885 : i32
        %add3A_887 = arith.constant 0 : i32
        %add3A_888 = arith.addi %mul3A_886, %add3A_887 : i32
        %add3A_889 = arith.constant 0 : i32
        %add3A_890 = arith.addi %mul3A_868, %add3A_889 : i32
        %dma_wait3A_891 = arith.constant 0 : i32
        %dma_wait3A_892 = tpu.memref_slice %arg15[%add3A_888, %dma_wait3A_891] : memref<24x128xf32, #tpu.memory_space<vmem>> -> memref<1x128xf32, #tpu.memory_space<vmem>>
        %dma_wait3A_893 = tpu.memref_squeeze %dma_wait3A_892 : memref<1x128xf32, #tpu.memory_space<vmem>> -> memref<128xf32, #tpu.memory_space<vmem>>
        %dma_wait3A_894 = arith.constant 0 : i32
        %dma_wait3A_895 = tpu.memref_slice %arg14[%add3A_890, %dma_wait3A_894] : memref<392x128xi32, #tpu.memory_space<vmem>> -> memref<1x128xi32, #tpu.memory_space<vmem>>
        %dma_wait3A_896 = tpu.memref_squeeze %dma_wait3A_895 : memref<1x128xi32, #tpu.memory_space<vmem>> -> memref<128xi32, #tpu.memory_space<vmem>>
        %dma_wait3A_897 = arith.constant 0 : i32
        %dma_wait3A_898 = tpu.memref_slice %arg19[%dma_wait3A_897] : memref<50176xf32, #tpu.memory_space<vmem_shared>> -> memref<50176xf32, #tpu.memory_space<vmem_shared>>
        tpu.wait_indirect_dma semaphore(%arg22 : memref<!tpu.dma_semaphore, #tpu.memory_space<semaphore_mem>>) src(%dma_wait3A_893 : memref<128xf32, #tpu.memory_space<vmem>>) dst(%dma_wait3A_898 : memref<50176xf32, #tpu.memory_space<vmem_shared>>)
        %add3A_899 = arith.constant 1 : i32
        %add3A_900 = arith.addi %mul3A_886, %add3A_899 : i32
        %add3A_901 = arith.constant 1 : i32
        %add3A_902 = arith.addi %mul3A_868, %add3A_901 : i32
        %dma_wait3A_903 = arith.constant 0 : i32
        %dma_wait3A_904 = tpu.memref_slice %arg15[%add3A_900, %dma_wait3A_903] : memref<24x128xf32, #tpu.memory_space<vmem>> -> memref<1x128xf32, #tpu.memory_space<vmem>>
        %dma_wait3A_905 = tpu.memref_squeeze %dma_wait3A_904 : memref<1x128xf32, #tpu.memory_space<vmem>> -> memref<128xf32, #tpu.memory_space<vmem>>
        %dma_wait3A_906 = arith.constant 0 : i32
        %dma_wait3A_907 = tpu.memref_slice %arg14[%add3A_902, %dma_wait3A_906] : memref<392x128xi32, #tpu.memory_space<vmem>> -> memref<1x128xi32, #tpu.memory_space<vmem>>
        %dma_wait3A_908 = tpu.memref_squeeze %dma_wait3A_907 : memref<1x128xi32, #tpu.memory_space<vmem>> -> memref<128xi32, #tpu.memory_space<vmem>>
        %dma_wait3A_909 = arith.constant 0 : i32
        %dma_wait3A_910 = tpu.memref_slice %arg19[%dma_wait3A_909] : memref<50176xf32, #tpu.memory_space<vmem_shared>> -> memref<50176xf32, #tpu.memory_space<vmem_shared>>
        tpu.wait_indirect_dma semaphore(%arg22 : memref<!tpu.dma_semaphore, #tpu.memory_space<semaphore_mem>>) src(%dma_wait3A_905 : memref<128xf32, #tpu.memory_space<vmem>>) dst(%dma_wait3A_910 : memref<50176xf32, #tpu.memory_space<vmem_shared>>)
        %add3A_911 = arith.constant 2 : i32
        %add3A_912 = arith.addi %mul3A_886, %add3A_911 : i32
        %add3A_913 = arith.constant 2 : i32
        %add3A_914 = arith.addi %mul3A_868, %add3A_913 : i32
        %dma_wait3A_915 = arith.constant 0 : i32
        %dma_wait3A_916 = tpu.memref_slice %arg15[%add3A_912, %dma_wait3A_915] : memref<24x128xf32, #tpu.memory_space<vmem>> -> memref<1x128xf32, #tpu.memory_space<vmem>>
        %dma_wait3A_917 = tpu.memref_squeeze %dma_wait3A_916 : memref<1x128xf32, #tpu.memory_space<vmem>> -> memref<128xf32, #tpu.memory_space<vmem>>
        %dma_wait3A_918 = arith.constant 0 : i32
        %dma_wait3A_919 = tpu.memref_slice %arg14[%add3A_914, %dma_wait3A_918] : memref<392x128xi32, #tpu.memory_space<vmem>> -> memref<1x128xi32, #tpu.memory_space<vmem>>
        %dma_wait3A_920 = tpu.memref_squeeze %dma_wait3A_919 : memref<1x128xi32, #tpu.memory_space<vmem>> -> memref<128xi32, #tpu.memory_space<vmem>>
        %dma_wait3A_921 = arith.constant 0 : i32
        %dma_wait3A_922 = tpu.memref_slice %arg19[%dma_wait3A_921] : memref<50176xf32, #tpu.memory_space<vmem_shared>> -> memref<50176xf32, #tpu.memory_space<vmem_shared>>
        tpu.wait_indirect_dma semaphore(%arg22 : memref<!tpu.dma_semaphore, #tpu.memory_space<semaphore_mem>>) src(%dma_wait3A_917 : memref<128xf32, #tpu.memory_space<vmem>>) dst(%dma_wait3A_922 : memref<50176xf32, #tpu.memory_space<vmem_shared>>)
        %add3A_923 = arith.constant 3 : i32
        %add3A_924 = arith.addi %mul3A_886, %add3A_923 : i32
        %add3A_925 = arith.constant 3 : i32
        %add3A_926 = arith.addi %mul3A_868, %add3A_925 : i32
        %dma_wait3A_927 = arith.constant 0 : i32
        %dma_wait3A_928 = tpu.memref_slice %arg15[%add3A_924, %dma_wait3A_927] : memref<24x128xf32, #tpu.memory_space<vmem>> -> memref<1x128xf32, #tpu.memory_space<vmem>>
        %dma_wait3A_929 = tpu.memref_squeeze %dma_wait3A_928 : memref<1x128xf32, #tpu.memory_space<vmem>> -> memref<128xf32, #tpu.memory_space<vmem>>
        %dma_wait3A_930 = arith.constant 0 : i32
        %dma_wait3A_931 = tpu.memref_slice %arg14[%add3A_926, %dma_wait3A_930] : memref<392x128xi32, #tpu.memory_space<vmem>> -> memref<1x128xi32, #tpu.memory_space<vmem>>
        %dma_wait3A_932 = tpu.memref_squeeze %dma_wait3A_931 : memref<1x128xi32, #tpu.memory_space<vmem>> -> memref<128xi32, #tpu.memory_space<vmem>>
        %dma_wait3A_933 = arith.constant 0 : i32
        %dma_wait3A_934 = tpu.memref_slice %arg19[%dma_wait3A_933] : memref<50176xf32, #tpu.memory_space<vmem_shared>> -> memref<50176xf32, #tpu.memory_space<vmem_shared>>
        tpu.wait_indirect_dma semaphore(%arg22 : memref<!tpu.dma_semaphore, #tpu.memory_space<semaphore_mem>>) src(%dma_wait3A_929 : memref<128xf32, #tpu.memory_space<vmem>>) dst(%dma_wait3A_934 : memref<50176xf32, #tpu.memory_space<vmem_shared>>)
        %add3A_935 = arith.constant 4 : i32
        %add3A_936 = arith.addi %mul3A_886, %add3A_935 : i32
        %add3A_937 = arith.constant 4 : i32
        %add3A_938 = arith.addi %mul3A_868, %add3A_937 : i32
        %dma_wait3A_939 = arith.constant 0 : i32
        %dma_wait3A_940 = tpu.memref_slice %arg15[%add3A_936, %dma_wait3A_939] : memref<24x128xf32, #tpu.memory_space<vmem>> -> memref<1x128xf32, #tpu.memory_space<vmem>>
        %dma_wait3A_941 = tpu.memref_squeeze %dma_wait3A_940 : memref<1x128xf32, #tpu.memory_space<vmem>> -> memref<128xf32, #tpu.memory_space<vmem>>
        %dma_wait3A_942 = arith.constant 0 : i32
        %dma_wait3A_943 = tpu.memref_slice %arg14[%add3A_938, %dma_wait3A_942] : memref<392x128xi32, #tpu.memory_space<vmem>> -> memref<1x128xi32, #tpu.memory_space<vmem>>
        %dma_wait3A_944 = tpu.memref_squeeze %dma_wait3A_943 : memref<1x128xi32, #tpu.memory_space<vmem>> -> memref<128xi32, #tpu.memory_space<vmem>>
        %dma_wait3A_945 = arith.constant 0 : i32
        %dma_wait3A_946 = tpu.memref_slice %arg19[%dma_wait3A_945] : memref<50176xf32, #tpu.memory_space<vmem_shared>> -> memref<50176xf32, #tpu.memory_space<vmem_shared>>
        tpu.wait_indirect_dma semaphore(%arg22 : memref<!tpu.dma_semaphore, #tpu.memory_space<semaphore_mem>>) src(%dma_wait3A_941 : memref<128xf32, #tpu.memory_space<vmem>>) dst(%dma_wait3A_946 : memref<50176xf32, #tpu.memory_space<vmem_shared>>)
        %add3A_947 = arith.constant 5 : i32
        %add3A_948 = arith.addi %mul3A_886, %add3A_947 : i32
        %add3A_949 = arith.constant 5 : i32
        %add3A_950 = arith.addi %mul3A_868, %add3A_949 : i32
        %dma_wait3A_951 = arith.constant 0 : i32
        %dma_wait3A_952 = tpu.memref_slice %arg15[%add3A_948, %dma_wait3A_951] : memref<24x128xf32, #tpu.memory_space<vmem>> -> memref<1x128xf32, #tpu.memory_space<vmem>>
        %dma_wait3A_953 = tpu.memref_squeeze %dma_wait3A_952 : memref<1x128xf32, #tpu.memory_space<vmem>> -> memref<128xf32, #tpu.memory_space<vmem>>
        %dma_wait3A_954 = arith.constant 0 : i32
        %dma_wait3A_955 = tpu.memref_slice %arg14[%add3A_950, %dma_wait3A_954] : memref<392x128xi32, #tpu.memory_space<vmem>> -> memref<1x128xi32, #tpu.memory_space<vmem>>
        %dma_wait3A_956 = tpu.memref_squeeze %dma_wait3A_955 : memref<1x128xi32, #tpu.memory_space<vmem>> -> memref<128xi32, #tpu.memory_space<vmem>>
        %dma_wait3A_957 = arith.constant 0 : i32
        %dma_wait3A_958 = tpu.memref_slice %arg19[%dma_wait3A_957] : memref<50176xf32, #tpu.memory_space<vmem_shared>> -> memref<50176xf32, #tpu.memory_space<vmem_shared>>
        tpu.wait_indirect_dma semaphore(%arg22 : memref<!tpu.dma_semaphore, #tpu.memory_space<semaphore_mem>>) src(%dma_wait3A_953 : memref<128xf32, #tpu.memory_space<vmem>>) dst(%dma_wait3A_958 : memref<50176xf32, #tpu.memory_space<vmem_shared>>)
        %add3A_959 = arith.constant 6 : i32
        %add3A_960 = arith.addi %mul3A_886, %add3A_959 : i32
        %add3A_961 = arith.constant 6 : i32
        %add3A_962 = arith.addi %mul3A_868, %add3A_961 : i32
        %dma_wait3A_963 = arith.constant 0 : i32
        %dma_wait3A_964 = tpu.memref_slice %arg15[%add3A_960, %dma_wait3A_963] : memref<24x128xf32, #tpu.memory_space<vmem>> -> memref<1x128xf32, #tpu.memory_space<vmem>>
        %dma_wait3A_965 = tpu.memref_squeeze %dma_wait3A_964 : memref<1x128xf32, #tpu.memory_space<vmem>> -> memref<128xf32, #tpu.memory_space<vmem>>
        %dma_wait3A_966 = arith.constant 0 : i32
        %dma_wait3A_967 = tpu.memref_slice %arg14[%add3A_962, %dma_wait3A_966] : memref<392x128xi32, #tpu.memory_space<vmem>> -> memref<1x128xi32, #tpu.memory_space<vmem>>
        %dma_wait3A_968 = tpu.memref_squeeze %dma_wait3A_967 : memref<1x128xi32, #tpu.memory_space<vmem>> -> memref<128xi32, #tpu.memory_space<vmem>>
        %dma_wait3A_969 = arith.constant 0 : i32
        %dma_wait3A_970 = tpu.memref_slice %arg19[%dma_wait3A_969] : memref<50176xf32, #tpu.memory_space<vmem_shared>> -> memref<50176xf32, #tpu.memory_space<vmem_shared>>
        tpu.wait_indirect_dma semaphore(%arg22 : memref<!tpu.dma_semaphore, #tpu.memory_space<semaphore_mem>>) src(%dma_wait3A_965 : memref<128xf32, #tpu.memory_space<vmem>>) dst(%dma_wait3A_970 : memref<50176xf32, #tpu.memory_space<vmem_shared>>)
        %add3A_971 = arith.constant 7 : i32
        %add3A_972 = arith.addi %mul3A_886, %add3A_971 : i32
        %add3A_973 = arith.constant 7 : i32
        %add3A_974 = arith.addi %mul3A_868, %add3A_973 : i32
        %dma_wait3A_975 = arith.constant 0 : i32
        %dma_wait3A_976 = tpu.memref_slice %arg15[%add3A_972, %dma_wait3A_975] : memref<24x128xf32, #tpu.memory_space<vmem>> -> memref<1x128xf32, #tpu.memory_space<vmem>>
        %dma_wait3A_977 = tpu.memref_squeeze %dma_wait3A_976 : memref<1x128xf32, #tpu.memory_space<vmem>> -> memref<128xf32, #tpu.memory_space<vmem>>
        %dma_wait3A_978 = arith.constant 0 : i32
        %dma_wait3A_979 = tpu.memref_slice %arg14[%add3A_974, %dma_wait3A_978] : memref<392x128xi32, #tpu.memory_space<vmem>> -> memref<1x128xi32, #tpu.memory_space<vmem>>
        %dma_wait3A_980 = tpu.memref_squeeze %dma_wait3A_979 : memref<1x128xi32, #tpu.memory_space<vmem>> -> memref<128xi32, #tpu.memory_space<vmem>>
        %dma_wait3A_981 = arith.constant 0 : i32
        %dma_wait3A_982 = tpu.memref_slice %arg19[%dma_wait3A_981] : memref<50176xf32, #tpu.memory_space<vmem_shared>> -> memref<50176xf32, #tpu.memory_space<vmem_shared>>
        tpu.wait_indirect_dma semaphore(%arg22 : memref<!tpu.dma_semaphore, #tpu.memory_space<semaphore_mem>>) src(%dma_wait3A_977 : memref<128xf32, #tpu.memory_space<vmem>>) dst(%dma_wait3A_982 : memref<50176xf32, #tpu.memory_space<vmem_shared>>)
      } else {
      }
      %mul3A_654 = arith.constant 8 : i32
      %mul3A_655 = arith.muli %scan3A_628, %mul3A_654 : i32
      %jit3A_656 = arith.constant 3 : i32
      %eq3A_657 = arith.constant 0 : i32
      %eq3A_658 = arith.cmpi eq, %jit3A_656, %eq3A_657 : i32
      %jit3A_659 = arith.constant 1 : i32
      %select_n3A_660 = arith.select %eq3A_658, %jit3A_659, %jit3A_656 : i32
      %rem3A_661 = arith.remsi %scan3A_628, %select_n3A_660 : i32
      %ne3A_662 = arith.constant 0 : i32
      %ne3A_663 = arith.cmpi ne, %rem3A_661, %ne3A_662 : i32
      %lt3A_664 = arith.constant 0 : i32
      %lt3A_665 = arith.cmpi slt, %rem3A_661, %lt3A_664 : i32
      %lt3A_666 = arith.constant 0 : i32
      %lt3A_667 = arith.cmpi slt, %select_n3A_660, %lt3A_666 : i32
      %ne3A_668 = arith.xori %lt3A_665, %lt3A_667 : i1
      %and3A_669 = arith.andi %ne3A_668, %ne3A_663 : i1
      %add3A_670 = arith.addi %rem3A_661, %select_n3A_660 : i32
      %select_n3A_671 = arith.select %and3A_669, %add3A_670, %rem3A_661 : i32
      %mul3A_672 = arith.constant 8 : i32
      %mul3A_673 = arith.muli %select_n3A_671, %mul3A_672 : i32
      %add3A_674 = arith.constant 0 : i32
      %add3A_675 = arith.addi %mul3A_655, %add3A_674 : i32
      %add3A_676 = arith.constant 0 : i32
      %add3A_677 = arith.addi %mul3A_673, %add3A_676 : i32
      %dma_wait3A_678 = arith.constant 0 : i32
      %dma_wait3A_679 = tpu.memref_slice %arg15[%add3A_677, %dma_wait3A_678] : memref<24x128xf32, #tpu.memory_space<vmem>> -> memref<1x128xf32, #tpu.memory_space<vmem>>
      %dma_wait3A_680 = tpu.memref_squeeze %dma_wait3A_679 : memref<1x128xf32, #tpu.memory_space<vmem>> -> memref<128xf32, #tpu.memory_space<vmem>>
      %dma_wait3A_681 = arith.constant 0 : i32
      %dma_wait3A_682 = tpu.memref_slice %arg13[%add3A_675, %dma_wait3A_681] : memref<392x128xi32, #tpu.memory_space<vmem>> -> memref<1x128xi32, #tpu.memory_space<vmem>>
      %dma_wait3A_683 = tpu.memref_squeeze %dma_wait3A_682 : memref<1x128xi32, #tpu.memory_space<vmem>> -> memref<128xi32, #tpu.memory_space<vmem>>
      %dma_wait3A_684 = arith.constant 0 : i32
      %dma_wait3A_685 = tpu.memref_slice %arg20[%dma_wait3A_684] : memref<50176xf32, #tpu.memory_space<vmem_shared>> -> memref<50176xf32, #tpu.memory_space<vmem_shared>>
      tpu.wait_indirect_dma semaphore(%arg21 : memref<!tpu.dma_semaphore, #tpu.memory_space<semaphore_mem>>) src(%dma_wait3A_685 : memref<50176xf32, #tpu.memory_space<vmem_shared>>) dst(%dma_wait3A_680 : memref<128xf32, #tpu.memory_space<vmem>>)
      %add3A_686 = arith.constant 1 : i32
      %add3A_687 = arith.addi %mul3A_655, %add3A_686 : i32
      %add3A_688 = arith.constant 1 : i32
      %add3A_689 = arith.addi %mul3A_673, %add3A_688 : i32
      %dma_wait3A_690 = arith.constant 0 : i32
      %dma_wait3A_691 = tpu.memref_slice %arg15[%add3A_689, %dma_wait3A_690] : memref<24x128xf32, #tpu.memory_space<vmem>> -> memref<1x128xf32, #tpu.memory_space<vmem>>
      %dma_wait3A_692 = tpu.memref_squeeze %dma_wait3A_691 : memref<1x128xf32, #tpu.memory_space<vmem>> -> memref<128xf32, #tpu.memory_space<vmem>>
      %dma_wait3A_693 = arith.constant 0 : i32
      %dma_wait3A_694 = tpu.memref_slice %arg13[%add3A_687, %dma_wait3A_693] : memref<392x128xi32, #tpu.memory_space<vmem>> -> memref<1x128xi32, #tpu.memory_space<vmem>>
      %dma_wait3A_695 = tpu.memref_squeeze %dma_wait3A_694 : memref<1x128xi32, #tpu.memory_space<vmem>> -> memref<128xi32, #tpu.memory_space<vmem>>
      %dma_wait3A_696 = arith.constant 0 : i32
      %dma_wait3A_697 = tpu.memref_slice %arg20[%dma_wait3A_696] : memref<50176xf32, #tpu.memory_space<vmem_shared>> -> memref<50176xf32, #tpu.memory_space<vmem_shared>>
      tpu.wait_indirect_dma semaphore(%arg21 : memref<!tpu.dma_semaphore, #tpu.memory_space<semaphore_mem>>) src(%dma_wait3A_697 : memref<50176xf32, #tpu.memory_space<vmem_shared>>) dst(%dma_wait3A_692 : memref<128xf32, #tpu.memory_space<vmem>>)
      %add3A_698 = arith.constant 2 : i32
      %add3A_699 = arith.addi %mul3A_655, %add3A_698 : i32
      %add3A_700 = arith.constant 2 : i32
      %add3A_701 = arith.addi %mul3A_673, %add3A_700 : i32
      %dma_wait3A_702 = arith.constant 0 : i32
      %dma_wait3A_703 = tpu.memref_slice %arg15[%add3A_701, %dma_wait3A_702] : memref<24x128xf32, #tpu.memory_space<vmem>> -> memref<1x128xf32, #tpu.memory_space<vmem>>
      %dma_wait3A_704 = tpu.memref_squeeze %dma_wait3A_703 : memref<1x128xf32, #tpu.memory_space<vmem>> -> memref<128xf32, #tpu.memory_space<vmem>>
      %dma_wait3A_705 = arith.constant 0 : i32
      %dma_wait3A_706 = tpu.memref_slice %arg13[%add3A_699, %dma_wait3A_705] : memref<392x128xi32, #tpu.memory_space<vmem>> -> memref<1x128xi32, #tpu.memory_space<vmem>>
      %dma_wait3A_707 = tpu.memref_squeeze %dma_wait3A_706 : memref<1x128xi32, #tpu.memory_space<vmem>> -> memref<128xi32, #tpu.memory_space<vmem>>
      %dma_wait3A_708 = arith.constant 0 : i32
      %dma_wait3A_709 = tpu.memref_slice %arg20[%dma_wait3A_708] : memref<50176xf32, #tpu.memory_space<vmem_shared>> -> memref<50176xf32, #tpu.memory_space<vmem_shared>>
      tpu.wait_indirect_dma semaphore(%arg21 : memref<!tpu.dma_semaphore, #tpu.memory_space<semaphore_mem>>) src(%dma_wait3A_709 : memref<50176xf32, #tpu.memory_space<vmem_shared>>) dst(%dma_wait3A_704 : memref<128xf32, #tpu.memory_space<vmem>>)
      %add3A_710 = arith.constant 3 : i32
      %add3A_711 = arith.addi %mul3A_655, %add3A_710 : i32
      %add3A_712 = arith.constant 3 : i32
      %add3A_713 = arith.addi %mul3A_673, %add3A_712 : i32
      %dma_wait3A_714 = arith.constant 0 : i32
      %dma_wait3A_715 = tpu.memref_slice %arg15[%add3A_713, %dma_wait3A_714] : memref<24x128xf32, #tpu.memory_space<vmem>> -> memref<1x128xf32, #tpu.memory_space<vmem>>
      %dma_wait3A_716 = tpu.memref_squeeze %dma_wait3A_715 : memref<1x128xf32, #tpu.memory_space<vmem>> -> memref<128xf32, #tpu.memory_space<vmem>>
      %dma_wait3A_717 = arith.constant 0 : i32
      %dma_wait3A_718 = tpu.memref_slice %arg13[%add3A_711, %dma_wait3A_717] : memref<392x128xi32, #tpu.memory_space<vmem>> -> memref<1x128xi32, #tpu.memory_space<vmem>>
      %dma_wait3A_719 = tpu.memref_squeeze %dma_wait3A_718 : memref<1x128xi32, #tpu.memory_space<vmem>> -> memref<128xi32, #tpu.memory_space<vmem>>
      %dma_wait3A_720 = arith.constant 0 : i32
      %dma_wait3A_721 = tpu.memref_slice %arg20[%dma_wait3A_720] : memref<50176xf32, #tpu.memory_space<vmem_shared>> -> memref<50176xf32, #tpu.memory_space<vmem_shared>>
      tpu.wait_indirect_dma semaphore(%arg21 : memref<!tpu.dma_semaphore, #tpu.memory_space<semaphore_mem>>) src(%dma_wait3A_721 : memref<50176xf32, #tpu.memory_space<vmem_shared>>) dst(%dma_wait3A_716 : memref<128xf32, #tpu.memory_space<vmem>>)
      %add3A_722 = arith.constant 4 : i32
      %add3A_723 = arith.addi %mul3A_655, %add3A_722 : i32
      %add3A_724 = arith.constant 4 : i32
      %add3A_725 = arith.addi %mul3A_673, %add3A_724 : i32
      %dma_wait3A_726 = arith.constant 0 : i32
      %dma_wait3A_727 = tpu.memref_slice %arg15[%add3A_725, %dma_wait3A_726] : memref<24x128xf32, #tpu.memory_space<vmem>> -> memref<1x128xf32, #tpu.memory_space<vmem>>
      %dma_wait3A_728 = tpu.memref_squeeze %dma_wait3A_727 : memref<1x128xf32, #tpu.memory_space<vmem>> -> memref<128xf32, #tpu.memory_space<vmem>>
      %dma_wait3A_729 = arith.constant 0 : i32
      %dma_wait3A_730 = tpu.memref_slice %arg13[%add3A_723, %dma_wait3A_729] : memref<392x128xi32, #tpu.memory_space<vmem>> -> memref<1x128xi32, #tpu.memory_space<vmem>>
      %dma_wait3A_731 = tpu.memref_squeeze %dma_wait3A_730 : memref<1x128xi32, #tpu.memory_space<vmem>> -> memref<128xi32, #tpu.memory_space<vmem>>
      %dma_wait3A_732 = arith.constant 0 : i32
      %dma_wait3A_733 = tpu.memref_slice %arg20[%dma_wait3A_732] : memref<50176xf32, #tpu.memory_space<vmem_shared>> -> memref<50176xf32, #tpu.memory_space<vmem_shared>>
      tpu.wait_indirect_dma semaphore(%arg21 : memref<!tpu.dma_semaphore, #tpu.memory_space<semaphore_mem>>) src(%dma_wait3A_733 : memref<50176xf32, #tpu.memory_space<vmem_shared>>) dst(%dma_wait3A_728 : memref<128xf32, #tpu.memory_space<vmem>>)
      %add3A_734 = arith.constant 5 : i32
      %add3A_735 = arith.addi %mul3A_655, %add3A_734 : i32
      %add3A_736 = arith.constant 5 : i32
      %add3A_737 = arith.addi %mul3A_673, %add3A_736 : i32
      %dma_wait3A_738 = arith.constant 0 : i32
      %dma_wait3A_739 = tpu.memref_slice %arg15[%add3A_737, %dma_wait3A_738] : memref<24x128xf32, #tpu.memory_space<vmem>> -> memref<1x128xf32, #tpu.memory_space<vmem>>
      %dma_wait3A_740 = tpu.memref_squeeze %dma_wait3A_739 : memref<1x128xf32, #tpu.memory_space<vmem>> -> memref<128xf32, #tpu.memory_space<vmem>>
      %dma_wait3A_741 = arith.constant 0 : i32
      %dma_wait3A_742 = tpu.memref_slice %arg13[%add3A_735, %dma_wait3A_741] : memref<392x128xi32, #tpu.memory_space<vmem>> -> memref<1x128xi32, #tpu.memory_space<vmem>>
      %dma_wait3A_743 = tpu.memref_squeeze %dma_wait3A_742 : memref<1x128xi32, #tpu.memory_space<vmem>> -> memref<128xi32, #tpu.memory_space<vmem>>
      %dma_wait3A_744 = arith.constant 0 : i32
      %dma_wait3A_745 = tpu.memref_slice %arg20[%dma_wait3A_744] : memref<50176xf32, #tpu.memory_space<vmem_shared>> -> memref<50176xf32, #tpu.memory_space<vmem_shared>>
      tpu.wait_indirect_dma semaphore(%arg21 : memref<!tpu.dma_semaphore, #tpu.memory_space<semaphore_mem>>) src(%dma_wait3A_745 : memref<50176xf32, #tpu.memory_space<vmem_shared>>) dst(%dma_wait3A_740 : memref<128xf32, #tpu.memory_space<vmem>>)
      %add3A_746 = arith.constant 6 : i32
      %add3A_747 = arith.addi %mul3A_655, %add3A_746 : i32
      %add3A_748 = arith.constant 6 : i32
      %add3A_749 = arith.addi %mul3A_673, %add3A_748 : i32
      %dma_wait3A_750 = arith.constant 0 : i32
      %dma_wait3A_751 = tpu.memref_slice %arg15[%add3A_749, %dma_wait3A_750] : memref<24x128xf32, #tpu.memory_space<vmem>> -> memref<1x128xf32, #tpu.memory_space<vmem>>
      %dma_wait3A_752 = tpu.memref_squeeze %dma_wait3A_751 : memref<1x128xf32, #tpu.memory_space<vmem>> -> memref<128xf32, #tpu.memory_space<vmem>>
      %dma_wait3A_753 = arith.constant 0 : i32
      %dma_wait3A_754 = tpu.memref_slice %arg13[%add3A_747, %dma_wait3A_753] : memref<392x128xi32, #tpu.memory_space<vmem>> -> memref<1x128xi32, #tpu.memory_space<vmem>>
      %dma_wait3A_755 = tpu.memref_squeeze %dma_wait3A_754 : memref<1x128xi32, #tpu.memory_space<vmem>> -> memref<128xi32, #tpu.memory_space<vmem>>
      %dma_wait3A_756 = arith.constant 0 : i32
      %dma_wait3A_757 = tpu.memref_slice %arg20[%dma_wait3A_756] : memref<50176xf32, #tpu.memory_space<vmem_shared>> -> memref<50176xf32, #tpu.memory_space<vmem_shared>>
      tpu.wait_indirect_dma semaphore(%arg21 : memref<!tpu.dma_semaphore, #tpu.memory_space<semaphore_mem>>) src(%dma_wait3A_757 : memref<50176xf32, #tpu.memory_space<vmem_shared>>) dst(%dma_wait3A_752 : memref<128xf32, #tpu.memory_space<vmem>>)
      %add3A_758 = arith.constant 7 : i32
      %add3A_759 = arith.addi %mul3A_655, %add3A_758 : i32
      %add3A_760 = arith.constant 7 : i32
      %add3A_761 = arith.addi %mul3A_673, %add3A_760 : i32
      %dma_wait3A_762 = arith.constant 0 : i32
      %dma_wait3A_763 = tpu.memref_slice %arg15[%add3A_761, %dma_wait3A_762] : memref<24x128xf32, #tpu.memory_space<vmem>> -> memref<1x128xf32, #tpu.memory_space<vmem>>
      %dma_wait3A_764 = tpu.memref_squeeze %dma_wait3A_763 : memref<1x128xf32, #tpu.memory_space<vmem>> -> memref<128xf32, #tpu.memory_space<vmem>>
      %dma_wait3A_765 = arith.constant 0 : i32
      %dma_wait3A_766 = tpu.memref_slice %arg13[%add3A_759, %dma_wait3A_765] : memref<392x128xi32, #tpu.memory_space<vmem>> -> memref<1x128xi32, #tpu.memory_space<vmem>>
      %dma_wait3A_767 = tpu.memref_squeeze %dma_wait3A_766 : memref<1x128xi32, #tpu.memory_space<vmem>> -> memref<128xi32, #tpu.memory_space<vmem>>
      %dma_wait3A_768 = arith.constant 0 : i32
      %dma_wait3A_769 = tpu.memref_slice %arg20[%dma_wait3A_768] : memref<50176xf32, #tpu.memory_space<vmem_shared>> -> memref<50176xf32, #tpu.memory_space<vmem_shared>>
      tpu.wait_indirect_dma semaphore(%arg21 : memref<!tpu.dma_semaphore, #tpu.memory_space<semaphore_mem>>) src(%dma_wait3A_769 : memref<50176xf32, #tpu.memory_space<vmem_shared>>) dst(%dma_wait3A_764 : memref<128xf32, #tpu.memory_space<vmem>>)
      %add3A_770 = arith.constant 0 : i32
      %add3A_771 = arith.addi %mul3A_642, %add3A_770 : i32
      %add3A_772 = arith.constant 0 : i32
      %add3A_773 = arith.addi %mul3A_630, %add3A_772 : i32
      %dma_start3A_774 = arith.constant 0 : i32
      %dma_start3A_775 = tpu.memref_slice %arg15[%add3A_771, %dma_start3A_774] : memref<24x128xf32, #tpu.memory_space<vmem>> -> memref<1x128xf32, #tpu.memory_space<vmem>>
      %dma_start3A_776 = tpu.memref_squeeze %dma_start3A_775 : memref<1x128xf32, #tpu.memory_space<vmem>> -> memref<128xf32, #tpu.memory_space<vmem>>
      %dma_start3A_777 = arith.constant 0 : i32
      %dma_start3A_778 = tpu.memref_slice %arg14[%add3A_773, %dma_start3A_777] : memref<392x128xi32, #tpu.memory_space<vmem>> -> memref<1x128xi32, #tpu.memory_space<vmem>>
      %dma_start3A_779 = tpu.memref_squeeze %dma_start3A_778 : memref<1x128xi32, #tpu.memory_space<vmem>> -> memref<128xi32, #tpu.memory_space<vmem>>
      %dma_start3A_780 = arith.constant 0 : i32
      %dma_start3A_781 = tpu.memref_slice %arg19[%dma_start3A_780] : memref<50176xf32, #tpu.memory_space<vmem_shared>> -> memref<50176xf32, #tpu.memory_space<vmem_shared>>
      tpu.enqueue_indirect_dma source(%dma_start3A_776 : memref<128xf32, #tpu.memory_space<vmem>>) target(%dma_start3A_781 : memref<50176xf32, #tpu.memory_space<vmem_shared>>) offsets(%dma_start3A_779 : memref<128xi32, #tpu.memory_space<vmem>>) semaphore(%arg22 : memref<!tpu.dma_semaphore, #tpu.memory_space<semaphore_mem>>) {add = true}
      %add3A_782 = arith.constant 1 : i32
      %add3A_783 = arith.addi %mul3A_642, %add3A_782 : i32
      %add3A_784 = arith.constant 1 : i32
      %add3A_785 = arith.addi %mul3A_630, %add3A_784 : i32
      %dma_start3A_786 = arith.constant 0 : i32
      %dma_start3A_787 = tpu.memref_slice %arg15[%add3A_783, %dma_start3A_786] : memref<24x128xf32, #tpu.memory_space<vmem>> -> memref<1x128xf32, #tpu.memory_space<vmem>>
      %dma_start3A_788 = tpu.memref_squeeze %dma_start3A_787 : memref<1x128xf32, #tpu.memory_space<vmem>> -> memref<128xf32, #tpu.memory_space<vmem>>
      %dma_start3A_789 = arith.constant 0 : i32
      %dma_start3A_790 = tpu.memref_slice %arg14[%add3A_785, %dma_start3A_789] : memref<392x128xi32, #tpu.memory_space<vmem>> -> memref<1x128xi32, #tpu.memory_space<vmem>>
      %dma_start3A_791 = tpu.memref_squeeze %dma_start3A_790 : memref<1x128xi32, #tpu.memory_space<vmem>> -> memref<128xi32, #tpu.memory_space<vmem>>
      %dma_start3A_792 = arith.constant 0 : i32
      %dma_start3A_793 = tpu.memref_slice %arg19[%dma_start3A_792] : memref<50176xf32, #tpu.memory_space<vmem_shared>> -> memref<50176xf32, #tpu.memory_space<vmem_shared>>
      tpu.enqueue_indirect_dma source(%dma_start3A_788 : memref<128xf32, #tpu.memory_space<vmem>>) target(%dma_start3A_793 : memref<50176xf32, #tpu.memory_space<vmem_shared>>) offsets(%dma_start3A_791 : memref<128xi32, #tpu.memory_space<vmem>>) semaphore(%arg22 : memref<!tpu.dma_semaphore, #tpu.memory_space<semaphore_mem>>) {add = true}
      %add3A_794 = arith.constant 2 : i32
      %add3A_795 = arith.addi %mul3A_642, %add3A_794 : i32
      %add3A_796 = arith.constant 2 : i32
      %add3A_797 = arith.addi %mul3A_630, %add3A_796 : i32
      %dma_start3A_798 = arith.constant 0 : i32
      %dma_start3A_799 = tpu.memref_slice %arg15[%add3A_795, %dma_start3A_798] : memref<24x128xf32, #tpu.memory_space<vmem>> -> memref<1x128xf32, #tpu.memory_space<vmem>>
      %dma_start3A_800 = tpu.memref_squeeze %dma_start3A_799 : memref<1x128xf32, #tpu.memory_space<vmem>> -> memref<128xf32, #tpu.memory_space<vmem>>
      %dma_start3A_801 = arith.constant 0 : i32
      %dma_start3A_802 = tpu.memref_slice %arg14[%add3A_797, %dma_start3A_801] : memref<392x128xi32, #tpu.memory_space<vmem>> -> memref<1x128xi32, #tpu.memory_space<vmem>>
      %dma_start3A_803 = tpu.memref_squeeze %dma_start3A_802 : memref<1x128xi32, #tpu.memory_space<vmem>> -> memref<128xi32, #tpu.memory_space<vmem>>
      %dma_start3A_804 = arith.constant 0 : i32
      %dma_start3A_805 = tpu.memref_slice %arg19[%dma_start3A_804] : memref<50176xf32, #tpu.memory_space<vmem_shared>> -> memref<50176xf32, #tpu.memory_space<vmem_shared>>
      tpu.enqueue_indirect_dma source(%dma_start3A_800 : memref<128xf32, #tpu.memory_space<vmem>>) target(%dma_start3A_805 : memref<50176xf32, #tpu.memory_space<vmem_shared>>) offsets(%dma_start3A_803 : memref<128xi32, #tpu.memory_space<vmem>>) semaphore(%arg22 : memref<!tpu.dma_semaphore, #tpu.memory_space<semaphore_mem>>) {add = true}
      %add3A_806 = arith.constant 3 : i32
      %add3A_807 = arith.addi %mul3A_642, %add3A_806 : i32
      %add3A_808 = arith.constant 3 : i32
      %add3A_809 = arith.addi %mul3A_630, %add3A_808 : i32
      %dma_start3A_810 = arith.constant 0 : i32
      %dma_start3A_811 = tpu.memref_slice %arg15[%add3A_807, %dma_start3A_810] : memref<24x128xf32, #tpu.memory_space<vmem>> -> memref<1x128xf32, #tpu.memory_space<vmem>>
      %dma_start3A_812 = tpu.memref_squeeze %dma_start3A_811 : memref<1x128xf32, #tpu.memory_space<vmem>> -> memref<128xf32, #tpu.memory_space<vmem>>
      %dma_start3A_813 = arith.constant 0 : i32
      %dma_start3A_814 = tpu.memref_slice %arg14[%add3A_809, %dma_start3A_813] : memref<392x128xi32, #tpu.memory_space<vmem>> -> memref<1x128xi32, #tpu.memory_space<vmem>>
      %dma_start3A_815 = tpu.memref_squeeze %dma_start3A_814 : memref<1x128xi32, #tpu.memory_space<vmem>> -> memref<128xi32, #tpu.memory_space<vmem>>
      %dma_start3A_816 = arith.constant 0 : i32
      %dma_start3A_817 = tpu.memref_slice %arg19[%dma_start3A_816] : memref<50176xf32, #tpu.memory_space<vmem_shared>> -> memref<50176xf32, #tpu.memory_space<vmem_shared>>
      tpu.enqueue_indirect_dma source(%dma_start3A_812 : memref<128xf32, #tpu.memory_space<vmem>>) target(%dma_start3A_817 : memref<50176xf32, #tpu.memory_space<vmem_shared>>) offsets(%dma_start3A_815 : memref<128xi32, #tpu.memory_space<vmem>>) semaphore(%arg22 : memref<!tpu.dma_semaphore, #tpu.memory_space<semaphore_mem>>) {add = true}
      %add3A_818 = arith.constant 4 : i32
      %add3A_819 = arith.addi %mul3A_642, %add3A_818 : i32
      %add3A_820 = arith.constant 4 : i32
      %add3A_821 = arith.addi %mul3A_630, %add3A_820 : i32
      %dma_start3A_822 = arith.constant 0 : i32
      %dma_start3A_823 = tpu.memref_slice %arg15[%add3A_819, %dma_start3A_822] : memref<24x128xf32, #tpu.memory_space<vmem>> -> memref<1x128xf32, #tpu.memory_space<vmem>>
      %dma_start3A_824 = tpu.memref_squeeze %dma_start3A_823 : memref<1x128xf32, #tpu.memory_space<vmem>> -> memref<128xf32, #tpu.memory_space<vmem>>
      %dma_start3A_825 = arith.constant 0 : i32
      %dma_start3A_826 = tpu.memref_slice %arg14[%add3A_821, %dma_start3A_825] : memref<392x128xi32, #tpu.memory_space<vmem>> -> memref<1x128xi32, #tpu.memory_space<vmem>>
      %dma_start3A_827 = tpu.memref_squeeze %dma_start3A_826 : memref<1x128xi32, #tpu.memory_space<vmem>> -> memref<128xi32, #tpu.memory_space<vmem>>
      %dma_start3A_828 = arith.constant 0 : i32
      %dma_start3A_829 = tpu.memref_slice %arg19[%dma_start3A_828] : memref<50176xf32, #tpu.memory_space<vmem_shared>> -> memref<50176xf32, #tpu.memory_space<vmem_shared>>
      tpu.enqueue_indirect_dma source(%dma_start3A_824 : memref<128xf32, #tpu.memory_space<vmem>>) target(%dma_start3A_829 : memref<50176xf32, #tpu.memory_space<vmem_shared>>) offsets(%dma_start3A_827 : memref<128xi32, #tpu.memory_space<vmem>>) semaphore(%arg22 : memref<!tpu.dma_semaphore, #tpu.memory_space<semaphore_mem>>) {add = true}
      %add3A_830 = arith.constant 5 : i32
      %add3A_831 = arith.addi %mul3A_642, %add3A_830 : i32
      %add3A_832 = arith.constant 5 : i32
      %add3A_833 = arith.addi %mul3A_630, %add3A_832 : i32
      %dma_start3A_834 = arith.constant 0 : i32
      %dma_start3A_835 = tpu.memref_slice %arg15[%add3A_831, %dma_start3A_834] : memref<24x128xf32, #tpu.memory_space<vmem>> -> memref<1x128xf32, #tpu.memory_space<vmem>>
      %dma_start3A_836 = tpu.memref_squeeze %dma_start3A_835 : memref<1x128xf32, #tpu.memory_space<vmem>> -> memref<128xf32, #tpu.memory_space<vmem>>
      %dma_start3A_837 = arith.constant 0 : i32
      %dma_start3A_838 = tpu.memref_slice %arg14[%add3A_833, %dma_start3A_837] : memref<392x128xi32, #tpu.memory_space<vmem>> -> memref<1x128xi32, #tpu.memory_space<vmem>>
      %dma_start3A_839 = tpu.memref_squeeze %dma_start3A_838 : memref<1x128xi32, #tpu.memory_space<vmem>> -> memref<128xi32, #tpu.memory_space<vmem>>
      %dma_start3A_840 = arith.constant 0 : i32
      %dma_start3A_841 = tpu.memref_slice %arg19[%dma_start3A_840] : memref<50176xf32, #tpu.memory_space<vmem_shared>> -> memref<50176xf32, #tpu.memory_space<vmem_shared>>
      tpu.enqueue_indirect_dma source(%dma_start3A_836 : memref<128xf32, #tpu.memory_space<vmem>>) target(%dma_start3A_841 : memref<50176xf32, #tpu.memory_space<vmem_shared>>) offsets(%dma_start3A_839 : memref<128xi32, #tpu.memory_space<vmem>>) semaphore(%arg22 : memref<!tpu.dma_semaphore, #tpu.memory_space<semaphore_mem>>) {add = true}
      %add3A_842 = arith.constant 6 : i32
      %add3A_843 = arith.addi %mul3A_642, %add3A_842 : i32
      %add3A_844 = arith.constant 6 : i32
      %add3A_845 = arith.addi %mul3A_630, %add3A_844 : i32
      %dma_start3A_846 = arith.constant 0 : i32
      %dma_start3A_847 = tpu.memref_slice %arg15[%add3A_843, %dma_start3A_846] : memref<24x128xf32, #tpu.memory_space<vmem>> -> memref<1x128xf32, #tpu.memory_space<vmem>>
      %dma_start3A_848 = tpu.memref_squeeze %dma_start3A_847 : memref<1x128xf32, #tpu.memory_space<vmem>> -> memref<128xf32, #tpu.memory_space<vmem>>
      %dma_start3A_849 = arith.constant 0 : i32
      %dma_start3A_850 = tpu.memref_slice %arg14[%add3A_845, %dma_start3A_849] : memref<392x128xi32, #tpu.memory_space<vmem>> -> memref<1x128xi32, #tpu.memory_space<vmem>>
      %dma_start3A_851 = tpu.memref_squeeze %dma_start3A_850 : memref<1x128xi32, #tpu.memory_space<vmem>> -> memref<128xi32, #tpu.memory_space<vmem>>
      %dma_start3A_852 = arith.constant 0 : i32
      %dma_start3A_853 = tpu.memref_slice %arg19[%dma_start3A_852] : memref<50176xf32, #tpu.memory_space<vmem_shared>> -> memref<50176xf32, #tpu.memory_space<vmem_shared>>
      tpu.enqueue_indirect_dma source(%dma_start3A_848 : memref<128xf32, #tpu.memory_space<vmem>>) target(%dma_start3A_853 : memref<50176xf32, #tpu.memory_space<vmem_shared>>) offsets(%dma_start3A_851 : memref<128xi32, #tpu.memory_space<vmem>>) semaphore(%arg22 : memref<!tpu.dma_semaphore, #tpu.memory_space<semaphore_mem>>) {add = true}
      %add3A_854 = arith.constant 7 : i32
      %add3A_855 = arith.addi %mul3A_642, %add3A_854 : i32
      %add3A_856 = arith.constant 7 : i32
      %add3A_857 = arith.addi %mul3A_630, %add3A_856 : i32
      %dma_start3A_858 = arith.constant 0 : i32
      %dma_start3A_859 = tpu.memref_slice %arg15[%add3A_855, %dma_start3A_858] : memref<24x128xf32, #tpu.memory_space<vmem>> -> memref<1x128xf32, #tpu.memory_space<vmem>>
      %dma_start3A_860 = tpu.memref_squeeze %dma_start3A_859 : memref<1x128xf32, #tpu.memory_space<vmem>> -> memref<128xf32, #tpu.memory_space<vmem>>
      %dma_start3A_861 = arith.constant 0 : i32
      %dma_start3A_862 = tpu.memref_slice %arg14[%add3A_857, %dma_start3A_861] : memref<392x128xi32, #tpu.memory_space<vmem>> -> memref<1x128xi32, #tpu.memory_space<vmem>>
      %dma_start3A_863 = tpu.memref_squeeze %dma_start3A_862 : memref<1x128xi32, #tpu.memory_space<vmem>> -> memref<128xi32, #tpu.memory_space<vmem>>
      %dma_start3A_864 = arith.constant 0 : i32
      %dma_start3A_865 = tpu.memref_slice %arg19[%dma_start3A_864] : memref<50176xf32, #tpu.memory_space<vmem_shared>> -> memref<50176xf32, #tpu.memory_space<vmem_shared>>
      tpu.enqueue_indirect_dma source(%dma_start3A_860 : memref<128xf32, #tpu.memory_space<vmem>>) target(%dma_start3A_865 : memref<50176xf32, #tpu.memory_space<vmem_shared>>) offsets(%dma_start3A_863 : memref<128xi32, #tpu.memory_space<vmem>>) semaphore(%arg22 : memref<!tpu.dma_semaphore, #tpu.memory_space<semaphore_mem>>) {add = true}
    }
    %scan3A_544 = arith.constant 49 : i32
    %dma_wait3A_545 = arith.constant 0 : i32
    %dma_wait3A_546 = arith.constant 384 : i32
    %dma_wait3A_547 = arith.constant 0 : i32
    %dma_wait3A_548 = tpu.memref_slice %arg15[%dma_wait3A_545, %dma_wait3A_547] : memref<24x128xf32, #tpu.memory_space<vmem>> -> memref<1x128xf32, #tpu.memory_space<vmem>>
    %dma_wait3A_549 = tpu.memref_squeeze %dma_wait3A_548 : memref<1x128xf32, #tpu.memory_space<vmem>> -> memref<128xf32, #tpu.memory_space<vmem>>
    %dma_wait3A_550 = arith.constant 0 : i32
    %dma_wait3A_551 = tpu.memref_slice %arg14[%dma_wait3A_546, %dma_wait3A_550] : memref<392x128xi32, #tpu.memory_space<vmem>> -> memref<1x128xi32, #tpu.memory_space<vmem>>
    %dma_wait3A_552 = tpu.memref_squeeze %dma_wait3A_551 : memref<1x128xi32, #tpu.memory_space<vmem>> -> memref<128xi32, #tpu.memory_space<vmem>>
    %dma_wait3A_553 = arith.constant 0 : i32
    %dma_wait3A_554 = tpu.memref_slice %arg19[%dma_wait3A_553] : memref<50176xf32, #tpu.memory_space<vmem_shared>> -> memref<50176xf32, #tpu.memory_space<vmem_shared>>
    tpu.wait_indirect_dma semaphore(%arg22 : memref<!tpu.dma_semaphore, #tpu.memory_space<semaphore_mem>>) src(%dma_wait3A_549 : memref<128xf32, #tpu.memory_space<vmem>>) dst(%dma_wait3A_554 : memref<50176xf32, #tpu.memory_space<vmem_shared>>)
    %dma_wait3A_555 = arith.constant 1 : i32
    %dma_wait3A_556 = arith.constant 385 : i32
    %dma_wait3A_557 = arith.constant 0 : i32
    %dma_wait3A_558 = tpu.memref_slice %arg15[%dma_wait3A_555, %dma_wait3A_557] : memref<24x128xf32, #tpu.memory_space<vmem>> -> memref<1x128xf32, #tpu.memory_space<vmem>>
    %dma_wait3A_559 = tpu.memref_squeeze %dma_wait3A_558 : memref<1x128xf32, #tpu.memory_space<vmem>> -> memref<128xf32, #tpu.memory_space<vmem>>
    %dma_wait3A_560 = arith.constant 0 : i32
    %dma_wait3A_561 = tpu.memref_slice %arg14[%dma_wait3A_556, %dma_wait3A_560] : memref<392x128xi32, #tpu.memory_space<vmem>> -> memref<1x128xi32, #tpu.memory_space<vmem>>
    %dma_wait3A_562 = tpu.memref_squeeze %dma_wait3A_561 : memref<1x128xi32, #tpu.memory_space<vmem>> -> memref<128xi32, #tpu.memory_space<vmem>>
    %dma_wait3A_563 = arith.constant 0 : i32
    %dma_wait3A_564 = tpu.memref_slice %arg19[%dma_wait3A_563] : memref<50176xf32, #tpu.memory_space<vmem_shared>> -> memref<50176xf32, #tpu.memory_space<vmem_shared>>
    tpu.wait_indirect_dma semaphore(%arg22 : memref<!tpu.dma_semaphore, #tpu.memory_space<semaphore_mem>>) src(%dma_wait3A_559 : memref<128xf32, #tpu.memory_space<vmem>>) dst(%dma_wait3A_564 : memref<50176xf32, #tpu.memory_space<vmem_shared>>)
    %dma_wait3A_565 = arith.constant 2 : i32
    %dma_wait3A_566 = arith.constant 386 : i32
    %dma_wait3A_567 = arith.constant 0 : i32
    %dma_wait3A_568 = tpu.memref_slice %arg15[%dma_wait3A_565, %dma_wait3A_567] : memref<24x128xf32, #tpu.memory_space<vmem>> -> memref<1x128xf32, #tpu.memory_space<vmem>>
    %dma_wait3A_569 = tpu.memref_squeeze %dma_wait3A_568 : memref<1x128xf32, #tpu.memory_space<vmem>> -> memref<128xf32, #tpu.memory_space<vmem>>
    %dma_wait3A_570 = arith.constant 0 : i32
    %dma_wait3A_571 = tpu.memref_slice %arg14[%dma_wait3A_566, %dma_wait3A_570] : memref<392x128xi32, #tpu.memory_space<vmem>> -> memref<1x128xi32, #tpu.memory_space<vmem>>
    %dma_wait3A_572 = tpu.memref_squeeze %dma_wait3A_571 : memref<1x128xi32, #tpu.memory_space<vmem>> -> memref<128xi32, #tpu.memory_space<vmem>>
    %dma_wait3A_573 = arith.constant 0 : i32
    %dma_wait3A_574 = tpu.memref_slice %arg19[%dma_wait3A_573] : memref<50176xf32, #tpu.memory_space<vmem_shared>> -> memref<50176xf32, #tpu.memory_space<vmem_shared>>
    tpu.wait_indirect_dma semaphore(%arg22 : memref<!tpu.dma_semaphore, #tpu.memory_space<semaphore_mem>>) src(%dma_wait3A_569 : memref<128xf32, #tpu.memory_space<vmem>>) dst(%dma_wait3A_574 : memref<50176xf32, #tpu.memory_space<vmem_shared>>)
    %dma_wait3A_575 = arith.constant 3 : i32
    %dma_wait3A_576 = arith.constant 387 : i32
    %dma_wait3A_577 = arith.constant 0 : i32
    %dma_wait3A_578 = tpu.memref_slice %arg15[%dma_wait3A_575, %dma_wait3A_577] : memref<24x128xf32, #tpu.memory_space<vmem>> -> memref<1x128xf32, #tpu.memory_space<vmem>>
    %dma_wait3A_579 = tpu.memref_squeeze %dma_wait3A_578 : memref<1x128xf32, #tpu.memory_space<vmem>> -> memref<128xf32, #tpu.memory_space<vmem>>
    %dma_wait3A_580 = arith.constant 0 : i32
    %dma_wait3A_581 = tpu.memref_slice %arg14[%dma_wait3A_576, %dma_wait3A_580] : memref<392x128xi32, #tpu.memory_space<vmem>> -> memref<1x128xi32, #tpu.memory_space<vmem>>
    %dma_wait3A_582 = tpu.memref_squeeze %dma_wait3A_581 : memref<1x128xi32, #tpu.memory_space<vmem>> -> memref<128xi32, #tpu.memory_space<vmem>>
    %dma_wait3A_583 = arith.constant 0 : i32
    %dma_wait3A_584 = tpu.memref_slice %arg19[%dma_wait3A_583] : memref<50176xf32, #tpu.memory_space<vmem_shared>> -> memref<50176xf32, #tpu.memory_space<vmem_shared>>
    tpu.wait_indirect_dma semaphore(%arg22 : memref<!tpu.dma_semaphore, #tpu.memory_space<semaphore_mem>>) src(%dma_wait3A_579 : memref<128xf32, #tpu.memory_space<vmem>>) dst(%dma_wait3A_584 : memref<50176xf32, #tpu.memory_space<vmem_shared>>)
    %dma_wait3A_585 = arith.constant 4 : i32
    %dma_wait3A_586 = arith.constant 388 : i32
    %dma_wait3A_587 = arith.constant 0 : i32
    %dma_wait3A_588 = tpu.memref_slice %arg15[%dma_wait3A_585, %dma_wait3A_587] : memref<24x128xf32, #tpu.memory_space<vmem>> -> memref<1x128xf32, #tpu.memory_space<vmem>>
    %dma_wait3A_589 = tpu.memref_squeeze %dma_wait3A_588 : memref<1x128xf32, #tpu.memory_space<vmem>> -> memref<128xf32, #tpu.memory_space<vmem>>
    %dma_wait3A_590 = arith.constant 0 : i32
    %dma_wait3A_591 = tpu.memref_slice %arg14[%dma_wait3A_586, %dma_wait3A_590] : memref<392x128xi32, #tpu.memory_space<vmem>> -> memref<1x128xi32, #tpu.memory_space<vmem>>
    %dma_wait3A_592 = tpu.memref_squeeze %dma_wait3A_591 : memref<1x128xi32, #tpu.memory_space<vmem>> -> memref<128xi32, #tpu.memory_space<vmem>>
    %dma_wait3A_593 = arith.constant 0 : i32
    %dma_wait3A_594 = tpu.memref_slice %arg19[%dma_wait3A_593] : memref<50176xf32, #tpu.memory_space<vmem_shared>> -> memref<50176xf32, #tpu.memory_space<vmem_shared>>
    tpu.wait_indirect_dma semaphore(%arg22 : memref<!tpu.dma_semaphore, #tpu.memory_space<semaphore_mem>>) src(%dma_wait3A_589 : memref<128xf32, #tpu.memory_space<vmem>>) dst(%dma_wait3A_594 : memref<50176xf32, #tpu.memory_space<vmem_shared>>)
    %dma_wait3A_595 = arith.constant 5 : i32
    %dma_wait3A_596 = arith.constant 389 : i32
    %dma_wait3A_597 = arith.constant 0 : i32
    %dma_wait3A_598 = tpu.memref_slice %arg15[%dma_wait3A_595, %dma_wait3A_597] : memref<24x128xf32, #tpu.memory_space<vmem>> -> memref<1x128xf32, #tpu.memory_space<vmem>>
    %dma_wait3A_599 = tpu.memref_squeeze %dma_wait3A_598 : memref<1x128xf32, #tpu.memory_space<vmem>> -> memref<128xf32, #tpu.memory_space<vmem>>
    %dma_wait3A_600 = arith.constant 0 : i32
    %dma_wait3A_601 = tpu.memref_slice %arg14[%dma_wait3A_596, %dma_wait3A_600] : memref<392x128xi32, #tpu.memory_space<vmem>> -> memref<1x128xi32, #tpu.memory_space<vmem>>
    %dma_wait3A_602 = tpu.memref_squeeze %dma_wait3A_601 : memref<1x128xi32, #tpu.memory_space<vmem>> -> memref<128xi32, #tpu.memory_space<vmem>>
    %dma_wait3A_603 = arith.constant 0 : i32
    %dma_wait3A_604 = tpu.memref_slice %arg19[%dma_wait3A_603] : memref<50176xf32, #tpu.memory_space<vmem_shared>> -> memref<50176xf32, #tpu.memory_space<vmem_shared>>
    tpu.wait_indirect_dma semaphore(%arg22 : memref<!tpu.dma_semaphore, #tpu.memory_space<semaphore_mem>>) src(%dma_wait3A_599 : memref<128xf32, #tpu.memory_space<vmem>>) dst(%dma_wait3A_604 : memref<50176xf32, #tpu.memory_space<vmem_shared>>)
    %dma_wait3A_605 = arith.constant 6 : i32
    %dma_wait3A_606 = arith.constant 390 : i32
    %dma_wait3A_607 = arith.constant 0 : i32
    %dma_wait3A_608 = tpu.memref_slice %arg15[%dma_wait3A_605, %dma_wait3A_607] : memref<24x128xf32, #tpu.memory_space<vmem>> -> memref<1x128xf32, #tpu.memory_space<vmem>>
    %dma_wait3A_609 = tpu.memref_squeeze %dma_wait3A_608 : memref<1x128xf32, #tpu.memory_space<vmem>> -> memref<128xf32, #tpu.memory_space<vmem>>
    %dma_wait3A_610 = arith.constant 0 : i32
    %dma_wait3A_611 = tpu.memref_slice %arg14[%dma_wait3A_606, %dma_wait3A_610] : memref<392x128xi32, #tpu.memory_space<vmem>> -> memref<1x128xi32, #tpu.memory_space<vmem>>
    %dma_wait3A_612 = tpu.memref_squeeze %dma_wait3A_611 : memref<1x128xi32, #tpu.memory_space<vmem>> -> memref<128xi32, #tpu.memory_space<vmem>>
    %dma_wait3A_613 = arith.constant 0 : i32
    %dma_wait3A_614 = tpu.memref_slice %arg19[%dma_wait3A_613] : memref<50176xf32, #tpu.memory_space<vmem_shared>> -> memref<50176xf32, #tpu.memory_space<vmem_shared>>
    tpu.wait_indirect_dma semaphore(%arg22 : memref<!tpu.dma_semaphore, #tpu.memory_space<semaphore_mem>>) src(%dma_wait3A_609 : memref<128xf32, #tpu.memory_space<vmem>>) dst(%dma_wait3A_614 : memref<50176xf32, #tpu.memory_space<vmem_shared>>)
    %dma_wait3A_615 = arith.constant 7 : i32
    %dma_wait3A_616 = arith.constant 391 : i32
    %dma_wait3A_617 = arith.constant 0 : i32
    %dma_wait3A_618 = tpu.memref_slice %arg15[%dma_wait3A_615, %dma_wait3A_617] : memref<24x128xf32, #tpu.memory_space<vmem>> -> memref<1x128xf32, #tpu.memory_space<vmem>>
    %dma_wait3A_619 = tpu.memref_squeeze %dma_wait3A_618 : memref<1x128xf32, #tpu.memory_space<vmem>> -> memref<128xf32, #tpu.memory_space<vmem>>
    %dma_wait3A_620 = arith.constant 0 : i32
    %dma_wait3A_621 = tpu.memref_slice %arg14[%dma_wait3A_616, %dma_wait3A_620] : memref<392x128xi32, #tpu.memory_space<vmem>> -> memref<1x128xi32, #tpu.memory_space<vmem>>
    %dma_wait3A_622 = tpu.memref_squeeze %dma_wait3A_621 : memref<1x128xi32, #tpu.memory_space<vmem>> -> memref<128xi32, #tpu.memory_space<vmem>>
    %dma_wait3A_623 = arith.constant 0 : i32
    %dma_wait3A_624 = tpu.memref_slice %arg19[%dma_wait3A_623] : memref<50176xf32, #tpu.memory_space<vmem_shared>> -> memref<50176xf32, #tpu.memory_space<vmem_shared>>
    tpu.wait_indirect_dma semaphore(%arg22 : memref<!tpu.dma_semaphore, #tpu.memory_space<semaphore_mem>>) src(%dma_wait3A_619 : memref<128xf32, #tpu.memory_space<vmem>>) dst(%dma_wait3A_624 : memref<50176xf32, #tpu.memory_space<vmem_shared>>)
    %barrier3A_625 = arith.constant 0 : index
    tpu.barrier barrier_id(%barrier3A_625)
    %eq3A = arith.constant 0 : i32
    %eq3A_626 = arith.cmpi eq, %arg0, %eq3A : i32
    %convert_element_type3A = arith.extui %eq3A_626 : i1 to i32
    %cond3A = arith.constant 0 : i32
    %cond3A_627 = arith.cmpi ne, %convert_element_type3A, %cond3A : i32
    scf.if %cond3A_627 {
      "tpu.region"() ({
        %run_scoped3A = tpu.sem_alloc : memref<!tpu.dma_semaphore, #tpu.memory_space<semaphore_mem>>
        %dma_start3A_633 = tpu.memref_slice %arg19[%mul3A_0] : memref<50176xf32, #tpu.memory_space<vmem_shared>> -> memref<3136xf32, #tpu.memory_space<vmem_shared>>
        %dma_start3A_634 = tpu.memref_slice %arg19[%mul3A_0] : memref<50176xf32, #tpu.memory_space<vmem_shared>> -> memref<3136xf32, #tpu.memory_space<vmem_shared>>
        tpu.enqueue_dma source(%dma_start3A_634 : memref<3136xf32, #tpu.memory_space<vmem_shared>>) target(%arg12 : memref<3136xf32, #tpu.memory_space<vmem>>) target_semaphore(%run_scoped3A : memref<!tpu.dma_semaphore, #tpu.memory_space<semaphore_mem>>)
        %dma_wait3A_635 = tpu.memref_slice %arg19[%mul3A_0] : memref<50176xf32, #tpu.memory_space<vmem_shared>> -> memref<3136xf32, #tpu.memory_space<vmem_shared>>
        %dma_wait3A_636 = tpu.memref_slice %arg19[%mul3A_0] : memref<50176xf32, #tpu.memory_space<vmem_shared>> -> memref<3136xf32, #tpu.memory_space<vmem_shared>>
        tpu.wait_dma2 semaphore(%run_scoped3A : memref<!tpu.dma_semaphore, #tpu.memory_space<semaphore_mem>>) src(%dma_wait3A_636 : memref<3136xf32, #tpu.memory_space<vmem_shared>>) dst(%arg12 : memref<3136xf32, #tpu.memory_space<vmem>>)
        tpu.yield
      }) : () -> ()
      %scan3A_628 = arith.constant 0 : i32
      %scan3A_629 = arith.constant 196 : i32
      %scan3A_630 = arith.addi %scan3A_628, %scan3A_629 : i32
      %scan3A_631 = arith.constant 1 : i32
      scf.for %scan3A_633 = %scan3A_628 to %scan3A_630 step %scan3A_631  : i32 {
        %mul3A_634 = arith.constant 16 : i32
        %mul3A_635 = arith.muli %scan3A_633, %mul3A_634 : i32
        %get3A_636 = arith.index_cast %mul3A_635 : i32 to index
        %get3A_637 = tpu.vector_load %arg10[%get3A_636] {strides = array<i32>} : memref<3136xf32, #tpu.memory_space<vmem>>, vector<16xf32>,
        %get3A_638 = vector.shape_cast %get3A_637 : vector<16xf32> to vector<16xf32>
        %get3A_639 = arith.index_cast %mul3A_635 : i32 to index
        %get3A_640 = tpu.vector_load %arg12[%get3A_639] {strides = array<i32>} : memref<3136xf32, #tpu.memory_space<vmem>>, vector<16xf32>,
        %get3A_641 = vector.shape_cast %get3A_640 : vector<16xf32> to vector<16xf32>
        %get3A_642 = arith.index_cast %mul3A_635 : i32 to index
        %get3A_643 = tpu.vector_load %arg11[%get3A_642] {strides = array<i32>} : memref<3136xf32, #tpu.memory_space<vmem>>, vector<16xf32>,
        %get3A_644 = vector.shape_cast %get3A_643 : vector<16xf32> to vector<16xf32>
        %add3A_645 = arith.addf %get3A_641, %get3A_644 : vector<16xf32>
        %mul3A_646 = arith.mulf %get3A_638, %add3A_645 : vector<16xf32>
        %add3A_647 = arith.addf %mul3A_646, %get3A_184 : vector<16xf32>
        %sub3A = arith.subf %add3A_647, %add3A_647 : vector<16xf32>
        %swap3A = arith.index_cast %mul3A_635 : i32 to index
        %swap3A_648 = tpu.vector_load %arg12[%swap3A] {strides = array<i32>} : memref<3136xf32, #tpu.memory_space<vmem>>, vector<16xf32>,
        %swap3A_649 = vector.shape_cast %swap3A_648 : vector<16xf32> to vector<16xf32>
        %swap3A_650 = vector.shape_cast %sub3A : vector<16xf32> to vector<16xf32>
        tpu.vector_store %arg12[%swap3A], %swap3A_650 {strides = array<i32>} : memref<3136xf32, #tpu.memory_space<vmem>>, vector<16xf32>,
      }
      %scan3A_632 = arith.constant 196 : i32
      "tpu.region"() ({
        %run_scoped3A = tpu.sem_alloc : memref<!tpu.dma_semaphore, #tpu.memory_space<semaphore_mem>>
        %dma_start3A_633 = tpu.memref_slice %arg8[%mul3A_0] : memref<50176xf32, #tpu.memory_space<hbm>> -> memref<3136xf32, #tpu.memory_space<hbm>>
        %dma_start3A_634 = tpu.memref_slice %arg8[%mul3A_0] : memref<50176xf32, #tpu.memory_space<hbm>> -> memref<3136xf32, #tpu.memory_space<hbm>>
        tpu.enqueue_dma source(%arg12 : memref<3136xf32, #tpu.memory_space<vmem>>) target(%dma_start3A_634 : memref<3136xf32, #tpu.memory_space<hbm>>) target_semaphore(%run_scoped3A : memref<!tpu.dma_semaphore, #tpu.memory_space<semaphore_mem>>)
        %dma_wait3A_635 = tpu.memref_slice %arg8[%mul3A_0] : memref<50176xf32, #tpu.memory_space<hbm>> -> memref<3136xf32, #tpu.memory_space<hbm>>
        %dma_wait3A_636 = tpu.memref_slice %arg8[%mul3A_0] : memref<50176xf32, #tpu.memory_space<hbm>> -> memref<3136xf32, #tpu.memory_space<hbm>>
        tpu.wait_dma2 semaphore(%run_scoped3A : memref<!tpu.dma_semaphore, #tpu.memory_space<semaphore_mem>>) src(%arg12 : memref<3136xf32, #tpu.memory_space<vmem>>) dst(%dma_wait3A_636 : memref<3136xf32, #tpu.memory_space<hbm>>)
        tpu.yield
      }) : () -> ()
    } else {
    }
    return
  }
}

</mosaic_0001>

<sc_bundles>
// kernel: kernel.3.cloned.1.call-start
scs
__scs_entry_jumppad:
0x0: {  	(pc) =	sbr.rel $0x88, $3  }
0x1: {  	(tag) =	ssettag $0x0;
	lr =	simm.s32 $0x1  }
0x2: {  	[smem:$0x3F9C] =	sst lr;
	_ =	strace $0xD0000000  }
0x3: {  	_ = 	snop  }
0x4: {  	_ = 	snop  }
0x5: {  	_ = 	snop  }
0x6: {  	_ = 	snop  }
0x7: {  	_ = 	snop  }
__scs_overlays_trampoline_lowered:
0x8: {  	[smem:$0x3FAB] =	sst s0  }
0x9: {  	[smem:$0x3FAC] =	sst s1  }
0xa: {  	[smem:$0x3FAD] =	sst s2  }
0xb: {  	[smem:$0x3FAE] =	sst s3  }
0xc: {  	[smem:$0x3FAF] =	sst s4  }
0xd: {  	[smem:$0x3FB0] =	sst s5  }
0xe: {  	[smem:$0x3FB1] =	sst s6  }
0xf: {  	[smem:$0x3FB2] =	sst s7  }
0x10: {  	[smem:$0x3FB3] =	sst s8  }
0x11: {  	[smem:$0x3FB4] =	sst s9;
	s0 =	simm.s32 @!p0 $0x0  }
0x12: {  	s1 =	sld [smem:$0x3F9A];
	s0 =	simm.s32 @p0 $0x1  }
0x13: {  	[smem:$0x3FB5] =	sst s0;
	s0 =	simm.s32 @!p1 $0x0  }
0x14: {  	s2 =	sld [smem:$0x3F99];
	s0 =	simm.s32 @p1 $0x1  }
0x15: {  	[smem:$0x3FB6] =	sst s0;
	s0 =	simm.s32 @!p2 $0x0  }
0x16: {  	s3 =	sld [smem:$0x3FDB];
	s0 =	simm.s32 @p2 $0x1  }
0x17: {  	s4 =	simm.s32 $0x1BF5;
	[smem:$0x3FB8] =	sst s0  }
0x18: {  	s0 =	sld [smem:$0x3F9B];
	_ =	swait.ge [sflag:s4], $0x0  }
0x19: {  	s7 =	sld [smem:$0x3F9C]  }
0x1a: {  	s8 =	sadd.s32 $0xFFFFE003, lr  }
0x1b: {  	s9 =	sadd.s32 $0xFFFFFEF7, lr;
	s5 =	simm.s32 $0xFFFFFFFF;
	p2 =	slt.u32 s8, $0xFFFFF086  }
0x1c: {  	p1 =	slt.u32 s9, $0xF7A;
	s5 =	simm.s32 @!p2 $0x0  }
0x1d: {  	s5 =	simm.s32 @p1 $0x1;
	p0 =	seq.s32 s7, s2  }
0x1e: {  	s7 =	smul.u32 @!p0 $0xF7A, s2;
	p2 =	seq.s32 @!p0 s5, $0x0  }
0x1f: {  	s9 =	smul.u32 $0xF7A, s1;
	s8 =	simm.s32 @!p0 $0x1BF5;
	p2 =	por !p2, p0  }
0x20: {  	[sflag:s8] =	ssyncset.s32 @!p0 $0xFFFFF086;
	s6 =	sadd.s32 @!p0 s3, s7;
	s7 =	simm.s32 @!p0 $0x108  }
0x21: {  	s3 =	sadd.s32 s3, s9;
	s6 =	sadd.s32 @!p0 $0x88, s6;
	s7 =	simm.s32 @p2 $0x1082  }
0x22: {  	[simem:s7], [sflag:s8] =	dma.local @!p0 [hbm:s6], $0xF7A  }
0x23: {  	s9 =	sor.u32 $0xD0000000, s2;
	s6 =	simm.s32 $0x108;
	_ =	swait.ge @!p0 [sflag:s8], $0x0  }
0x24: {  	s3 =	sadd.s32 $0x88, s3;
	s6 =	simm.s32 @!p1 $0x1082;
	[sflag:s4] =	ssyncset.s32 $0xFFFFF086  }
0x25: {  	[simem:s6], [sflag:s4] =	dma.local [hbm:s3], $0xF7A  }
0x26: {  	[smem:$0x3F9C] =	sst s1;
	(tag) =	ssettag s2;
	_ =	strace s9  }
0x27: {  	s1 =	sld [smem:$0x3FAC]  }
0x28: {  	s2 =	sld [smem:$0x3FAD]  }
0x29: {  	s4 =	sld [smem:$0x3FAF]  }
0x2a: {  	p0 =	seq.s32 s5, $0x0;
	s5 =	sld [smem:$0x3FB0]  }
0x2b: {  	s6 =	sld [smem:$0x3FB1]  }
0x2c: {  	s7 =	sld [smem:$0x3FB2]  }
0x2d: {  	s3 =	simm.s32 $0x108;
	s8 =	sld [smem:$0x3FB3]  }
0x2e: {  	s3 =	simm.s32 @!p0 $0x1082;
	s9 =	sld [smem:$0x3FB4]  }
0x2f: {  	lr =	sadd.s32 s0, s3;
	s0 =	sld [smem:$0x3FAB]  }
0x30: {  	s3 =	sld [smem:$0x3FAE]  }
0x31: {  	[smem:$0x3FB7] =	sst s10  }
0x32: {  	s10 =	sld [smem:$0x3FB5];
	_ =	sdelay $0x3  }
0x33: {  	p0 =	seq.s32 s10, $0x1;
	s10 =	sld [smem:$0x3FB7];
	_ =	sdelay $0x3  }
0x34: {  	[smem:$0x3FB7] =	sst s10  }
0x35: {  	s10 =	sld [smem:$0x3FB6];
	_ =	sdelay $0x3  }
0x36: {  	p1 =	seq.s32 s10, $0x1;
	s10 =	sld [smem:$0x3FB7];
	_ =	sdelay $0x3  }
0x37: {  	[smem:$0x3FB7] =	sst s10  }
0x38: {  	s10 =	sld [smem:$0x3FB8]  }
0x39: {  	_ = 	snop;
	(pc) =	sbr.ind lr, $3  }
0x3a: {  	_ = 	snop  }
0x3b: {  	_ = 	snop  }
0x3c: {  	p2 =	seq.s32 s10, $0x1;
	s10 =	sld [smem:$0x3FB7]  }
0x3d: {  	_ =	shalt  }
0x3e: {  	_ =	shalt  }
0x3f: {  	_ =	shalt  }
0x40: {  	_ =	shalt  }
0x41: {  	_ =	shalt  }
0x42: {  	_ =	shalt  }
0x43: {  	_ =	shalt  }
0x44: {  	_ =	shalt  }
0x45: {  	_ =	shalt  }
0x46: {  	_ =	shalt  }
0x47: {  	_ =	shalt  }
0x48: {  	_ =	shalt  }
0x49: {  	_ =	shalt  }
0x4a: {  	_ =	shalt  }
0x4b: {  	_ =	shalt  }
0x4c: {  	_ =	shalt  }
0x4d: {  	_ =	shalt  }
0x4e: {  	_ =	shalt  }
0x4f: {  	_ =	shalt  }
0x50: {  	_ =	shalt  }
0x51: {  	_ =	shalt  }
0x52: {  	_ =	shalt  }
0x53: {  	_ =	shalt  }
0x54: {  	_ =	shalt  }
0x55: {  	_ =	shalt  }
0x56: {  	_ =	shalt  }
0x57: {  	_ =	shalt  }
0x58: {  	_ =	shalt  }
0x59: {  	_ =	shalt  }
0x5a: {  	_ =	shalt  }
0x5b: {  	_ =	shalt  }
0x5c: {  	_ =	shalt  }
0x5d: {  	_ =	shalt  }
0x5e: {  	_ =	shalt  }
0x5f: {  	_ =	shalt  }
0x60: {  	_ =	shalt  }
0x61: {  	_ =	shalt  }
0x62: {  	_ =	shalt  }
0x63: {  	_ =	shalt  }
0x64: {  	_ =	shalt  }
0x65: {  	_ =	shalt  }
0x66: {  	_ =	shalt  }
0x67: {  	_ =	shalt  }
0x68: {  	_ =	shalt  }
0x69: {  	_ =	shalt  }
0x6a: {  	_ =	shalt  }
0x6b: {  	_ =	shalt  }
0x6c: {  	_ =	shalt  }
0x6d: {  	_ =	shalt  }
0x6e: {  	_ =	shalt  }
0x6f: {  	_ =	shalt  }
0x70: {  	_ =	shalt  }
0x71: {  	_ =	shalt  }
0x72: {  	_ =	shalt  }
0x73: {  	_ =	shalt  }
0x74: {  	_ =	shalt  }
0x75: {  	_ =	shalt  }
0x76: {  	_ =	shalt  }
0x77: {  	_ =	shalt  }
0x78: {  	_ =	shalt  }
0x79: {  	_ =	shalt  }
0x7a: {  	_ =	shalt  }
0x7b: {  	_ =	shalt  }
0x7c: {  	_ =	shalt  }
0x7d: {  	_ =	shalt  }
0x7e: {  	_ =	shalt  }
0x7f: {  	_ =	shalt  }
0x80: {  	_ =	shalt  }
0x81: {  	_ =	shalt  }
0x82: {  	_ =	shalt  }
0x83: {  	_ =	shalt  }
0x84: {  	_ =	shalt  }
0x85: {  	_ =	shalt  }
0x86: {  	_ =	shalt  }
0x87: {  	_ =	shalt  }
.Lfunc_end0:
.L_simem_size_0:
called_computation_lowered:
.L_overlay_start_0:
0x88: {  	s2 =	sld [smem:$0x3FD9]  }
0x89: {  	s3 =	sld [smem:$0x3FFE];
	_ =	sdelay $0x1  }
0x8a: {  	s1 =	srdreg.scid  }
0x8b: {  	s0 =	sand.u32 $0x1, s1  }
0x8c: {  	s17 =	sshll.u32 s0, $0xA;
	s2 =	sadd.s32 s3, s2  }
0x8d: {  	s2 =	sadd.s32 s2, s17  }
0x8e: {  	[smem:$0x3FC3] =	sst s2  }
0x8f: {  	_ = 	snop  }
0x90: {  	s2 =	sld [smem:$0x3FC7]  }
0x91: {  	s18 =	sld [smem:$0x3FC6];
	(tm) =	ssettm $0x1  }
0x92: {  	s4 =	sld [smem:$0x3FFB];
	_ =	sdelay $0x3  }
0x93: {  	_ =	strace s4  }
0x94: {  	s4 =	sld [smem:$0x3FFC];
	_ =	sdelay $0x3  }
0x95: {  	_ =	strace s4  }
0x96: {  	s4 =	sld [smem:$0x3FFD];
	_ =	sdelay $0x3  }
0x97: {  	_ =	strace s4  }
0x98: {  	_ =	strace $0x8FFFFFFF  }
0x99: {  	s19 =	sld [smem:$0x3FDB];
	_ =	sdelay $0x1  }
0x9a: {  	s5 =	simm.s32 $_scs_section_size  }
0x9b: {  	s6 =	simm.s32 $_size__tile_overlayer_lowered;
	s7 =	simm.s32 $_tile_overlayer_lowered  }
0x9c: {  	s22 =	simm.s32 $0x1BFF;
	s21 =	sshll.u32 s7, $0x1;
	s4 =	sadd.s32 s5, s19  }
0x9d: {  	s8 =	simm.s32 $0x0;
	s20 =	sshll.u32 s6, $0x1;
	s6 =	sadd.s32 s21, s4  }
0x9e: {  	[timem:s8], [sflag:s22] =	dma.local [hbm:s6], s20  }
0x9f: {  	_ =	swait.ge [sflag:s22], s20  }
0xa0: {  	s5 =	ssub.s32 $0x0, s20;
	[sflag:s22] =	ssyncset.done $0x0  }
0xa1: {  	[sflag:s22] =	ssyncadd.s32 s5;
	_ =	sdelay $0x1  }
0xa2: {  	s23 =	simm.s32 $0x1B8B  }
0xa3: {  	_ =	swait.ge [sflag:s23], $0x1  }
0xa4: {  	[sflag:s23] =	ssyncset.done $0x0  }
0xa5: {  	s25 =	simm.s32 $0x1B8E;
	s24 =	sld [smem:$0x3FFE];
	[sflag:s23] =	ssyncadd.s32 $0xFFFFFFFF  }
0xa6: {  	s26 =	simm.s32 $execute0_lowered;
	[smem:$0x3FD2] =	sst s25  }
0xa7: {  	s6 =	sshll.u32 s26, $0x1;
	_ =	strace $0x80000046;
	[dreg:$0x1] =	wrdreg $0xFFFFFFFF  }
0xa8: {  	s28 =	simm.s32 $_size_execute0_lowered;
	s4 =	sadd.s32 s4, s6;
	[dreg:$0x0] =	wrdreg $0x0  }
0xa9: {  	s6 =	sshll.u32 s28, $0x1;
	[dreg:$0x2] =	wrdreg s4  }
0xaa: {  	[dreg:$0x3] =	wrdreg s6  }
0xab: {  	[dreg:$0x4] =	wrdreg $0xC0  }
0xac: {  	_ =	task [dreg:s8], $0x5FFFF  }
0xad: {  	[dreg:$0x1] =	wrdreg $0xFFFFFFFF  }
0xae: {  	[dreg:$0x0] =	wrdreg $0x60  }
0xaf: {  	[dreg:$0x2] =	wrdreg s24  }
0xb0: {  	[dreg:$0x3] =	wrdreg s2  }
0xb1: {  	[dreg:$0x4] =	wrdreg s18  }
0xb2: {  	[dreg:$0x5] =	wrdreg $0x1C7800  }
0xb3: {  	[dreg:$0x6] =	wrdreg $0x1D3C00  }
0xb4: {  	[dreg:$0x7] =	wrdreg $0x9  }
0xb5: {  	_ =	task.clear_ibuf [dreg:s8], $0x8FFFF;
	_ =	strace $0x90000046  }
0xb6: {  	s29 =	simm.s32 $0x9;
	_ =	strace $0x80000048  }
0xb7: {  	_ =	swait.ge [sflag:s29], $0x1  }
0xb8: {  	[sflag:s29] =	ssyncadd.s32 $0xFFFFFFFF  }
0xb9: {  	_ =	strace $0x90000048  }
0xba: {  	_ =	sfence  }
0xbb: {  	s30 =	sld [smem:$0x0];
	_ =	sdelay $0x2  }
0xbc: {  	s31 =	sshll.u32 s1, $0xD;
	s1 =	sshrl.u32 s1, $0x2  }
0xbd: {  	s3 =	sand.u32 $0x4000, s31;
	s1 =	sadd.s32 s1, s30  }
0xbe: {  	s0 =	sor.u32 s3, s0;
	s1 =	sshll.u32 s1, $0x11  }
0xbf: {  	s0 =	sor.u32 s1, s0  }
0xc0: {  	s0 =	sadd.s32 $0x8F2B, s0  }
0xc1: {  	[sflag:s0] =	ssyncadd.remote.s32 $0x1  }
0xc2: {  	_ =	sfence.sel $0xFFFF  }
0xc3: {  	[dreg:$0x0] =	wrdreg $0xFFFFFFFF;
	(pc) =	sbr.abs _section_cstart, $3  }
0xc4: {  	[dreg:$0x1] =	wrdreg $0xFFFFFFFF  }
0xc5: {  	_ =	task.clear_ibuf [dreg:s8], $0x2FFFF;
	_ =	strace $0x9FFFFFFF  }
0xc6: {  	(tm) =	ssettm $0x7FFFFFFF  }
0xc7: {  	_ =	shalt  }
tec
execute0_lowered:
.L_overlay_start_1:
0x0: {  	(tag) =	ssettag $0x1  }
0x1: {  	s0 =	rddreg [dreg:$0x0]  }
0x2: {  	s3 =	rddreg [dreg:$0x3]  }
0x3: {  	s5 =	rddreg [dreg:$0x4]  }
0x4: {  	s6 =	simm.s32 $0x0;
	s4 =	stileid.u32;
	s2 =	srdreg.scid  }
0x5: {  	s15 =	simm.s32 $0x3;
	s16 =	simm.s32 $0x3200;
	s13 =	simm.s32 $0xF600  }
0x6: {  	v0 =	vimm.s32 $0x76543210;
	s21 =	simm.s32 $0x2580;
	s22 =	simm.s32 $0x80;
	s23 =	simm.s32 $0x1BA00  }
0x7: {  	v1 =	vimm.s32 $0xFEDCBA98;
	s28 =	simm.s32 $0x1BB00;
	s30 =	simm.s32 $0x1BB80;
	s18 =	simm.s32 $0x1BD00  }
0x8: {  	v2 =	vimm.s32 $0xBA98FEDC;
	v3 =	vimm.s32 $0x32107654;
	s20 =	simm.s32 $0x1BD80;
	s24 =	simm.s32 $0x2;
	s19 =	simm.s32 $0x3500  }
0x9: {  	v4 =	vimm.s32 $0xDCFE98BA;
	v5 =	vimm.s32 $0x54761032;
	s17 =	simm.s32 $0x1;
	[smem:$0x7FF] =	sst s6;
	s1 =	smul.u32 $0xC40, s4  }
0xa: {  	v6 =	vimm.s32 $0xEFCDAB89;
	v7 =	vimm.s32 $0x67452301;
	s2 =	sand.u32 $0x1, s2;
	s4 =	smul.u32 $0x1880, s4;
	s7 =	sadd.s32 $0x32A00, s0  }
0xb: {  	v0 =	vunpack.c.l.s4.s8 v0;
	v1 =	vunpack.c.l.s4.s8 v1;
	v2 =	vunpack.c.l.s4.s8 v2;
	_ =	strace $0x80000047;
	[dreg:$0x6] =	wrdreg s7;
	s8 =	ssub.s32 $0x2, s2  }
0xc: {  	v3 =	vunpack.c.l.s4.s8 v3;
	v4 =	vunpack.c.l.s4.s8 v4;
	v5 =	vunpack.c.l.s4.s8 v5;
	p0 =	sne.s32 s2, $0x0;
	s2 =	simm.s32 $0x3480;
	s25 =	sshrl.u32 s1, $0x3  }
0xd: {  	v6 =	vunpack.c.l.s4.s8 v6;
	v7 =	vunpack.c.l.s4.s8 v7;
	s9 =	sshrl.u32 s8, $0x1;
	s4 =	sadd.s32 s0, s4;
	s11 =	sadd.s32 s1, s3;
	v2 =	vunpack.c.0.s8.s32 v2  }
0xe: {  	s12 =	sadd.s32 s1, s5;
	v3 =	vunpack.c.0.s8.s32 v3;
	v4 =	vunpack.c.0.s8.s32 v4;
	v5 =	vunpack.c.0.s8.s32 v5;
	s1 =	simm.s32 $0x1BC80;
	s7 =	sadd.s32 s25, s0  }
.Ltmp0:
0xf: {  	v1 =	vunpack.c.0.s8.s32 v1;
	v6 =	vunpack.c.0.s8.s32 v6;
	v7 =	vunpack.c.0.s8.s32 v7;
	[dreg:$0x7] =	wrdreg s4;
	s4 =	sadd.s32 $0x18800, s4;
	(pc) =	sbr.rel .LBB2_1-.Ltmp0, $4  }
0x10: {  	v0 =	vunpack.c.0.s8.s32 v0;
	s26 =	ssub.s32 s8, s9;
	s29 =	sadd.s32 $0x31000, s7;
	[dreg:$0x9] =	wrdreg s4;
	v2 =	vcombine.low v3, v2  }
0x11: {  	s25 =	simm.s32 $0x1BA80;
	s31 =	sadd.s32 $0x32C00, s7;
	v3 =	vcombine.low v5, v4;
	v1 =	vand.u32 $0xF, v1;
	v4 =	vcombine.low v7, v6;
	[dreg:$0x8] =	wrdreg s29  }
0x12: {  	s9 =	simm.s32 $0x0;
	s0 =	smax.u32 s26, $0x1;
	v5 =	vimm.f32 $0.0e+00;
	[dreg:$0xa] =	wrdreg s31;
	v0 =	vcombine.low v1, v0;
	v1 =	vand.u32 $0xF, v2  }
0x13: {  	s7 =	simm.s32 $0x3580;
	[dreg:$0xb] =	wrdreg s0;
	s0 =	simm.s32 $0x1BC00;
	v2 =	vand.u32 $0xF, v3;
	v3 =	vand.u32 $0xF, v4;
	v4 =	vimm.f32 $1.000000000e+00  }
.LBB2_18:
0x14: {  	v8 =	vld [tilespmem:s8+$0x2580];
	_ =	sdelay $0x1  }
0x15: {  	v9 =	vld [tilespmem:s8+$0xC80];
	_ =	sdelay $0x2  }
0x16: {  	v7 =	vadd.f32 v7, v8;
	_ =	sdelay $0x1  }
0x17: {  	v7 =	vmul.f32 v7, v9;
	_ =	sdelay $0x1  }
0x18: {  	v6 =	vadd.f32 v7, v6;
	_ =	sdelay $0x1  }
0x19: {  	v6 =	vsub.f32 v6, v6;
	_ =	sdelay $0x1  }
0x1a: {  	s4 =	rddreg [dreg:$0xa];
	[tilespmem:s8+$0x2580] =	vst v6  }
0x1b: {  	[hbm4b:s4+s6] =	stream.linear.scatter [tilespmem:s21], [sflag:$0x3], $0xC40, $0x38;
	[tilespmem:$0x1E000] =	vst v63  }
0x1c: {  	_ =	swait.ge [sflag:s15], $0xC40  }
0x1d: {  	[sflag:s15] =	ssyncset.done $0x0  }
0x1e: {  	[sflag:s15] =	ssyncadd.s32 $0xFFFFF3C0  }
.LBB2_19:
0x1f: {  	s9 =	sadd.s32 $0x1, s9;
	s4 =	rddreg [dreg:$0xb]  }
0x20: {  	p1 =	sne.s32 s9, s4  }
.Ltmp1:
0x21: {  	_ = 	snop;
	(pc) =	sbr.rel @!p1 .LBB2_20-.Ltmp1, $1  }
0x22: {  	_ =	sdelay $0x3  }
.LBB2_1:
0x23: {  	s4 =	rddreg [dreg:$0x8]  }
0x24: {  	[tilespmem:s6], [sflag:$0x3] =	stream.linear.gather [hbm4b:s4+s6], $0xC40, $0x38;
	[tilespmem:$0x1E000] =	vst v63  }
0x25: {  	_ =	swait.ge [sflag:s15], $0xC40  }
0x26: {  	[sflag:s15] =	ssyncset.done $0x0  }
0x27: {  	s31 =	rddreg [dreg:$0x9];
	[sflag:s15] =	ssyncadd.s32 $0xFFFFF3C0  }
0x28: {  	[tilespmem:s16], [sflag:$0x3] =	stream.linear.gather [hbm4b:s31+s6], $0xC400, $0x38;
	[tilespmem:$0x1E000] =	vst v63  }
0x29: {  	_ =	swait.ge [sflag:s15], $0xC400  }
0x2a: {  	[sflag:s15] =	ssyncset.done $0x0  }
0x2b: {  	s8 =	rddreg [dreg:$0x7];
	[sflag:s15] =	ssyncadd.s32 $0xFFFF3C00  }
0x2c: {  	[tilespmem:s13], [sflag:$0x3] =	stream.linear.gather [hbm4b:s8+s6], $0xC400, $0x38;
	[tilespmem:$0x1E000] =	vst v63  }
0x2d: {  	_ =	swait.ge [sflag:s15], $0xC400  }
0x2e: {  	[sflag:s15] =	ssyncset.done $0x0  }
0x2f: {  	[sflag:s15] =	ssyncadd.s32 $0xFFFF3C00  }
0x30: {  	s8 =	simm.s32 $0x1C600;
	s10 =	rddreg [dreg:$0x1]  }
0x31: {  	[tilespmem:s8], [sflag:$0x3] =	stream.linear.gather [hbm4b:s10+s6], $0x80, $0x38;
	[tilespmem:$0x1E000] =	vst v63  }
0x32: {  	_ =	swait.ge [sflag:s15], $0x80  }
0x33: {  	[sflag:s15] =	ssyncset.done $0x0  }
0x34: {  	[sflag:s15] =	ssyncadd.s32 $0xFFFFFF80  }
0x35: {  	s26 =	simm.s32 $0x1C680;
	s14 =	rddreg [dreg:$0x2]  }
0x36: {  	[tilespmem:s26], [sflag:$0x3] =	stream.linear.gather [hbm4b:s14+s6], $0x80, $0x38;
	[tilespmem:$0x1E000] =	vst v63  }
0x37: {  	_ =	swait.ge [sflag:s15], $0x80  }
0x38: {  	[sflag:s15] =	ssyncset.done $0x0  }
0x39: {  	s31 =	simm.s32 $0x1C700;
	s29 =	rddreg [dreg:$0x6];
	[sflag:s15] =	ssyncadd.s32 $0xFFFFFF80  }
0x3a: {  	[tilespmem:s31], [sflag:$0x3] =	stream.linear.gather [hbm4b:s29+s6], $0x80, $0x38;
	[tilespmem:$0x1E000] =	vst v63  }
0x3b: {  	_ =	swait.ge [sflag:s15], $0x80  }
0x3c: {  	[sflag:s15] =	ssyncset.done $0x0  }
0x3d: {  	[sflag:s15] =	ssyncadd.s32 $0xFFFFFF80  }
0x3e: {  	v6 =	vld [tilespmem:$0x1C600]  }
0x3f: {  	v7 =	vld [tilespmem:$0x1C680];
	_ =	sdelay $0x1  }
0x40: {  	v8 =	vld [tilespmem:$0x1C610]  }
0x41: {  	v9 =	vld [tilespmem:$0x1C690]  }
0x42: {  	v11 =	vld [tilespmem:$0x1C620];
	v10 =	vmax.f32 v6, $0.0e+00;
	v6 =	vxor.u32 $0x80000000, v6  }
0x43: {  	v12 =	vld [tilespmem:$0x1C6A0];
	v10 =	vmul.f32 v7, v10;
	v6 =	vmax.f32 v6, $0.0e+00  }
0x44: {  	v6 =	vmul.f32 v6, v7  }
0x45: {  	v13 =	vld [tilespmem:$0x1C630];
	v7 =	vadd.f32 $0.0e+00, v10;
	v10 =	vmax.f32 v8, $0.0e+00;
	v8 =	vxor.u32 $0x80000000, v8  }
0x46: {  	v14 =	vld [tilespmem:$0x1C6B0];
	v6 =	vadd.f32 $0.0e+00, v6;
	v10 =	vmul.f32 v9, v10;
	v8 =	vmax.f32 v8, $0.0e+00  }
0x47: {  	v15 =	vld [tilespmem:$0x1C640];
	v8 =	vmul.f32 v8, v9;
	v9 =	vmax.f32 v11, $0.0e+00;
	v11 =	vxor.u32 $0x80000000, v11  }
0x48: {  	v7 =	vadd.f32 v10, v7;
	v9 =	vmul.f32 v12, v9;
	v10 =	vmax.f32 v11, $0.0e+00;
	v11 =	vld [tilespmem:$0x1C6C0]  }
0x49: {  	v6 =	vadd.f32 v8, v6;
	v8 =	vmul.f32 v10, v12  }
0x4a: {  	v56 =	vld [tilespmem:$0x1C650];
	v10 =	vxor.u32 $0x80000000, v13;
	v7 =	vadd.f32 v9, v7;
	v9 =	vmax.f32 v13, $0.0e+00  }
0x4b: {  	v6 =	vadd.f32 v8, v6;
	v8 =	vmul.f32 v14, v9;
	v9 =	vmax.f32 v10, $0.0e+00;
	v10 =	vld [tilespmem:$0x1C6D0]  }
0x4c: {  	v59 =	vld [tilespmem:$0x1C660];
	v57 =	vmax.f32 v15, $0.0e+00;
	v58 =	vxor.u32 $0x80000000, v15;
	v9 =	vmul.f32 v9, v14  }
0x4d: {  	v61 =	vld [tilespmem:$0x1C6E0];
	v60 =	vmax.f32 v58, $0.0e+00;
	v7 =	vadd.f32 v8, v7;
	v8 =	vmul.f32 v11, v57  }
0x4e: {  	v6 =	vadd.f32 v9, v6;
	v9 =	vmul.f32 v60, v11;
	v11 =	vld [tilespmem:$0x1C670]  }
0x4f: {  	v12 =	vxor.u32 $0x80000000, v56;
	v7 =	vadd.f32 v8, v7;
	v8 =	vmax.f32 v56, $0.0e+00  }
0x50: {  	v62 =	vld [tilespmem:$0x1C6F0];
	v6 =	vadd.f32 v9, v6;
	v8 =	vmul.f32 v10, v8;
	v9 =	vmax.f32 v12, $0.0e+00  }
0x51: {  	v63 =	vxor.u32 $0x80000000, v59;
	v9 =	vmul.f32 v9, v10;
	v10 =	vmax.f32 v59, $0.0e+00  }
0x52: {  	v7 =	vadd.f32 v8, v7;
	v8 =	vmul.f32 v61, v10;
	v10 =	vmax.f32 v63, $0.0e+00  }
0x53: {  	v6 =	vadd.f32 v9, v6;
	v9 =	vmul.f32 v10, v61;
	v10 =	vxor.u32 $0x80000000, v11  }
0x54: {  	v7 =	vadd.f32 v8, v7;
	v8 =	vmax.f32 v11, $0.0e+00;
	v10 =	vmax.f32 v10, $0.0e+00  }
0x55: {  	v6 =	vadd.f32 v9, v6;
	v8 =	vmul.f32 v62, v8;
	v9 =	vmul.f32 v10, v62;
	_ =	sdelay $0x1  }
0x56: {  	v7 =	vadd.f32 v8, v7;
	v6 =	vadd.f32 v9, v6;
	_ =	sdelay $0x1  }
0x57: {  	v8 =	vperm.xlane v7, v0;
	v9 =	vperm.xlane v6, v0;
	_ =	sdelay $0x1  }
0x58: {  	v7 =	vadd.f32 v7, v8;
	v6 =	vadd.f32 v9, v6;
	_ =	sdelay $0x1  }
0x59: {  	v8 =	vperm.xlane v7, v1;
	v9 =	vperm.xlane v6, v1;
	_ =	sdelay $0x1  }
0x5a: {  	v7 =	vadd.f32 v7, v8;
	v6 =	vadd.f32 v9, v6;
	_ =	sdelay $0x1  }
0x5b: {  	v8 =	vperm.xlane v7, v2;
	v9 =	vperm.xlane v6, v2;
	_ =	sdelay $0x1  }
0x5c: {  	v7 =	vadd.f32 v7, v8;
	v8 =	vadd.f32 v9, v6;
	_ =	sdelay $0x1  }
0x5d: {  	s8 =	simm.s32 $0x0;
	s10 =	simm.s32 $0x200;
	v6 =	vld [tilespmem:$0x1C700];
	v9 =	vperm.xlane v7, v3;
	v10 =	vperm.xlane v8, v3  }
.LBB2_2:
0x5e: {  	p1 =	sne.s32 s10, $0x2E00;
	[tilespmem:s8+$0x1BA70] =	vst v4  }
0x5f: {  	[tilespmem:s8+$0x1BA00] =	vst v4  }
0x60: {  	[tilespmem:s8+$0x1BA10] =	vst v4  }
.Ltmp2:
0x61: {  	[tilespmem:s8+$0x1BA20] =	vst v4;
	(pc) =	sbr.rel @p1 .LBB2_2-.Ltmp2, $4  }
0x62: {  	[tilespmem:s8+$0x1BA30] =	vst v4  }
0x63: {  	[tilespmem:s8+$0x1BA40] =	vst v4  }
0x64: {  	[tilespmem:s8+$0x1BA50] =	vst v4  }
0x65: {  	[tilespmem:s8+$0x1BA60] =	vst v4;
	s8 =	sshra.s32 s10, $0x2;
	s10 =	sadd.s32 $0x200, s10  }
0x66: {  	[tilespmem:s8+$0x1BA70] =	vst v4  }
0x67: {  	[tilespmem:s8+$0x1BA00] =	vst v4  }
0x68: {  	[tilespmem:s8+$0x1BA10] =	vst v4  }
0x69: {  	[tilespmem:s8+$0x1BA20] =	vst v4  }
0x6a: {  	[tilespmem:s8+$0x1BA30] =	vst v4  }
0x6b: {  	[tilespmem:s8+$0x1BA40] =	vst v4  }
0x6c: {  	[tilespmem:s8+$0x1BA50] =	vst v4  }
0x6d: {  	[tilespmem:s8+$0x1BA60] =	vst v4;
	s8 =	simm.s32 $0x40;
	s10 =	simm.s32 $0x0  }
.LBB2_4:
0x6e: {  	p1 =	sne.s32 s8, $0x30C0;
	[tilespmem:s10+$0x2580] =	vst v4;
	s10 =	smov.u32 s8;
	s8 =	sadd.s32 $0x40, s8  }
.Ltmp3:
0x6f: {  	(pc) =	sbr.rel @p1 .LBB2_4-.Ltmp3, $2  }
0x70: {  	_ =	sdelay $0x2  }
0x71: {  	s10 =	sshra.s32 s10, $0x2  }
0x72: {  	[tilespmem:s10+$0x2580] =	vst v4  }
0x73: {  	[spmem:s11] =	stream.linear.scatter [tilespmem:s21], [sflag:$0x3], $0xC40, $0x38;
	[tilespmem:$0x1E000] =	vst v63  }
0x74: {  	_ =	swait.ge [sflag:s15], $0xC40  }
0x75: {  	[sflag:s15] =	ssyncset.done $0x0  }
0x76: {  	[sflag:s15] =	ssyncadd.s32 $0xFFFFF3C0  }
0x77: {  	[bflag:$0x0] =	sbarrier.arrive $0xFFFF  }
0x78: {  	[spmem:s3] =	stream.indirect.scatter.add.f32 [tilespmem:s23], [sflag:$0x2], $0x1, s13, s22, $0xb8;
	[tilespmem:$0x1E000] =	vst v63  }
0x79: {  	s4 =	simm.s32 $0xF680  }
0x7a: {  	[spmem:s3] =	stream.indirect.scatter.add.f32 [tilespmem:s25], [sflag:$0x2], $0x1, s4, s22, $0xb8;
	[tilespmem:$0x1E000] =	vst v63  }
0x7b: {  	s29 =	simm.s32 $0xF700  }
0x7c: {  	[spmem:s3] =	stream.indirect.scatter.add.f32 [tilespmem:s28], [sflag:$0x2], $0x1, s29, s22, $0xb8;
	[tilespmem:$0x1E000] =	vst v63  }
0x7d: {  	s31 =	simm.s32 $0xF780  }
0x7e: {  	[spmem:s3] =	stream.indirect.scatter.add.f32 [tilespmem:s30], [sflag:$0x2], $0x1, s31, s22, $0xb8;
	[tilespmem:$0x1E000] =	vst v63  }
0x7f: {  	s8 =	simm.s32 $0xF800  }
0x80: {  	[spmem:s3] =	stream.indirect.scatter.add.f32 [tilespmem:s0], [sflag:$0x2], $0x1, s8, s22, $0xb8;
	[tilespmem:$0x1E000] =	vst v63  }
0x81: {  	s10 =	simm.s32 $0xF880;
	s8 =	simm.s32 $0x1000  }
0x82: {  	[spmem:s3] =	stream.indirect.scatter.add.f32 [tilespmem:s1], [sflag:$0x2], $0x1, s10, s22, $0xb8;
	[tilespmem:$0x1E000] =	vst v63  }
0x83: {  	s13 =	simm.s32 $0xF900;
	s26 =	sand.u32 $0x1000, s8  }
0x84: {  	[spmem:s3] =	stream.indirect.scatter.add.f32 [tilespmem:s18], [sflag:$0x2], $0x1, s13, s22, $0xb8;
	[tilespmem:$0x1E000] =	vst v63  }
0x85: {  	s14 =	simm.s32 $0xF980;
	s10 =	sshrl.u32 s26, $0x2  }
0x86: {  	[spmem:s3] =	stream.indirect.scatter.add.f32 [tilespmem:s20], [sflag:$0x2], $0x1, s14, s22, $0xb8;
	[tilespmem:$0x1E000] =	vst v63  }
0x87: {  	s29 =	sor.u32 $0x1BA00, s10;
	s14 =	simm.s32 $0xFA00  }
0x88: {  	[spmem:s3] =	stream.indirect.scatter.add.f32 [tilespmem:s29], [sflag:$0x2], $0x1, s14, s22, $0xb8;
	[tilespmem:$0x1E000] =	vst v63  }
0x89: {  	s4 =	simm.s32 $0xFA80;
	s31 =	sor.u32 $0x1BA80, s10  }
0x8a: {  	[spmem:s3] =	stream.indirect.scatter.add.f32 [tilespmem:s31], [sflag:$0x2], $0x1, s4, s22, $0xb8;
	[tilespmem:$0x1E000] =	vst v63  }
0x8b: {  	s26 =	sor.u32 $0x1BB00, s10;
	s29 =	simm.s32 $0xFB00  }
0x8c: {  	[spmem:s3] =	stream.indirect.scatter.add.f32 [tilespmem:s26], [sflag:$0x2], $0x1, s29, s22, $0xb8;
	[tilespmem:$0x1E000] =	vst v63  }
0x8d: {  	s31 =	sor.u32 $0x1BB80, s10;
	s4 =	simm.s32 $0xFB80  }
0x8e: {  	[spmem:s3] =	stream.indirect.scatter.add.f32 [tilespmem:s31], [sflag:$0x2], $0x1, s4, s22, $0xb8;
	[tilespmem:$0x1E000] =	vst v63  }
0x8f: {  	s26 =	sadd.s32 $0x1BC00, s10;
	s29 =	simm.s32 $0xFC00  }
0x90: {  	[spmem:s3] =	stream.indirect.scatter.add.f32 [tilespmem:s26], [sflag:$0x2], $0x1, s29, s22, $0xb8;
	[tilespmem:$0x1E000] =	vst v63  }
0x91: {  	s31 =	sadd.s32 $0x1BC80, s10;
	s4 =	simm.s32 $0xFC80  }
0x92: {  	[spmem:s3] =	stream.indirect.scatter.add.f32 [tilespmem:s31], [sflag:$0x2], $0x1, s4, s22, $0xb8;
	[tilespmem:$0x1E000] =	vst v63  }
0x93: {  	s26 =	sadd.s32 $0x1BD00, s10;
	s29 =	simm.s32 $0xFD00  }
0x94: {  	[spmem:s3] =	stream.indirect.scatter.add.f32 [tilespmem:s26], [sflag:$0x2], $0x1, s29, s22, $0xb8;
	[tilespmem:$0x1E000] =	vst v63  }
0x95: {  	s10 =	sadd.s32 $0x1BD80, s10;
	s31 =	simm.s32 $0xFD80  }
0x96: {  	[spmem:s3] =	stream.indirect.scatter.add.f32 [tilespmem:s10], [sflag:$0x2], $0x1, s31, s22, $0xb8;
	[tilespmem:$0x1E000] =	vst v63  }
0x97: {  	_ =	swait.ge [sflag:s24], $0x80  }
0x98: {  	[sflag:s24] =	ssyncset.done $0x0  }
0x99: {  	[sflag:s24] =	ssyncadd.s32 $0xFFFFFF80  }
0x9a: {  	_ =	swait.ge [sflag:s24], $0x80  }
0x9b: {  	[sflag:s24] =	ssyncset.done $0x0  }
0x9c: {  	[sflag:s24] =	ssyncadd.s32 $0xFFFFFF80  }
0x9d: {  	_ =	swait.ge [sflag:s24], $0x80  }
0x9e: {  	[sflag:s24] =	ssyncset.done $0x0  }
0x9f: {  	[sflag:s24] =	ssyncadd.s32 $0xFFFFFF80  }
0xa0: {  	_ =	swait.ge [sflag:s24], $0x80  }
0xa1: {  	[sflag:s24] =	ssyncset.done $0x0  }
0xa2: {  	[sflag:s24] =	ssyncadd.s32 $0xFFFFFF80  }
0xa3: {  	_ =	swait.ge [sflag:s24], $0x80  }
0xa4: {  	[sflag:s24] =	ssyncset.done $0x0  }
0xa5: {  	[sflag:s24] =	ssyncadd.s32 $0xFFFFFF80  }
0xa6: {  	_ =	swait.ge [sflag:s24], $0x80  }
0xa7: {  	[sflag:s24] =	ssyncset.done $0x0  }
0xa8: {  	[sflag:s24] =	ssyncadd.s32 $0xFFFFFF80  }
0xa9: {  	_ =	swait.ge [sflag:s24], $0x80  }
0xaa: {  	[sflag:s24] =	ssyncset.done $0x0  }
.LBB2_6:
0xab: {  	p1 =	sne.s32 s8, $0x2F000  }
0xac: {  	[sflag:s24] =	ssyncadd.s32 $0xFFFFFF80;
	s10 =	smov.u32 s8;
	s8 =	sadd.s32 $0x1000, s8  }
0xad: {  	s13 =	sand.u32 $0x1000, s8;
	_ =	swait.ge [sflag:s24], $0x80  }
0xae: {  	s10 =	sshra.s32 s10, $0x2;
	s13 =	sshrl.u32 s13, $0x2;
	[sflag:s24] =	ssyncset.done $0x0  }
0xaf: {  	s26 =	sadd.s32 $0xFA00, s10;
	s14 =	sor.u32 $0x1BA00, s13;
	[sflag:s24] =	ssyncadd.s32 $0xFFFFFF80  }
0xb0: {  	[spmem:s3] =	stream.indirect.scatter.add.f32 [tilespmem:s14], [sflag:$0x2], $0x1, s26, s22, $0xb8;
	[tilespmem:$0x1E000] =	vst v63  }
0xb1: {  	s14 =	sor.u32 $0x1BA80, s13;
	s26 =	sadd.s32 $0xFA80, s10  }
0xb2: {  	[spmem:s3] =	stream.indirect.scatter.add.f32 [tilespmem:s14], [sflag:$0x2], $0x1, s26, s22, $0xb8;
	[tilespmem:$0x1E000] =	vst v63  }
0xb3: {  	s14 =	sor.u32 $0x1BB00, s13;
	s26 =	sadd.s32 $0xFB00, s10  }
0xb4: {  	[spmem:s3] =	stream.indirect.scatter.add.f32 [tilespmem:s14], [sflag:$0x2], $0x1, s26, s22, $0xb8;
	[tilespmem:$0x1E000] =	vst v63  }
0xb5: {  	s14 =	sor.u32 $0x1BB80, s13;
	s26 =	sadd.s32 $0xFB80, s10  }
0xb6: {  	[spmem:s3] =	stream.indirect.scatter.add.f32 [tilespmem:s14], [sflag:$0x2], $0x1, s26, s22, $0xb8;
	[tilespmem:$0x1E000] =	vst v63  }
0xb7: {  	s14 =	sadd.s32 $0x1BC00, s13;
	s26 =	sadd.s32 $0xFC00, s10  }
0xb8: {  	[spmem:s3] =	stream.indirect.scatter.add.f32 [tilespmem:s14], [sflag:$0x2], $0x1, s26, s22, $0xb8;
	[tilespmem:$0x1E000] =	vst v63  }
0xb9: {  	s14 =	sadd.s32 $0x1BC80, s13;
	s26 =	sadd.s32 $0xFC80, s10  }
0xba: {  	[spmem:s3] =	stream.indirect.scatter.add.f32 [tilespmem:s14], [sflag:$0x2], $0x1, s26, s22, $0xb8;
	[tilespmem:$0x1E000] =	vst v63  }
0xbb: {  	s14 =	sadd.s32 $0x1BD00, s13;
	s26 =	sadd.s32 $0xFD00, s10  }
0xbc: {  	[spmem:s3] =	stream.indirect.scatter.add.f32 [tilespmem:s14], [sflag:$0x2], $0x1, s26, s22, $0xb8;
	[tilespmem:$0x1E000] =	vst v63  }
0xbd: {  	s13 =	sadd.s32 $0x1BD80, s13;
	s10 =	sadd.s32 $0xFD80, s10  }
0xbe: {  	[spmem:s3] =	stream.indirect.scatter.add.f32 [tilespmem:s13], [sflag:$0x2], $0x1, s10, s22, $0xb8;
	[tilespmem:$0x1E000] =	vst v63  }
0xbf: {  	_ =	swait.ge [sflag:s24], $0x80  }
0xc0: {  	[sflag:s24] =	ssyncset.done $0x0  }
0xc1: {  	[sflag:s24] =	ssyncadd.s32 $0xFFFFFF80  }
0xc2: {  	_ =	swait.ge [sflag:s24], $0x80  }
0xc3: {  	[sflag:s24] =	ssyncset.done $0x0  }
0xc4: {  	[sflag:s24] =	ssyncadd.s32 $0xFFFFFF80  }
0xc5: {  	_ =	swait.ge [sflag:s24], $0x80  }
0xc6: {  	[sflag:s24] =	ssyncset.done $0x0  }
0xc7: {  	[sflag:s24] =	ssyncadd.s32 $0xFFFFFF80  }
0xc8: {  	_ =	swait.ge [sflag:s24], $0x80  }
0xc9: {  	[sflag:s24] =	ssyncset.done $0x0  }
0xca: {  	[sflag:s24] =	ssyncadd.s32 $0xFFFFFF80  }
0xcb: {  	_ =	swait.ge [sflag:s24], $0x80  }
0xcc: {  	[sflag:s24] =	ssyncset.done $0x0  }
0xcd: {  	[sflag:s24] =	ssyncadd.s32 $0xFFFFFF80  }
.Ltmp4:
0xce: {  	_ =	swait.ge [sflag:s24], $0x80;
	(pc) =	sbr.rel @p1 .LBB2_6-.Ltmp4, $4  }
0xcf: {  	[sflag:s24] =	ssyncset.done $0x0  }
0xd0: {  	[sflag:s24] =	ssyncadd.s32 $0xFFFFFF80  }
0xd1: {  	_ =	swait.ge [sflag:s24], $0x80  }
0xd2: {  	[sflag:s24] =	ssyncset.done $0x0  }
0xd3: {  	[sflag:s24] =	ssyncadd.s32 $0xFFFFFF80  }
0xd4: {  	_ =	swait.ge [sflag:s24], $0x80  }
0xd5: {  	[sflag:s24] =	ssyncset.done $0x0  }
0xd6: {  	[sflag:s24] =	ssyncadd.s32 $0xFFFFFF80  }
0xd7: {  	_ =	swait.ge [sflag:s24], $0x80  }
0xd8: {  	[sflag:s24] =	ssyncset.done $0x0  }
0xd9: {  	[sflag:s24] =	ssyncadd.s32 $0xFFFFFF80  }
0xda: {  	_ =	swait.ge [sflag:s24], $0x80  }
0xdb: {  	[sflag:s24] =	ssyncset.done $0x0  }
0xdc: {  	[sflag:s24] =	ssyncadd.s32 $0xFFFFFF80  }
0xdd: {  	_ =	swait.ge [sflag:s24], $0x80  }
0xde: {  	[sflag:s24] =	ssyncset.done $0x0  }
0xdf: {  	[sflag:s24] =	ssyncadd.s32 $0xFFFFFF80  }
0xe0: {  	_ =	swait.ge [sflag:s24], $0x80  }
0xe1: {  	[sflag:s24] =	ssyncset.done $0x0  }
0xe2: {  	[sflag:s24] =	ssyncadd.s32 $0xFFFFFF80  }
0xe3: {  	_ =	swait.ge [sflag:s24], $0x80  }
0xe4: {  	[sflag:s24] =	ssyncset.done $0x0  }
0xe5: {  	[sflag:s24] =	ssyncadd.s32 $0xFFFFFF80  }
0xe6: {  	_ =	swait.ge [sflag:s24], $0x80  }
0xe7: {  	[sflag:s24] =	ssyncset.done $0x0  }
0xe8: {  	[sflag:s24] =	ssyncadd.s32 $0xFFFFFF80  }
0xe9: {  	_ =	swait.ge [sflag:s24], $0x80  }
0xea: {  	[sflag:s24] =	ssyncset.done $0x0  }
0xeb: {  	[sflag:s24] =	ssyncadd.s32 $0xFFFFFF80  }
0xec: {  	_ =	swait.ge [sflag:s24], $0x80  }
0xed: {  	[sflag:s24] =	ssyncset.done $0x0  }
0xee: {  	[sflag:s24] =	ssyncadd.s32 $0xFFFFFF80  }
0xef: {  	[bflag:$0x0] =	sbarrier.arrive $0xFFFF  }
0xf0: {  	[tilespmem:s21], [sflag:$0x3] =	stream.linear.gather [spmem:s11], $0xC40, $0x38;
	[tilespmem:$0x1E000] =	vst v63  }
0xf1: {  	_ =	swait.ge [sflag:s15], $0xC40  }
0xf2: {  	[sflag:s15] =	ssyncset.done $0x0  }
0xf3: {  	s13 =	simm.s32 $0x0;
	[sflag:s15] =	ssyncadd.s32 $0xFFFFF3C0  }
0xf4: {  	v11 =	vld [tilespmem:s13+$0x2580];
	_ =	sdelay $0x4  }
0xf5: {  	s10 =	simm.s32 $0x10;
	[tilespmem:s13+$0x2580] =	vst v5;
	v12 =	vshra.s32 v11, $0x1;
	v13 =	vmul.f32 $5.000000000e-01, v11  }
0xf6: {  	v11 =	vld [tilespmem:s10+$0x2580];
	v12 =	vsub.s32 $0x5F3759DF, v12  }
0xf7: {  	v14 =	vmul.f32 v12, v13;
	_ =	sdelay $0x1  }
0xf8: {  	v14 =	vmul.f32 v12, v14  }
0xf9: {  	s8 =	simm.s32 $0x20;
	[tilespmem:s10+$0x2580] =	vst v5  }
0xfa: {  	v15 =	vshra.s32 v11, $0x1;
	v16 =	vmul.f32 $5.000000000e-01, v11;
	v11 =	vsub.f32 $1.500000000e+00, v14;
	v14 =	vld [tilespmem:s8+$0x2580]  }
0xfb: {  	v15 =	vsub.s32 $0x5F3759DF, v15  }
0xfc: {  	v17 =	vmul.f32 v15, v16;
	v12 =	vmul.f32 v12, v11;
	_ =	sdelay $0x1  }
0xfd: {  	v17 =	vmul.f32 v15, v17;
	v18 =	vmul.f32 v12, v13  }
0xfe: {  	s14 =	simm.s32 $0x30;
	[tilespmem:s8+$0x2580] =	vst v5;
	v19 =	vshra.s32 v14, $0x1;
	v11 =	vmul.f32 $5.000000000e-01, v14  }
0xff: {  	v14 =	vsub.f32 $1.500000000e+00, v17;
	v17 =	vld [tilespmem:s14+$0x2580];
	v19 =	vsub.s32 $0x5F3759DF, v19;
	v18 =	vmul.f32 v18, v12  }
0x100: {  	v20 =	vmul.f32 v19, v11  }
0x101: {  	v14 =	vmul.f32 v15, v14;
	v15 =	vsub.f32 $1.500000000e+00, v18  }
0x102: {  	v18 =	vmul.f32 v19, v20  }
0x103: {  	v20 =	vmul.f32 v14, v16;
	v22 =	vmul.f32 v15, v12  }
0x104: {  	s26 =	simm.s32 $0x40;
	[tilespmem:s14+$0x2580] =	vst v5;
	v15 =	vshra.s32 v17, $0x1;
	v12 =	vmul.f32 $5.000000000e-01, v17;
	v17 =	vsub.f32 $1.500000000e+00, v18  }
0x105: {  	v18 =	vld [tilespmem:s26+$0x2580];
	v23 =	vsub.s32 $0x5F3759DF, v15;
	v20 =	vmul.f32 v20, v14;
	v13 =	vmul.f32 v22, v13  }
0x106: {  	v21 =	vmul.f32 v23, v12  }
0x107: {  	v15 =	vmul.f32 v19, v17;
	v17 =	vsub.f32 $1.500000000e+00, v20;
	v13 =	vmul.f32 v13, v22  }
0x108: {  	[tilespmem:s26+$0x2580] =	vst v5;
	v19 =	vmul.f32 v23, v21  }
0x109: {  	v21 =	vld [tilespmem:s13+$0x0];
	v20 =	vmul.f32 v15, v11;
	v14 =	vmul.f32 v17, v14;
	v25 =	vsub.f32 $1.500000000e+00, v13  }
0x10a: {  	s29 =	simm.s32 $0x50;
	v17 =	vshra.s32 v18, $0x1;
	v13 =	vmul.f32 $5.000000000e-01, v18;
	v19 =	vsub.f32 $1.500000000e+00, v19  }
0x10b: {  	v18 =	vld [tilespmem:s29+$0x2580];
	v17 =	vsub.s32 $0x5F3759DF, v17;
	v26 =	vmul.f32 v20, v15;
	v16 =	vmul.f32 v14, v16  }
0x10c: {  	[tilespmem:s29+$0x2580] =	vst v5;
	v24 =	vmul.f32 v17, v13;
	v20 =	vmul.f32 v25, v22  }
0x10d: {  	s31 =	simm.s32 $0x180;
	v19 =	vmul.f32 v23, v19;
	v23 =	vsub.f32 $1.500000000e+00, v26;
	v22 =	vmul.f32 v16, v14;
	v16 =	vld [tilespmem:s10+$0x0]  }
.LBB2_8:
0x10e: {  	p1 =	sne.s32 s31, $0x30C0;
	v24 =	vmul.f32 v17, v24;
	[tilespmem:s13+$0xC80] =	vst v20;
	v20 =	vmul.f32 v20, v21;
	s4 =	smov.u32 s31;
	s31 =	sadd.s32 $0x40, s31  }
.Ltmp5:
0x10f: {  	v21 =	vmul.f32 v19, v12;
	v23 =	vmul.f32 v23, v15;
	v22 =	vsub.f32 $1.500000000e+00, v22;
	v15 =	vmovc v19;
	(pc) =	sbr.rel @p1 .LBB2_8-.Ltmp5, $4  }
0x110: {  	s4 =	sshra.s32 s4, $0x2;
	v19 =	vshra.s32 v18, $0x1;
	v25 =	vmul.f32 $5.000000000e-01, v18;
	v26 =	vsub.f32 $1.500000000e+00, v24;
	[tilespmem:s13+$0x1900] =	vst v20;
	s13 =	smov.u32 s10;
	s10 =	smov.u32 s8  }
0x111: {  	s8 =	smov.u32 s14;
	s14 =	smov.u32 s26;
	s26 =	smov.u32 s29;
	v18 =	vld [tilespmem:s4+$0x2580];
	v27 =	vsub.s32 $0x5F3759DF, v19;
	v29 =	vmul.f32 v21, v15;
	v28 =	vmul.f32 v23, v11;
	v11 =	vmovc v12;
	v12 =	vmovc v13  }
0x112: {  	s29 =	smov.u32 s4;
	v20 =	vmul.f32 v22, v14;
	v14 =	vmovc v23;
	[tilespmem:s4+$0x2580] =	vst v5;
	v24 =	vmul.f32 v27, v25;
	v13 =	vmov v25  }
0x113: {  	v19 =	vmul.f32 v17, v26;
	v17 =	vmovc v27;
	v23 =	vsub.f32 $1.500000000e+00, v29;
	v22 =	vmul.f32 v28, v14;
	v21 =	vmovc v16;
	v16 =	vld [tilespmem:s10+$0x0]  }
0x114: {  	_ =	sdelay $0x1  }
0x115: {  	v25 =	vshra.s32 v18, $0x1;
	v43 =	vmul.f32 $5.000000000e-01, v18  }
0x116: {  	v24 =	vmul.f32 v17, v24;
	v25 =	vsub.s32 $0x5F3759DF, v25  }
0x117: {  	v26 =	vmul.f32 v19, v12;
	v27 =	vmul.f32 v25, v43  }
0x118: {  	v21 =	vmul.f32 v20, v21;
	v15 =	vmul.f32 v23, v15;
	v24 =	vsub.f32 $1.500000000e+00, v24  }
0x119: {  	v22 =	vsub.f32 $1.500000000e+00, v22;
	v45 =	vmul.f32 v26, v19;
	v46 =	vmul.f32 v25, v27  }
0x11a: {  	v11 =	vmul.f32 v15, v11;
	v44 =	vmul.f32 v17, v24  }
0x11b: {  	v14 =	vmul.f32 v22, v14;
	v47 =	vsub.f32 $1.500000000e+00, v45;
	v48 =	vsub.f32 $1.500000000e+00, v46  }
0x11c: {  	v11 =	vmul.f32 v11, v15;
	v49 =	vmul.f32 v44, v13  }
0x11d: {  	[tilespmem:s13+$0xC80] =	vst v20;
	v50 =	vmul.f32 v47, v19;
	v51 =	vmul.f32 v25, v48  }
0x11e: {  	[tilespmem:s13+$0x1900] =	vst v21;
	v16 =	vmul.f32 v14, v16;
	v52 =	vmul.f32 v49, v44  }
0x11f: {  	v53 =	vld [tilespmem:s8+$0x0];
	v54 =	vmul.f32 v50, v12;
	v23 =	vmul.f32 v51, v43  }
0x120: {  	[tilespmem:s10+$0xC80] =	vst v14;
	v11 =	vsub.f32 $1.500000000e+00, v11;
	v55 =	vsub.f32 $1.500000000e+00, v52  }
0x121: {  	[tilespmem:s10+$0x1900] =	vst v16;
	v12 =	vmul.f32 v54, v50;
	v56 =	vmul.f32 v23, v51  }
0x122: {  	v57 =	vld [tilespmem:s14+$0x0];
	v11 =	vmul.f32 v11, v15;
	v14 =	vmul.f32 v55, v44  }
0x123: {  	v12 =	vsub.f32 $1.500000000e+00, v12;
	v16 =	vsub.f32 $1.500000000e+00, v56  }
0x124: {  	v58 =	vmul.f32 v11, v53;
	v59 =	vmul.f32 v14, v13  }
0x125: {  	[tilespmem:s8+$0xC80] =	vst v11;
	v11 =	vmul.f32 v12, v50;
	v60 =	vmul.f32 v16, v51  }
0x126: {  	v13 =	vmul.f32 v59, v14  }
0x127: {  	[tilespmem:s8+$0x1900] =	vst v58;
	v15 =	vmul.f32 v11, v57;
	v62 =	vmul.f32 v60, v43  }
0x128: {  	v61 =	vld [tilespmem:s26+$0x0];
	[tilespmem:s14+$0xC80] =	vst v11  }
0x129: {  	v11 =	vsub.f32 $1.500000000e+00, v13;
	[tilespmem:s14+$0x1900] =	vst v15;
	v63 =	vmul.f32 v62, v60  }
0x12a: {  	v15 =	vld [tilespmem:s29+$0x0]  }
0x12b: {  	v11 =	vmul.f32 v11, v14;
	v13 =	vsub.f32 $1.500000000e+00, v63;
	_ =	sdelay $0x1  }
0x12c: {  	v14 =	vmul.f32 v11, v61;
	v12 =	vmul.f32 v13, v60  }
0x12d: {  	[tilespmem:s26+$0xC80] =	vst v11  }
0x12e: {  	[tilespmem:s26+$0x1900] =	vst v14;
	v11 =	vmul.f32 v12, v15  }
0x12f: {  	[tilespmem:s29+$0xC80] =	vst v12  }
0x130: {  	s31 =	simm.s32 $0x1900;
	[tilespmem:s29+$0x1900] =	vst v11  }
0x131: {  	[spmem:s12] =	stream.linear.scatter [tilespmem:s31], [sflag:$0x3], $0xC40, $0x38;
	[tilespmem:$0x1E000] =	vst v63  }
0x132: {  	_ =	swait.ge [sflag:s15], $0xC40  }
0x133: {  	[sflag:s15] =	ssyncset.done $0x0  }
0x134: {  	[sflag:s15] =	ssyncadd.s32 $0xFFFFF3C0  }
0x135: {  	[spmem:s11] =	stream.linear.scatter [tilespmem:s21], [sflag:$0x3], $0xC40, $0x38;
	[tilespmem:$0x1E000] =	vst v63  }
0x136: {  	_ =	swait.ge [sflag:s15], $0xC40  }
0x137: {  	[sflag:s15] =	ssyncset.done $0x0  }
0x138: {  	[sflag:s15] =	ssyncadd.s32 $0xFFFFF3C0  }
0x139: {  	[bflag:$0x0] =	sbarrier.arrive $0xFFFF  }
0x13a: {  	[tilespmem:s23], [sflag:$0x1] =	stream.indirect.gather [spmem:s5], $0x1, s16, s22, $0xb8;
	[tilespmem:$0x1E000] =	vst v63  }
0x13b: {  	s4 =	simm.s32 $0x3280  }
0x13c: {  	[tilespmem:s25], [sflag:$0x1] =	stream.indirect.gather [spmem:s5], $0x1, s4, s22, $0xb8;
	[tilespmem:$0x1E000] =	vst v63  }
0x13d: {  	s14 =	simm.s32 $0x3300  }
0x13e: {  	[tilespmem:s28], [sflag:$0x1] =	stream.indirect.gather [spmem:s5], $0x1, s14, s22, $0xb8;
	[tilespmem:$0x1E000] =	vst v63  }
0x13f: {  	s26 =	simm.s32 $0x3380  }
0x140: {  	[tilespmem:s30], [sflag:$0x1] =	stream.indirect.gather [spmem:s5], $0x1, s26, s22, $0xb8;
	[tilespmem:$0x1E000] =	vst v63  }
0x141: {  	s29 =	simm.s32 $0x3400  }
0x142: {  	[tilespmem:s0], [sflag:$0x1] =	stream.indirect.gather [spmem:s5], $0x1, s29, s22, $0xb8;
	[tilespmem:$0x1E000] =	vst v63  }
0x143: {  	_ = 	snop  }
0x144: {  	[tilespmem:s1], [sflag:$0x1] =	stream.indirect.gather [spmem:s5], $0x1, s2, s22, $0xb8;
	[tilespmem:$0x1E000] =	vst v63  }
0x145: {  	_ = 	snop  }
0x146: {  	[tilespmem:s18], [sflag:$0x1] =	stream.indirect.gather [spmem:s5], $0x1, s19, s22, $0xb8;
	[tilespmem:$0x1E000] =	vst v63  }
0x147: {  	s10 =	simm.s32 $0x1;
	s8 =	simm.s32 $0x0  }
0x148: {  	[tilespmem:s20], [sflag:$0x1] =	stream.indirect.gather [spmem:s5], $0x1, s7, s22, $0xb8;
	[tilespmem:$0x1E000] =	vst v63  }
.LBB2_10:
0x149: {  	p1 =	seq.s32 s8, $0x30000  }
0x14a: {  	s4 =	smul.u32 @!p1 $0xAB, s10;
	_ =	sdelay $0x1  }
0x14b: {  	s4 =	sshrl.u32 @!p1 s4, $0x9  }
0x14c: {  	s4 =	sand.u32 @!p1 $0x7F, s4  }
0x14d: {  	s4 =	smul.u32 @!p1 $0x3, s4;
	_ =	sdelay $0x1  }
0x14e: {  	s4 =	ssub.s32 @!p1 s10, s4  }
0x14f: {  	s4 =	sand.u32 @!p1 $0xFF, s4  }
0x150: {  	s13 =	sshra.s32 @!p1 s8, $0x2;
	s4 =	sshll.u32 @!p1 s4, $0xA  }
0x151: {  	s29 =	simm.s32 @!p1 $0x80;
	s26 =	sadd.s32 @!p1 $0x3600, s13;
	s14 =	sadd.s32 @!p1 $0x1BA00, s4  }
0x152: {  	[tilespmem:s14], [sflag:$0x1] =	stream.indirect.gather @!p1 [spmem:s5], $0x1, s26, s29, $0xb8;
	[tilespmem:$0x1E000] =	vst v63  }
0x153: {  	s14 =	sadd.s32 @!p1 $0x1BA80, s4;
	s26 =	sadd.s32 @!p1 $0x3680, s13  }
0x154: {  	[tilespmem:s14], [sflag:$0x1] =	stream.indirect.gather @!p1 [spmem:s5], $0x1, s26, s29, $0xb8;
	[tilespmem:$0x1E000] =	vst v63  }
0x155: {  	s14 =	sadd.s32 @!p1 $0x1BB00, s4;
	s26 =	sadd.s32 @!p1 $0x3700, s13  }
0x156: {  	[tilespmem:s14], [sflag:$0x1] =	stream.indirect.gather @!p1 [spmem:s5], $0x1, s26, s29, $0xb8;
	[tilespmem:$0x1E000] =	vst v63  }
0x157: {  	s14 =	sadd.s32 @!p1 $0x1BB80, s4;
	s26 =	sadd.s32 @!p1 $0x3780, s13  }
0x158: {  	[tilespmem:s14], [sflag:$0x1] =	stream.indirect.gather @!p1 [spmem:s5], $0x1, s26, s29, $0xb8;
	[tilespmem:$0x1E000] =	vst v63  }
0x159: {  	s14 =	sadd.s32 @!p1 $0x1BC00, s4;
	s26 =	sadd.s32 @!p1 $0x3800, s13  }
0x15a: {  	[tilespmem:s14], [sflag:$0x1] =	stream.indirect.gather @!p1 [spmem:s5], $0x1, s26, s29, $0xb8;
	[tilespmem:$0x1E000] =	vst v63  }
0x15b: {  	s14 =	sadd.s32 @!p1 $0x1BC80, s4;
	s26 =	sadd.s32 @!p1 $0x3880, s13  }
0x15c: {  	[tilespmem:s14], [sflag:$0x1] =	stream.indirect.gather @!p1 [spmem:s5], $0x1, s26, s29, $0xb8;
	[tilespmem:$0x1E000] =	vst v63  }
0x15d: {  	s14 =	sadd.s32 @!p1 $0x1BD00, s4;
	s26 =	sadd.s32 @!p1 $0x3900, s13  }
0x15e: {  	[tilespmem:s14], [sflag:$0x1] =	stream.indirect.gather @!p1 [spmem:s5], $0x1, s26, s29, $0xb8;
	[tilespmem:$0x1E000] =	vst v63  }
0x15f: {  	p2 =	seq.s32 @!p1 s8, $0x0;
	s4 =	sadd.s32 @!p1 $0x1BD80, s4;
	s13 =	sadd.s32 @!p1 $0x3980, s13  }
0x160: {  	[tilespmem:s4], [sflag:$0x1] =	stream.indirect.gather @!p1 [spmem:s5], $0x1, s13, s29, $0xb8;
	[tilespmem:$0x1E000] =	vst v63  }
0x161: {  	p1 =	por p1, !p2  }
0x162: {  	_ =	swait.ge @p1 [sflag:s24], $0x80  }
0x163: {  	[sflag:s24] =	ssyncset.done @p1 $0x0  }
0x164: {  	[sflag:s24] =	ssyncadd.s32 @p1 $0xFFFFFF80  }
0x165: {  	_ =	swait.ge @p1 [sflag:s24], $0x80  }
0x166: {  	[sflag:s24] =	ssyncset.done @p1 $0x0  }
0x167: {  	[sflag:s24] =	ssyncadd.s32 @p1 $0xFFFFFF80  }
0x168: {  	_ =	swait.ge @p1 [sflag:s24], $0x80  }
0x169: {  	[sflag:s24] =	ssyncset.done @p1 $0x0  }
0x16a: {  	[sflag:s24] =	ssyncadd.s32 @p1 $0xFFFFFF80  }
0x16b: {  	_ =	swait.ge @p1 [sflag:s24], $0x80  }
0x16c: {  	[sflag:s24] =	ssyncset.done @p1 $0x0  }
0x16d: {  	[sflag:s24] =	ssyncadd.s32 @p1 $0xFFFFFF80  }
0x16e: {  	_ =	swait.ge @p1 [sflag:s24], $0x80  }
0x16f: {  	[sflag:s24] =	ssyncset.done @p1 $0x0  }
0x170: {  	[sflag:s24] =	ssyncadd.s32 @p1 $0xFFFFFF80  }
0x171: {  	_ =	swait.ge @p1 [sflag:s24], $0x80  }
0x172: {  	[sflag:s24] =	ssyncset.done @p1 $0x0  }
0x173: {  	[sflag:s24] =	ssyncadd.s32 @p1 $0xFFFFFF80  }
0x174: {  	_ =	swait.ge @p1 [sflag:s24], $0x80  }
0x175: {  	[sflag:s24] =	ssyncset.done @p1 $0x0  }
0x176: {  	[sflag:s24] =	ssyncadd.s32 @p1 $0xFFFFFF80  }
0x177: {  	_ =	swait.ge @p1 [sflag:s24], $0x80  }
0x178: {  	[sflag:s24] =	ssyncset.done @p1 $0x0  }
0x179: {  	[sflag:s24] =	ssyncadd.s32 @p1 $0xFFFFFF80  }
0x17a: {  	_ =	swait.ge [sflag:s17], $0x80  }
0x17b: {  	[sflag:s17] =	ssyncset.done $0x0  }
0x17c: {  	[sflag:s17] =	ssyncadd.s32 $0xFFFFFF80  }
0x17d: {  	_ =	swait.ge [sflag:s17], $0x80  }
0x17e: {  	[sflag:s17] =	ssyncset.done $0x0  }
0x17f: {  	[sflag:s17] =	ssyncadd.s32 $0xFFFFFF80  }
0x180: {  	_ =	swait.ge [sflag:s17], $0x80  }
0x181: {  	[sflag:s17] =	ssyncset.done $0x0  }
0x182: {  	[sflag:s17] =	ssyncadd.s32 $0xFFFFFF80  }
0x183: {  	_ =	swait.ge [sflag:s17], $0x80  }
0x184: {  	[sflag:s17] =	ssyncset.done $0x0  }
0x185: {  	[sflag:s17] =	ssyncadd.s32 $0xFFFFFF80  }
0x186: {  	s29 =	sadd.s32 $0xFFFFFFFF, s10;
	_ =	swait.ge [sflag:s17], $0x80  }
0x187: {  	s14 =	smul.u32 $0xAB, s29;
	[sflag:s17] =	ssyncset.done $0x0  }
0x188: {  	[sflag:s17] =	ssyncadd.s32 $0xFFFFFF80  }
0x189: {  	s13 =	sshrl.u32 s14, $0x9;
	_ =	swait.ge [sflag:s17], $0x80  }
0x18a: {  	s13 =	sand.u32 $0x7F, s13;
	[sflag:s17] =	ssyncset.done $0x0  }
0x18b: {  	s13 =	smul.u32 $0x3, s13;
	[sflag:s17] =	ssyncadd.s32 $0xFFFFFF80  }
0x18c: {  	_ =	swait.ge [sflag:s17], $0x80  }
0x18d: {  	s4 =	ssub.s32 s29, s13;
	[sflag:s17] =	ssyncset.done $0x0  }
0x18e: {  	s4 =	sand.u32 $0xFF, s4;
	[sflag:s17] =	ssyncadd.s32 $0xFFFFFF80  }
0x18f: {  	s4 =	sshll.u32 s4, $0xC;
	_ =	swait.ge [sflag:s17], $0x80  }
0x190: {  	s13 =	sshra.s32 s8, $0x2;
	s4 =	sshrl.u32 s4, $0x2;
	[sflag:s17] =	ssyncset.done $0x0  }
0x191: {  	s29 =	sadd.s32 $0xF600, s13;
	s26 =	sadd.s32 $0x1BA00, s4;
	[sflag:s17] =	ssyncadd.s32 $0xFFFFFF80  }
0x192: {  	[spmem:s3] =	stream.indirect.scatter.add.f32 [tilespmem:s26], [sflag:$0x2], $0x1, s29, s22, $0xb8;
	[tilespmem:$0x1E000] =	vst v63  }
0x193: {  	s26 =	sadd.s32 $0x1BA80, s4;
	s29 =	sadd.s32 $0xF680, s13  }
0x194: {  	[spmem:s3] =	stream.indirect.scatter.add.f32 [tilespmem:s26], [sflag:$0x2], $0x1, s29, s22, $0xb8;
	[tilespmem:$0x1E000] =	vst v63  }
0x195: {  	s26 =	sadd.s32 $0x1BB00, s4;
	s29 =	sadd.s32 $0xF700, s13  }
0x196: {  	[spmem:s3] =	stream.indirect.scatter.add.f32 [tilespmem:s26], [sflag:$0x2], $0x1, s29, s22, $0xb8;
	[tilespmem:$0x1E000] =	vst v63  }
0x197: {  	s26 =	sadd.s32 $0x1BB80, s4;
	s29 =	sadd.s32 $0xF780, s13  }
0x198: {  	[spmem:s3] =	stream.indirect.scatter.add.f32 [tilespmem:s26], [sflag:$0x2], $0x1, s29, s22, $0xb8;
	[tilespmem:$0x1E000] =	vst v63  }
0x199: {  	s8 =	sadd.s32 $0x1000, s8;
	s26 =	sadd.s32 $0x1BC00, s4;
	s29 =	sadd.s32 $0xF800, s13  }
0x19a: {  	[spmem:s3] =	stream.indirect.scatter.add.f32 [tilespmem:s26], [sflag:$0x2], $0x1, s29, s22, $0xb8;
	[tilespmem:$0x1E000] =	vst v63  }
0x19b: {  	p1 =	sne.s32 s8, $0x31000;
	s26 =	sadd.s32 $0x1BC80, s4;
	s29 =	sadd.s32 $0xF880, s13  }
0x19c: {  	[spmem:s3] =	stream.indirect.scatter.add.f32 [tilespmem:s26], [sflag:$0x2], $0x1, s29, s22, $0xb8;
	[tilespmem:$0x1E000] =	vst v63  }
.Ltmp6:
0x19d: {  	_ = 	snop;
	(pc) =	sbr.rel @p1 .LBB2_10-.Ltmp6, $4  }
0x19e: {  	s26 =	sadd.s32 $0x1BD00, s4;
	s29 =	sadd.s32 $0xF900, s13  }
0x19f: {  	[spmem:s3] =	stream.indirect.scatter.add.f32 [tilespmem:s26], [sflag:$0x2], $0x1, s29, s22, $0xb8;
	[tilespmem:$0x1E000] =	vst v63  }
0x1a0: {  	s10 =	sadd.s32 $0x1, s10;
	s4 =	sadd.s32 $0x1BD80, s4;
	s13 =	sadd.s32 $0xF980, s13  }
0x1a1: {  	[spmem:s3] =	stream.indirect.scatter.add.f32 [tilespmem:s4], [sflag:$0x2], $0x1, s13, s22, $0xb8;
	[tilespmem:$0x1E000] =	vst v63  }
0x1a2: {  	_ =	swait.ge [sflag:s24], $0x80  }
0x1a3: {  	[sflag:s24] =	ssyncset.done $0x0  }
0x1a4: {  	[sflag:s24] =	ssyncadd.s32 $0xFFFFFF80  }
0x1a5: {  	_ =	swait.ge [sflag:s24], $0x80  }
0x1a6: {  	[sflag:s24] =	ssyncset.done $0x0  }
0x1a7: {  	[sflag:s24] =	ssyncadd.s32 $0xFFFFFF80  }
0x1a8: {  	_ =	swait.ge [sflag:s24], $0x80  }
0x1a9: {  	[sflag:s24] =	ssyncset.done $0x0  }
0x1aa: {  	[sflag:s24] =	ssyncadd.s32 $0xFFFFFF80  }
0x1ab: {  	_ =	swait.ge [sflag:s24], $0x80  }
0x1ac: {  	[sflag:s24] =	ssyncset.done $0x0  }
0x1ad: {  	[sflag:s24] =	ssyncadd.s32 $0xFFFFFF80  }
0x1ae: {  	_ =	swait.ge [sflag:s24], $0x80  }
0x1af: {  	[sflag:s24] =	ssyncset.done $0x0  }
0x1b0: {  	[sflag:s24] =	ssyncadd.s32 $0xFFFFFF80  }
0x1b1: {  	_ =	swait.ge [sflag:s24], $0x80  }
0x1b2: {  	[sflag:s24] =	ssyncset.done $0x0  }
0x1b3: {  	[sflag:s24] =	ssyncadd.s32 $0xFFFFFF80  }
0x1b4: {  	_ =	swait.ge [sflag:s24], $0x80  }
0x1b5: {  	[sflag:s24] =	ssyncset.done $0x0  }
0x1b6: {  	[sflag:s24] =	ssyncadd.s32 $0xFFFFFF80  }
0x1b7: {  	_ =	swait.ge [sflag:s24], $0x80  }
0x1b8: {  	[sflag:s24] =	ssyncset.done $0x0  }
0x1b9: {  	[sflag:s24] =	ssyncadd.s32 $0xFFFFFF80  }
0x1ba: {  	[bflag:$0x0] =	sbarrier.arrive $0xFFFF  }
0x1bb: {  	[tilespmem:s21], [sflag:$0x3] =	stream.linear.gather [spmem:s11], $0xC40, $0x38;
	[tilespmem:$0x1E000] =	vst v63  }
0x1bc: {  	_ =	swait.ge [sflag:s15], $0xC40  }
0x1bd: {  	[sflag:s15] =	ssyncset.done $0x0  }
0x1be: {  	s8 =	simm.s32 $0x0;
	[sflag:s15] =	ssyncadd.s32 $0xFFFFF3C0  }
0x1bf: {  	v7 =	vadd.f32 v7, v9;
	v8 =	vadd.f32 v10, v8;
	s10 =	simm.s32 $0x40;
	v9 =	vld [tilespmem:s8+$0x2580]  }
.LBB2_12:
0x1c0: {  	p1 =	sne.s32 s10, $0x30C0;
	v10 =	vld [tilespmem:s8+$0x1900];
	[tilespmem:s8+$0x2580] =	vst v5;
	_ =	sdelay $0x1  }
0x1c1: {  	v11 =	vld [tilespmem:s8+$0xC80];
	_ =	sdelay $0x2  }
0x1c2: {  	v9 =	vadd.f32 v10, v9;
	_ =	sdelay $0x1  }
0x1c3: {  	v9 =	vmul.f32 v9, v11;
	_ =	sdelay $0x1  }
0x1c4: {  	v10 =	vxor.u32 $0x80000000, v9  }
0x1c5: {  	v9 =	vmax.f32 v9, $0.0e+00;
	v10 =	vmax.f32 v10, $0.0e+00  }
0x1c6: {  	v9 =	vmul.f32 v9, v7;
	v10 =	vmul.f32 v10, v8;
	_ =	sdelay $0x1  }
.Ltmp7:
0x1c7: {  	v9 =	vadd.f32 v10, v9;
	(pc) =	sbr.rel @p1 .LBB2_12-.Ltmp7, $4  }
0x1c8: {  	_ = 	snop  }
0x1c9: {  	v10 =	vmul.f32 v9, v11  }
0x1ca: {  	s4 =	sshra.s32 s10, $0x2  }
0x1cb: {  	s10 =	sadd.s32 $0x40, s10;
	v9 =	vld [tilespmem:s4+$0x2580];
	[tilespmem:s8+$0x1900] =	vst v10;
	s8 =	smov.u32 s4  }
0x1cc: {  	v10 =	vld [tilespmem:s8+$0x1900];
	_ =	sdelay $0x1  }
0x1cd: {  	v11 =	vld [tilespmem:s8+$0xC80];
	_ =	sdelay $0x2  }
0x1ce: {  	v9 =	vadd.f32 v10, v9;
	_ =	sdelay $0x1  }
0x1cf: {  	v9 =	vmul.f32 v9, v11;
	_ =	sdelay $0x1  }
0x1d0: {  	v63 =	vxor.u32 $0x80000000, v9  }
0x1d1: {  	v9 =	vmax.f32 v9, $0.0e+00;
	v10 =	vmax.f32 v63, $0.0e+00  }
0x1d2: {  	v7 =	vmul.f32 v9, v7;
	v8 =	vmul.f32 v10, v8;
	_ =	sdelay $0x1  }
0x1d3: {  	v7 =	vadd.f32 v8, v7;
	_ =	sdelay $0x1  }
0x1d4: {  	v7 =	vmul.f32 v7, v11  }
0x1d5: {  	[tilespmem:s8+$0x2580] =	vst v5  }
0x1d6: {  	[tilespmem:s8+$0x1900] =	vst v7  }
0x1d7: {  	[spmem:s12] =	stream.linear.scatter [tilespmem:s31], [sflag:$0x3], $0xC40, $0x38;
	[tilespmem:$0x1E000] =	vst v63  }
0x1d8: {  	_ =	swait.ge [sflag:s15], $0xC40  }
0x1d9: {  	[sflag:s15] =	ssyncset.done $0x0  }
0x1da: {  	[sflag:s15] =	ssyncadd.s32 $0xFFFFF3C0  }
0x1db: {  	[spmem:s11] =	stream.linear.scatter [tilespmem:s21], [sflag:$0x3], $0xC40, $0x38;
	[tilespmem:$0x1E000] =	vst v63  }
0x1dc: {  	_ =	swait.ge [sflag:s15], $0xC40  }
0x1dd: {  	[sflag:s15] =	ssyncset.done $0x0  }
0x1de: {  	[sflag:s15] =	ssyncadd.s32 $0xFFFFF3C0  }
0x1df: {  	[bflag:$0x0] =	sbarrier.arrive $0xFFFF  }
0x1e0: {  	[tilespmem:s23], [sflag:$0x1] =	stream.indirect.gather [spmem:s5], $0x1, s16, s22, $0xb8;
	[tilespmem:$0x1E000] =	vst v63  }
0x1e1: {  	s4 =	simm.s32 $0x3280  }
0x1e2: {  	[tilespmem:s25], [sflag:$0x1] =	stream.indirect.gather [spmem:s5], $0x1, s4, s22, $0xb8;
	[tilespmem:$0x1E000] =	vst v63  }
0x1e3: {  	s26 =	simm.s32 $0x3300  }
0x1e4: {  	[tilespmem:s28], [sflag:$0x1] =	stream.indirect.gather [spmem:s5], $0x1, s26, s22, $0xb8;
	[tilespmem:$0x1E000] =	vst v63  }
0x1e5: {  	s29 =	simm.s32 $0x3380  }
0x1e6: {  	[tilespmem:s30], [sflag:$0x1] =	stream.indirect.gather [spmem:s5], $0x1, s29, s22, $0xb8;
	[tilespmem:$0x1E000] =	vst v63  }
0x1e7: {  	s31 =	simm.s32 $0x3400  }
0x1e8: {  	[tilespmem:s0], [sflag:$0x1] =	stream.indirect.gather [spmem:s5], $0x1, s31, s22, $0xb8;
	[tilespmem:$0x1E000] =	vst v63  }
0x1e9: {  	_ = 	snop  }
0x1ea: {  	[tilespmem:s1], [sflag:$0x1] =	stream.indirect.gather [spmem:s5], $0x1, s2, s22, $0xb8;
	[tilespmem:$0x1E000] =	vst v63  }
0x1eb: {  	_ = 	snop  }
0x1ec: {  	[tilespmem:s18], [sflag:$0x1] =	stream.indirect.gather [spmem:s5], $0x1, s19, s22, $0xb8;
	[tilespmem:$0x1E000] =	vst v63  }
0x1ed: {  	s10 =	simm.s32 $0x1;
	s8 =	simm.s32 $0x0  }
0x1ee: {  	[tilespmem:s20], [sflag:$0x1] =	stream.indirect.gather [spmem:s5], $0x1, s7, s22, $0xb8;
	[tilespmem:$0x1E000] =	vst v63  }
.LBB2_14:
0x1ef: {  	p1 =	seq.s32 s8, $0x30000  }
0x1f0: {  	s4 =	smul.u32 @!p1 $0xAB, s10;
	_ =	sdelay $0x1  }
0x1f1: {  	s4 =	sshrl.u32 @!p1 s4, $0x9  }
0x1f2: {  	s4 =	sand.u32 @!p1 $0x7F, s4  }
0x1f3: {  	s4 =	smul.u32 @!p1 $0x3, s4;
	_ =	sdelay $0x1  }
0x1f4: {  	s4 =	ssub.s32 @!p1 s10, s4  }
0x1f5: {  	s4 =	sand.u32 @!p1 $0xFF, s4  }
0x1f6: {  	s13 =	sshra.s32 @!p1 s8, $0x2;
	s4 =	sshll.u32 @!p1 s4, $0xA  }
0x1f7: {  	s29 =	simm.s32 @!p1 $0x80;
	s26 =	sadd.s32 @!p1 $0x3600, s13;
	s14 =	sadd.s32 @!p1 $0x1BA00, s4  }
0x1f8: {  	[tilespmem:s14], [sflag:$0x1] =	stream.indirect.gather @!p1 [spmem:s5], $0x1, s26, s29, $0xb8;
	[tilespmem:$0x1E000] =	vst v63  }
0x1f9: {  	s14 =	sadd.s32 @!p1 $0x1BA80, s4;
	s26 =	sadd.s32 @!p1 $0x3680, s13  }
0x1fa: {  	[tilespmem:s14], [sflag:$0x1] =	stream.indirect.gather @!p1 [spmem:s5], $0x1, s26, s29, $0xb8;
	[tilespmem:$0x1E000] =	vst v63  }
0x1fb: {  	s14 =	sadd.s32 @!p1 $0x1BB00, s4;
	s26 =	sadd.s32 @!p1 $0x3700, s13  }
0x1fc: {  	[tilespmem:s14], [sflag:$0x1] =	stream.indirect.gather @!p1 [spmem:s5], $0x1, s26, s29, $0xb8;
	[tilespmem:$0x1E000] =	vst v63  }
0x1fd: {  	s14 =	sadd.s32 @!p1 $0x1BB80, s4;
	s26 =	sadd.s32 @!p1 $0x3780, s13  }
0x1fe: {  	[tilespmem:s14], [sflag:$0x1] =	stream.indirect.gather @!p1 [spmem:s5], $0x1, s26, s29, $0xb8;
	[tilespmem:$0x1E000] =	vst v63  }
0x1ff: {  	s14 =	sadd.s32 @!p1 $0x1BC00, s4;
	s26 =	sadd.s32 @!p1 $0x3800, s13  }
0x200: {  	[tilespmem:s14], [sflag:$0x1] =	stream.indirect.gather @!p1 [spmem:s5], $0x1, s26, s29, $0xb8;
	[tilespmem:$0x1E000] =	vst v63  }
0x201: {  	s14 =	sadd.s32 @!p1 $0x1BC80, s4;
	s26 =	sadd.s32 @!p1 $0x3880, s13  }
0x202: {  	[tilespmem:s14], [sflag:$0x1] =	stream.indirect.gather @!p1 [spmem:s5], $0x1, s26, s29, $0xb8;
	[tilespmem:$0x1E000] =	vst v63  }
0x203: {  	s14 =	sadd.s32 @!p1 $0x1BD00, s4;
	s26 =	sadd.s32 @!p1 $0x3900, s13  }
0x204: {  	[tilespmem:s14], [sflag:$0x1] =	stream.indirect.gather @!p1 [spmem:s5], $0x1, s26, s29, $0xb8;
	[tilespmem:$0x1E000] =	vst v63  }
0x205: {  	p2 =	seq.s32 @!p1 s8, $0x0;
	s4 =	sadd.s32 @!p1 $0x1BD80, s4;
	s13 =	sadd.s32 @!p1 $0x3980, s13  }
0x206: {  	[tilespmem:s4], [sflag:$0x1] =	stream.indirect.gather @!p1 [spmem:s5], $0x1, s13, s29, $0xb8;
	[tilespmem:$0x1E000] =	vst v63  }
0x207: {  	p1 =	por p1, !p2  }
0x208: {  	_ =	swait.ge @p1 [sflag:s24], $0x80  }
0x209: {  	[sflag:s24] =	ssyncset.done @p1 $0x0  }
0x20a: {  	[sflag:s24] =	ssyncadd.s32 @p1 $0xFFFFFF80  }
0x20b: {  	_ =	swait.ge @p1 [sflag:s24], $0x80  }
0x20c: {  	[sflag:s24] =	ssyncset.done @p1 $0x0  }
0x20d: {  	[sflag:s24] =	ssyncadd.s32 @p1 $0xFFFFFF80  }
0x20e: {  	_ =	swait.ge @p1 [sflag:s24], $0x80  }
0x20f: {  	[sflag:s24] =	ssyncset.done @p1 $0x0  }
0x210: {  	[sflag:s24] =	ssyncadd.s32 @p1 $0xFFFFFF80  }
0x211: {  	_ =	swait.ge @p1 [sflag:s24], $0x80  }
0x212: {  	[sflag:s24] =	ssyncset.done @p1 $0x0  }
0x213: {  	[sflag:s24] =	ssyncadd.s32 @p1 $0xFFFFFF80  }
0x214: {  	_ =	swait.ge @p1 [sflag:s24], $0x80  }
0x215: {  	[sflag:s24] =	ssyncset.done @p1 $0x0  }
0x216: {  	[sflag:s24] =	ssyncadd.s32 @p1 $0xFFFFFF80  }
0x217: {  	_ =	swait.ge @p1 [sflag:s24], $0x80  }
0x218: {  	[sflag:s24] =	ssyncset.done @p1 $0x0  }
0x219: {  	[sflag:s24] =	ssyncadd.s32 @p1 $0xFFFFFF80  }
0x21a: {  	_ =	swait.ge @p1 [sflag:s24], $0x80  }
0x21b: {  	[sflag:s24] =	ssyncset.done @p1 $0x0  }
0x21c: {  	[sflag:s24] =	ssyncadd.s32 @p1 $0xFFFFFF80  }
0x21d: {  	_ =	swait.ge @p1 [sflag:s24], $0x80  }
0x21e: {  	[sflag:s24] =	ssyncset.done @p1 $0x0  }
0x21f: {  	[sflag:s24] =	ssyncadd.s32 @p1 $0xFFFFFF80  }
0x220: {  	_ =	swait.ge [sflag:s17], $0x80  }
0x221: {  	[sflag:s17] =	ssyncset.done $0x0  }
0x222: {  	[sflag:s17] =	ssyncadd.s32 $0xFFFFFF80  }
0x223: {  	_ =	swait.ge [sflag:s17], $0x80  }
0x224: {  	[sflag:s17] =	ssyncset.done $0x0  }
0x225: {  	[sflag:s17] =	ssyncadd.s32 $0xFFFFFF80  }
0x226: {  	_ =	swait.ge [sflag:s17], $0x80  }
0x227: {  	[sflag:s17] =	ssyncset.done $0x0  }
0x228: {  	[sflag:s17] =	ssyncadd.s32 $0xFFFFFF80  }
0x229: {  	_ =	swait.ge [sflag:s17], $0x80  }
0x22a: {  	[sflag:s17] =	ssyncset.done $0x0  }
0x22b: {  	[sflag:s17] =	ssyncadd.s32 $0xFFFFFF80  }
0x22c: {  	s14 =	sadd.s32 $0xFFFFFFFF, s10;
	_ =	swait.ge [sflag:s17], $0x80  }
0x22d: {  	s26 =	smul.u32 $0xAB, s14;
	[sflag:s17] =	ssyncset.done $0x0  }
0x22e: {  	[sflag:s17] =	ssyncadd.s32 $0xFFFFFF80  }
0x22f: {  	s13 =	sshrl.u32 s26, $0x9;
	_ =	swait.ge [sflag:s17], $0x80  }
0x230: {  	s13 =	sand.u32 $0x7F, s13;
	[sflag:s17] =	ssyncset.done $0x0  }
0x231: {  	s13 =	smul.u32 $0x3, s13;
	[sflag:s17] =	ssyncadd.s32 $0xFFFFFF80  }
0x232: {  	_ =	swait.ge [sflag:s17], $0x80  }
0x233: {  	s4 =	ssub.s32 s14, s13;
	[sflag:s17] =	ssyncset.done $0x0  }
0x234: {  	s4 =	sand.u32 $0xFF, s4;
	[sflag:s17] =	ssyncadd.s32 $0xFFFFFF80  }
0x235: {  	s4 =	sshll.u32 s4, $0xC;
	_ =	swait.ge [sflag:s17], $0x80  }
0x236: {  	s13 =	sshra.s32 s8, $0x2;
	s4 =	sshrl.u32 s4, $0x2;
	[sflag:s17] =	ssyncset.done $0x0  }
0x237: {  	s31 =	sadd.s32 $0xF600, s13;
	s29 =	sadd.s32 $0x1BA00, s4;
	[sflag:s17] =	ssyncadd.s32 $0xFFFFFF80  }
0x238: {  	[spmem:s3] =	stream.indirect.scatter.add.f32 [tilespmem:s29], [sflag:$0x2], $0x1, s31, s22, $0xb8;
	[tilespmem:$0x1E000] =	vst v63  }
0x239: {  	s29 =	sadd.s32 $0x1BA80, s4;
	s31 =	sadd.s32 $0xF680, s13  }
0x23a: {  	[spmem:s3] =	stream.indirect.scatter.add.f32 [tilespmem:s29], [sflag:$0x2], $0x1, s31, s22, $0xb8;
	[tilespmem:$0x1E000] =	vst v63  }
0x23b: {  	s29 =	sadd.s32 $0x1BB00, s4;
	s31 =	sadd.s32 $0xF700, s13  }
0x23c: {  	[spmem:s3] =	stream.indirect.scatter.add.f32 [tilespmem:s29], [sflag:$0x2], $0x1, s31, s22, $0xb8;
	[tilespmem:$0x1E000] =	vst v63  }
0x23d: {  	s29 =	sadd.s32 $0x1BB80, s4;
	s31 =	sadd.s32 $0xF780, s13  }
0x23e: {  	[spmem:s3] =	stream.indirect.scatter.add.f32 [tilespmem:s29], [sflag:$0x2], $0x1, s31, s22, $0xb8;
	[tilespmem:$0x1E000] =	vst v63  }
0x23f: {  	s8 =	sadd.s32 $0x1000, s8;
	s29 =	sadd.s32 $0x1BC00, s4;
	s31 =	sadd.s32 $0xF800, s13  }
0x240: {  	[spmem:s3] =	stream.indirect.scatter.add.f32 [tilespmem:s29], [sflag:$0x2], $0x1, s31, s22, $0xb8;
	[tilespmem:$0x1E000] =	vst v63  }
0x241: {  	p1 =	sne.s32 s8, $0x31000;
	s29 =	sadd.s32 $0x1BC80, s4;
	s31 =	sadd.s32 $0xF880, s13  }
0x242: {  	[spmem:s3] =	stream.indirect.scatter.add.f32 [tilespmem:s29], [sflag:$0x2], $0x1, s31, s22, $0xb8;
	[tilespmem:$0x1E000] =	vst v63  }
.Ltmp8:
0x243: {  	_ = 	snop;
	(pc) =	sbr.rel @p1 .LBB2_14-.Ltmp8, $4  }
0x244: {  	s29 =	sadd.s32 $0x1BD00, s4;
	s31 =	sadd.s32 $0xF900, s13  }
0x245: {  	[spmem:s3] =	stream.indirect.scatter.add.f32 [tilespmem:s29], [sflag:$0x2], $0x1, s31, s22, $0xb8;
	[tilespmem:$0x1E000] =	vst v63  }
0x246: {  	s10 =	sadd.s32 $0x1, s10;
	s4 =	sadd.s32 $0x1BD80, s4;
	s13 =	sadd.s32 $0xF980, s13  }
0x247: {  	[spmem:s3] =	stream.indirect.scatter.add.f32 [tilespmem:s4], [sflag:$0x2], $0x1, s13, s22, $0xb8;
	[tilespmem:$0x1E000] =	vst v63  }
0x248: {  	_ =	swait.ge [sflag:s24], $0x80  }
0x249: {  	[sflag:s24] =	ssyncset.done $0x0  }
0x24a: {  	[sflag:s24] =	ssyncadd.s32 $0xFFFFFF80  }
0x24b: {  	_ =	swait.ge [sflag:s24], $0x80  }
0x24c: {  	[sflag:s24] =	ssyncset.done $0x0  }
0x24d: {  	[sflag:s24] =	ssyncadd.s32 $0xFFFFFF80  }
0x24e: {  	_ =	swait.ge [sflag:s24], $0x80  }
0x24f: {  	[sflag:s24] =	ssyncset.done $0x0  }
0x250: {  	[sflag:s24] =	ssyncadd.s32 $0xFFFFFF80  }
0x251: {  	_ =	swait.ge [sflag:s24], $0x80  }
0x252: {  	[sflag:s24] =	ssyncset.done $0x0  }
0x253: {  	[sflag:s24] =	ssyncadd.s32 $0xFFFFFF80  }
0x254: {  	_ =	swait.ge [sflag:s24], $0x80  }
0x255: {  	[sflag:s24] =	ssyncset.done $0x0  }
0x256: {  	[sflag:s24] =	ssyncadd.s32 $0xFFFFFF80  }
0x257: {  	_ =	swait.ge [sflag:s24], $0x80  }
0x258: {  	[sflag:s24] =	ssyncset.done $0x0  }
0x259: {  	[sflag:s24] =	ssyncadd.s32 $0xFFFFFF80  }
0x25a: {  	_ =	swait.ge [sflag:s24], $0x80  }
0x25b: {  	[sflag:s24] =	ssyncset.done $0x0  }
0x25c: {  	[sflag:s24] =	ssyncadd.s32 $0xFFFFFF80  }
.Ltmp9:
0x25d: {  	_ =	swait.ge [sflag:s24], $0x80;
	(pc) =	sbr.rel @p0 .LBB2_19-.Ltmp9, $4  }
0x25e: {  	[sflag:s24] =	ssyncset.done $0x0  }
0x25f: {  	[sflag:s24] =	ssyncadd.s32 $0xFFFFFF80  }
0x260: {  	[bflag:$0x0] =	sbarrier.arrive $0xFFFF  }
0x261: {  	s13 =	simm.s32 $0xF600  }
0x262: {  	[tilespmem:s21], [sflag:$0x3] =	stream.linear.gather [spmem:s11], $0xC40, $0x38;
	[tilespmem:$0x1E000] =	vst v63  }
0x263: {  	_ =	swait.ge [sflag:s15], $0xC40  }
0x264: {  	[sflag:s15] =	ssyncset.done $0x0  }
0x265: {  	s8 =	simm.s32 $0x0;
	[sflag:s15] =	ssyncadd.s32 $0xFFFFF3C0  }
0x266: {  	s10 =	simm.s32 $0x40;
	v7 =	vld [tilespmem:s8+$0x1900]  }
.LBB2_17:
0x267: {  	p1 =	sne.s32 s10, $0x30C0;
	v8 =	vld [tilespmem:s8+$0x2580];
	_ =	sdelay $0x1  }
0x268: {  	v9 =	vld [tilespmem:s8+$0xC80];
	_ =	sdelay $0x2  }
0x269: {  	v7 =	vadd.f32 v7, v8;
	_ =	sdelay $0x1  }
0x26a: {  	v7 =	vmul.f32 v7, v9;
	_ =	sdelay $0x1  }
.Ltmp10:
0x26b: {  	v7 =	vadd.f32 v7, v6;
	(pc) =	sbr.rel @p1 .LBB2_17-.Ltmp10, $4  }
0x26c: {  	_ = 	snop  }
0x26d: {  	v8 =	vsub.f32 v7, v7  }
0x26e: {  	s4 =	sshra.s32 s10, $0x2  }
0x26f: {  	s10 =	sadd.s32 $0x40, s10;
	v7 =	vld [tilespmem:s4+$0x1900];
	[tilespmem:s8+$0x2580] =	vst v8;
	s8 =	smov.u32 s4  }
.Ltmp11:
0x270: {  	_ = 	snop;
	(pc) =	sbr.rel .LBB2_18-.Ltmp11, $1  }
0x271: {  	_ =	sdelay $0x3  }
.LBB2_20:
0x272: {  	_ =	sfence.sel $0x180000  }
0x273: {  	[bflag:$0x0] =	sbarrier.arrive $0xFFFF  }
0x274: {  	_ =	strace $0x90000047  }
0x275: {  	s0 =	stileid.u32;
	[bflag:$0x2] =	sbarrier.arrive $0xFFFF  }
0x276: {  	p0 =	sne.s32 s0, $0x0;
	s0 =	rddreg [dreg:$0x5]  }
0x277: {  	s0 =	sadd.s32 @!p0 $0x100000, s0  }
0x278: {  	[sflag:s0] =	ssyncadd.tile.s32 @!p0 $0x1;
	_ =	shalt  }
.Lfunc_end2:
_tile_overlayer_lowered:
.L_overlay_start_2:
0x279: {  	(tag) =	ssettag $0x2  }
0x27a: {  	s0 =	rddreg [dreg:$0x0];
	s2 =	stileid.u32  }
0x27b: {  	s1 =	rddreg [dreg:$0x1];
	p0 =	sne.s32 s2, $0x0  }
0x27c: {  	s3 =	rddreg [dreg:$0x2];
	[bflag:$0x3] =	sbarrier.arrive $0xFFFF;
	s2 =	simm.s32 @!p0 $0x1C03  }
0x27d: {  	[timem:s3], [sflag:s2] =	dma.local @!p0 [hbm:s0], s1  }
0x27e: {  	s0 =	simm.s32 @!p0 $0x3  }
0x27f: {  	_ =	swait.ge @!p0 [sflag:s0], s1  }
0x280: {  	s1 =	ssub.s32 @!p0 $0x0, s1;
	[sflag:s0] =	ssyncset.done @!p0 $0x0  }
0x281: {  	[sflag:s0] =	ssyncadd.s32 @!p0 s1  }
0x282: {  	[bflag:$0x3] =	sbarrier.arrive $0xFFFF  }
0x283: {  	_ =	shalt  }

</sc_bundles>
